<compile_context>
chip_gen: v7x
topology: tpu7x:2x2x1
jax: 0.10.2.dev20260603
libtpu: 0.0.44.dev20260713+nightly
codegen_flags: <defaults>
</compile_context>

<pallas_src>
import functools

import jax
import jax.numpy as jnp
from jax import lax
from jax.experimental import pallas as pl
from jax.experimental.pallas import tpu as pltpu
from jax.experimental.pallas import tpu_sc as plsc

EMBED_DIM = 384
D3 = EMBED_DIM // 3
N = 48
BB = 128
NTILES = 32
LANES = 16
GROUPS = BB // LANES

_INF = float("inf")



def _sc_body(xs_hbm, ys_hbm, zs_hbm, cd_hbm, m1_hbm, m2_hbm, m3_hbm,
             xv, yv, zv, cdv, m1v, m2v, m3v):
    wid = lax.axis_index("s") * 2 + lax.axis_index("c")
    pltpu.sync_copy(xs_hbm.at[wid], xv)
    pltpu.sync_copy(ys_hbm.at[wid], yv)
    pltpu.sync_copy(zs_hbm.at[wid], zv)

    for g in range(GROUPS):
        lane = pl.ds(g * LANES, LANES)
        zero = jnp.zeros((LANES,), jnp.float32)

        def csum(i, carry):
            sx, sy, sz = carry
            return (sx + xv[i, lane], sy + yv[i, lane], sz + zv[i, lane])

        sx, sy, sz = lax.fori_loop(0, N, csum, (zero, zero, zero))
        cx = sx * (1.0 / N)
        cy = sy * (1.0 / N)
        cz = sz * (1.0 / N)

        def pbody(i, carry):
            xi = xv[i, lane]
            yi = yv[i, lane]
            zi = zv[i, lane]
            dcx = xi - cx
            dcy = yi - cy
            dcz = zi - cz
            cdv[i, lane] = dcx * dcx + dcy * dcy + dcz * dcz

            def jbody(jj, ms):
                m1, m2, m3, m4 = ms
                for u in range(4):
                    j = jj * 4 + u
                    dx = xi - xv[j, lane]
                    dy = yi - yv[j, lane]
                    dz = zi - zv[j, lane]
                    d = dx * dx + dy * dy + dz * dz
                    a = jnp.maximum(m1, d)
                    m1 = jnp.minimum(m1, d)
                    b = jnp.maximum(m2, a)
                    m2 = jnp.minimum(m2, a)
                    e = jnp.maximum(m3, b)
                    m3 = jnp.minimum(m3, b)
                    m4 = jnp.minimum(m4, e)
                return (m1, m2, m3, m4)

            inf = jnp.full((LANES,), _INF, jnp.float32)
            m1, m2, m3, m4 = lax.fori_loop(0, N // 4, jbody,
                                           (inf, inf, inf, inf))
            m1v[i, lane] = m2
            m2v[i, lane] = m3
            m3v[i, lane] = m4
            return carry

        lax.fori_loop(0, N, pbody, 0)

    pltpu.sync_copy(cdv, cd_hbm.at[wid])
    pltpu.sync_copy(m1v, m1_hbm.at[wid])
    pltpu.sync_copy(m2v, m2_hbm.at[wid])
    pltpu.sync_copy(m3v, m3_hbm.at[wid])


def _sc_scalars(xs_rt, ys_rt, zs_rt):
    mesh = plsc.VectorSubcoreMesh(core_axis_name="c", subcore_axis_name="s")
    slab = jax.ShapeDtypeStruct((NTILES, N, BB), jnp.float32)
    run = functools.partial(
        pl.kernel,
        mesh=mesh,
        out_type=(slab, slab, slab, slab),
        scratch_types=[pltpu.VMEM((N, BB), jnp.float32)] * 7,
    )(_sc_body)
    return run(xs_rt, ys_rt, zs_rt)



def _tc_block(cd_ref, m1_ref, m2_ref, m3_ref, wdist_ref, bdist_ref, emb_ref,
              wdens_ref, bdens_ref, wout_ref, bout_ref, out_ref):
    cd = jnp.sqrt(cd_ref[0])
    ld = (jnp.sqrt(m1_ref[0]) + jnp.sqrt(m2_ref[0])
          + jnp.sqrt(m3_ref[0])) * (1.0 / 3.0)

    wout = wout_ref[...]
    w_lo = wout[0:D3, :]
    w_mid = wout[D3:2 * D3, :]
    w_hi = wout[2 * D3:3 * D3, :]
    v1 = jnp.dot(wdist_ref[...], w_lo, preferred_element_type=jnp.float32)
    v2 = jnp.dot(wdens_ref[...], w_hi, preferred_element_type=jnp.float32)
    cvec = (jnp.dot(bdist_ref[...], w_lo, preferred_element_type=jnp.float32)
            + jnp.dot(emb_ref[...], w_mid, preferred_element_type=jnp.float32)
            + jnp.dot(bdens_ref[...], w_hi, preferred_element_type=jnp.float32)
            + bout_ref[...])

    cd_t = jnp.transpose(cd, (1, 0))[:, :, None]
    ld_t = jnp.transpose(ld, (1, 0))[:, :, None]
    out_ref[...] = (cd_t * v1[None, :, :] + ld_t * v2[None, :, :]
                    + cvec[None, :, :])


def _tc_expand(cdsq, m1s, m2s, m3s, W_dist, b_dist, emb_row, W_dens, b_dens,
               W_out, b_out, Bv):
    slab_spec = pl.BlockSpec((1, N, BB), lambda i: (i, 0, 0))
    vec_spec = pl.BlockSpec((1, D3), lambda i: (0, 0))
    return pl.pallas_call(
        _tc_block,
        grid=(Bv // BB,),
        in_specs=[slab_spec, slab_spec, slab_spec, slab_spec,
                  vec_spec, vec_spec, vec_spec, vec_spec, vec_spec,
                  pl.BlockSpec((EMBED_DIM, EMBED_DIM), lambda i: (0, 0)),
                  pl.BlockSpec((1, EMBED_DIM), lambda i: (0, 0))],
        out_specs=pl.BlockSpec((BB, N, EMBED_DIM), lambda i: (i, 0, 0)),
        out_shape=jax.ShapeDtypeStruct((Bv, N, EMBED_DIM), jnp.float32),
    )(cdsq, m1s, m2s, m3s, W_dist, b_dist.reshape(1, D3), emb_row,
      W_dens, b_dens.reshape(1, D3), W_out, b_out.reshape(1, EMBED_DIM))


@jax.jit
def kernel(points, W_dist, b_dist, emb_count, W_dens, b_dens, W_out, b_out):
    Bv = points.shape[0]
    pts_t = jnp.transpose(points, (2, 1, 0))
    slabs = pts_t.reshape(3, N, NTILES, BB).transpose(0, 2, 1, 3)
    xs_rt, ys_rt, zs_rt = slabs[0], slabs[1], slabs[2]
    cdsq, m1s, m2s, m3s = _sc_scalars(xs_rt, ys_rt, zs_rt)
    emb_row = emb_count[N:N + 1, :]
    return _tc_expand(cdsq, m1s, m2s, m3s, W_dist, b_dist, emb_row,
                      W_dens, b_dens, W_out, b_out, Bv)

# --- scband reference (transcript-rebuilt; emitter-appended) ---
"""Pipeline reference for scband-no-relative-position-features-16587163697707 (READ-ONLY COPY).

The authoritative reference and input builder live on the scoring server;
editing this copy changes nothing except your own understanding.
"""

import jax, jax.numpy as jnp
import numpy as np

EMBED_DIM = 384
D3 = EMBED_DIM // 3  # 128
B, N = 4096, 48


def setup_inputs(seed: int = 0) -> dict:
    key = jax.random.key(seed)
    ks = jax.random.split(key, 8)
    points = jax.random.normal(ks[0], (B, N, 3), dtype=jnp.float32)
    W_dist = jax.random.normal(ks[1], (1, D3), dtype=jnp.float32) * 0.5
    b_dist = jnp.zeros((D3,), dtype=jnp.float32)
    emb_count = jax.random.normal(ks[2], (50, D3), dtype=jnp.float32) * 0.02
    W_dens = jax.random.normal(ks[3], (1, D3), dtype=jnp.float32) * 0.5
    b_dens = jnp.zeros((D3,), dtype=jnp.float32)
    W_out = jax.random.normal(ks[4], (3 * D3, EMBED_DIM), dtype=jnp.float32) * 0.05
    b_out = jnp.zeros((EMBED_DIM,), dtype=jnp.float32)
    return {"points": points, "W_dist": W_dist, "b_dist": b_dist,
            "emb_count": emb_count, "W_dens": W_dens, "b_dens": b_dens,
            "W_out": W_out, "b_out": b_out}


def reference(points, W_dist, b_dist, emb_count, W_dens, b_dens, W_out, b_out):
    Bv, Nv, _ = points.shape
    # centroid (mask=None path)
    centroid = jnp.mean(points, axis=1, keepdims=True)
    relative_pos = points - centroid
    centroid_dist = jnp.linalg.norm(relative_pos, axis=-1, keepdims=True)  # [B,N,1]
    dist_features = centroid_dist @ W_dist + b_dist  # [B,N,D3]
    # point count embedding (n_valid = N for all batches)
    n_valid = jnp.full((Bv,), Nv, dtype=jnp.int32)
    count_emb = jnp.take(emb_count, n_valid, axis=0)  # [B,D3]
    count_features = jnp.broadcast_to(count_emb[:, None, :], (Bv, Nv, count_emb.shape[-1]))
    # local density via pairwise cdist + 3-NN mean
    diff = points[:, :, None, :] - points[:, None, :, :]  # [B,N,N,3]
    dsq = jnp.sum(diff * diff, axis=-1)  # [B,N,N]
    eye = jnp.eye(Nv, dtype=bool)
    dsq = jnp.where(eye[None, :, :], jnp.inf, dsq)
    dists = jnp.sqrt(dsq)
    k = min(3, Nv - 1)
    neg_top, _ = jax.lax.top_k(-dists, k)  # smallest k distances
    nearest_dists = -neg_top  # [B,N,k]
    local_density = jnp.mean(nearest_dists, axis=-1, keepdims=True)  # [B,N,1]
    density_features = local_density @ W_dens + b_dens  # [B,N,D3]
    features = jnp.concatenate([dist_features, count_features, density_features], axis=-1)
    return features @ W_out + b_out  # [B,N,EMBED_DIM]

if __name__ == "__main__":
    import jax
    _d = setup_inputs()
    print(jax.jit(kernel)(*tuple(_d.values())))

</pallas_src>

<mosaic_0001>
#map = affine_map<(d0, d1) -> (0, 0, 0)>
module attributes {stable_mosaic.version = 14 : i64} {
  func.func @_sc_body(%arg0: i32, %arg1: i32, %arg2: memref<32x48x128xf32, #tpu.memory_space<hbm>>, %arg3: memref<32x48x128xf32, #tpu.memory_space<hbm>>, %arg4: memref<32x48x128xf32, #tpu.memory_space<hbm>>, %arg5: memref<32x48x128xf32, #tpu.memory_space<hbm>>, %arg6: memref<32x48x128xf32, #tpu.memory_space<hbm>>, %arg7: memref<32x48x128xf32, #tpu.memory_space<hbm>>, %arg8: memref<32x48x128xf32, #tpu.memory_space<hbm>>, %arg9: memref<48x128xf32, #tpu.memory_space<vmem>>, %arg10: memref<48x128xf32, #tpu.memory_space<vmem>>, %arg11: memref<48x128xf32, #tpu.memory_space<vmem>>, %arg12: memref<48x128xf32, #tpu.memory_space<vmem>>, %arg13: memref<48x128xf32, #tpu.memory_space<vmem>>, %arg14: memref<48x128xf32, #tpu.memory_space<vmem>>, %arg15: memref<48x128xf32, #tpu.memory_space<vmem>>) attributes {dimension_semantics = [#tpu.dimension_semantics<core_parallel>, #tpu.dimension_semantics<subcore_parallel>], iteration_bounds = array<i64: 2, 16>, scalar_prefetch = 0 : i64, scratch_operands = 7 : i64, tpu.core_type = #tpu.core_type<sc_vector_subcore>, window_params = [{transform_indices = #map}, {transform_indices = #map}, {transform_indices = #map}, {transform_indices = #map}, {transform_indices = #map}, {transform_indices = #map}, {transform_indices = #map}]} {
    %mul3A = arith.constant 2 : i32
    %mul3A_0 = arith.muli %arg1, %mul3A : i32
    %add3A = arith.addi %mul3A_0, %arg0 : i32
    "tpu.region"() ({
      %run_scoped3A = tpu.sem_alloc : memref<!tpu.dma_semaphore, #tpu.memory_space<semaphore_mem>>
      %dma_start3A = arith.constant 0 : i32
      %dma_start3A_183 = arith.constant 0 : i32
      %dma_start3A_184 = tpu.memref_slice %arg2[%add3A, %dma_start3A, %dma_start3A_183] : memref<32x48x128xf32, #tpu.memory_space<hbm>> -> memref<1x48x128xf32, #tpu.memory_space<hbm>>
      %dma_start3A_185 = tpu.memref_squeeze %dma_start3A_184 : memref<1x48x128xf32, #tpu.memory_space<hbm>> -> memref<48x128xf32, #tpu.memory_space<hbm>>
      %dma_start3A_186 = arith.constant 0 : i32
      %dma_start3A_187 = arith.constant 0 : i32
      %dma_start3A_188 = tpu.memref_slice %arg2[%add3A, %dma_start3A_186, %dma_start3A_187] : memref<32x48x128xf32, #tpu.memory_space<hbm>> -> memref<1x48x128xf32, #tpu.memory_space<hbm>>
      %dma_start3A_189 = tpu.memref_squeeze %dma_start3A_188 : memref<1x48x128xf32, #tpu.memory_space<hbm>> -> memref<48x128xf32, #tpu.memory_space<hbm>>
      tpu.enqueue_dma source(%dma_start3A_189 : memref<48x128xf32, #tpu.memory_space<hbm>>) target(%arg9 : memref<48x128xf32, #tpu.memory_space<vmem>>) target_semaphore(%run_scoped3A : memref<!tpu.dma_semaphore, #tpu.memory_space<semaphore_mem>>)
      %dma_wait3A = arith.constant 0 : i32
      %dma_wait3A_190 = arith.constant 0 : i32
      %dma_wait3A_191 = tpu.memref_slice %arg2[%add3A, %dma_wait3A, %dma_wait3A_190] : memref<32x48x128xf32, #tpu.memory_space<hbm>> -> memref<1x48x128xf32, #tpu.memory_space<hbm>>
      %dma_wait3A_192 = tpu.memref_squeeze %dma_wait3A_191 : memref<1x48x128xf32, #tpu.memory_space<hbm>> -> memref<48x128xf32, #tpu.memory_space<hbm>>
      %dma_wait3A_193 = arith.constant 0 : i32
      %dma_wait3A_194 = arith.constant 0 : i32
      %dma_wait3A_195 = tpu.memref_slice %arg2[%add3A, %dma_wait3A_193, %dma_wait3A_194] : memref<32x48x128xf32, #tpu.memory_space<hbm>> -> memref<1x48x128xf32, #tpu.memory_space<hbm>>
      %dma_wait3A_196 = tpu.memref_squeeze %dma_wait3A_195 : memref<1x48x128xf32, #tpu.memory_space<hbm>> -> memref<48x128xf32, #tpu.memory_space<hbm>>
      tpu.wait_dma2 semaphore(%run_scoped3A : memref<!tpu.dma_semaphore, #tpu.memory_space<semaphore_mem>>) src(%dma_wait3A_196 : memref<48x128xf32, #tpu.memory_space<hbm>>) dst(%arg9 : memref<48x128xf32, #tpu.memory_space<vmem>>)
      tpu.yield
    }) : () -> ()
    "tpu.region"() ({
      %run_scoped3A = tpu.sem_alloc : memref<!tpu.dma_semaphore, #tpu.memory_space<semaphore_mem>>
      %dma_start3A = arith.constant 0 : i32
      %dma_start3A_183 = arith.constant 0 : i32
      %dma_start3A_184 = tpu.memref_slice %arg3[%add3A, %dma_start3A, %dma_start3A_183] : memref<32x48x128xf32, #tpu.memory_space<hbm>> -> memref<1x48x128xf32, #tpu.memory_space<hbm>>
      %dma_start3A_185 = tpu.memref_squeeze %dma_start3A_184 : memref<1x48x128xf32, #tpu.memory_space<hbm>> -> memref<48x128xf32, #tpu.memory_space<hbm>>
      %dma_start3A_186 = arith.constant 0 : i32
      %dma_start3A_187 = arith.constant 0 : i32
      %dma_start3A_188 = tpu.memref_slice %arg3[%add3A, %dma_start3A_186, %dma_start3A_187] : memref<32x48x128xf32, #tpu.memory_space<hbm>> -> memref<1x48x128xf32, #tpu.memory_space<hbm>>
      %dma_start3A_189 = tpu.memref_squeeze %dma_start3A_188 : memref<1x48x128xf32, #tpu.memory_space<hbm>> -> memref<48x128xf32, #tpu.memory_space<hbm>>
      tpu.enqueue_dma source(%dma_start3A_189 : memref<48x128xf32, #tpu.memory_space<hbm>>) target(%arg10 : memref<48x128xf32, #tpu.memory_space<vmem>>) target_semaphore(%run_scoped3A : memref<!tpu.dma_semaphore, #tpu.memory_space<semaphore_mem>>)
      %dma_wait3A = arith.constant 0 : i32
      %dma_wait3A_190 = arith.constant 0 : i32
      %dma_wait3A_191 = tpu.memref_slice %arg3[%add3A, %dma_wait3A, %dma_wait3A_190] : memref<32x48x128xf32, #tpu.memory_space<hbm>> -> memref<1x48x128xf32, #tpu.memory_space<hbm>>
      %dma_wait3A_192 = tpu.memref_squeeze %dma_wait3A_191 : memref<1x48x128xf32, #tpu.memory_space<hbm>> -> memref<48x128xf32, #tpu.memory_space<hbm>>
      %dma_wait3A_193 = arith.constant 0 : i32
      %dma_wait3A_194 = arith.constant 0 : i32
      %dma_wait3A_195 = tpu.memref_slice %arg3[%add3A, %dma_wait3A_193, %dma_wait3A_194] : memref<32x48x128xf32, #tpu.memory_space<hbm>> -> memref<1x48x128xf32, #tpu.memory_space<hbm>>
      %dma_wait3A_196 = tpu.memref_squeeze %dma_wait3A_195 : memref<1x48x128xf32, #tpu.memory_space<hbm>> -> memref<48x128xf32, #tpu.memory_space<hbm>>
      tpu.wait_dma2 semaphore(%run_scoped3A : memref<!tpu.dma_semaphore, #tpu.memory_space<semaphore_mem>>) src(%dma_wait3A_196 : memref<48x128xf32, #tpu.memory_space<hbm>>) dst(%arg10 : memref<48x128xf32, #tpu.memory_space<vmem>>)
      tpu.yield
    }) : () -> ()
    "tpu.region"() ({
      %run_scoped3A = tpu.sem_alloc : memref<!tpu.dma_semaphore, #tpu.memory_space<semaphore_mem>>
      %dma_start3A = arith.constant 0 : i32
      %dma_start3A_183 = arith.constant 0 : i32
      %dma_start3A_184 = tpu.memref_slice %arg4[%add3A, %dma_start3A, %dma_start3A_183] : memref<32x48x128xf32, #tpu.memory_space<hbm>> -> memref<1x48x128xf32, #tpu.memory_space<hbm>>
      %dma_start3A_185 = tpu.memref_squeeze %dma_start3A_184 : memref<1x48x128xf32, #tpu.memory_space<hbm>> -> memref<48x128xf32, #tpu.memory_space<hbm>>
      %dma_start3A_186 = arith.constant 0 : i32
      %dma_start3A_187 = arith.constant 0 : i32
      %dma_start3A_188 = tpu.memref_slice %arg4[%add3A, %dma_start3A_186, %dma_start3A_187] : memref<32x48x128xf32, #tpu.memory_space<hbm>> -> memref<1x48x128xf32, #tpu.memory_space<hbm>>
      %dma_start3A_189 = tpu.memref_squeeze %dma_start3A_188 : memref<1x48x128xf32, #tpu.memory_space<hbm>> -> memref<48x128xf32, #tpu.memory_space<hbm>>
      tpu.enqueue_dma source(%dma_start3A_189 : memref<48x128xf32, #tpu.memory_space<hbm>>) target(%arg11 : memref<48x128xf32, #tpu.memory_space<vmem>>) target_semaphore(%run_scoped3A : memref<!tpu.dma_semaphore, #tpu.memory_space<semaphore_mem>>)
      %dma_wait3A = arith.constant 0 : i32
      %dma_wait3A_190 = arith.constant 0 : i32
      %dma_wait3A_191 = tpu.memref_slice %arg4[%add3A, %dma_wait3A, %dma_wait3A_190] : memref<32x48x128xf32, #tpu.memory_space<hbm>> -> memref<1x48x128xf32, #tpu.memory_space<hbm>>
      %dma_wait3A_192 = tpu.memref_squeeze %dma_wait3A_191 : memref<1x48x128xf32, #tpu.memory_space<hbm>> -> memref<48x128xf32, #tpu.memory_space<hbm>>
      %dma_wait3A_193 = arith.constant 0 : i32
      %dma_wait3A_194 = arith.constant 0 : i32
      %dma_wait3A_195 = tpu.memref_slice %arg4[%add3A, %dma_wait3A_193, %dma_wait3A_194] : memref<32x48x128xf32, #tpu.memory_space<hbm>> -> memref<1x48x128xf32, #tpu.memory_space<hbm>>
      %dma_wait3A_196 = tpu.memref_squeeze %dma_wait3A_195 : memref<1x48x128xf32, #tpu.memory_space<hbm>> -> memref<48x128xf32, #tpu.memory_space<hbm>>
      tpu.wait_dma2 semaphore(%run_scoped3A : memref<!tpu.dma_semaphore, #tpu.memory_space<semaphore_mem>>) src(%dma_wait3A_196 : memref<48x128xf32, #tpu.memory_space<hbm>>) dst(%arg11 : memref<48x128xf32, #tpu.memory_space<vmem>>)
      tpu.yield
    }) : () -> ()
    %broadcast_in_dim3A = arith.constant 0.000000e+00 : f32
    %broadcast_in_dim3A_1 = vector.broadcast %broadcast_in_dim3A : f32 to vector<16xf32>
    %scan3A = arith.constant 0 : i32
    %scan3A_2 = arith.constant 48 : i32
    %scan3A_3 = arith.addi %scan3A, %scan3A_2 : i32
    %scan3A_4 = arith.constant 1 : i32
    %scan3A_5:3 = scf.for %scan3A_183 = %scan3A to %scan3A_3 step %scan3A_4 iter_args(%scan3A_184 = %broadcast_in_dim3A_1, %scan3A_185 = %broadcast_in_dim3A_1, %scan3A_186 = %broadcast_in_dim3A_1) -> (vector<16xf32>, vector<16xf32>, vector<16xf32>)  : i32 {
      %get3A = arith.index_cast %scan3A_183 : i32 to index
      %get3A_187 = arith.constant 0 : index
      %get3A_188 = tpu.vector_load %arg9[%get3A, %get3A_187] {strides = array<i32>} : memref<48x128xf32, #tpu.memory_space<vmem>>, vector<1x16xf32>,
      %get3A_189 = vector.shape_cast %get3A_188 : vector<1x16xf32> to vector<16xf32>
      %add3A_190 = arith.addf %scan3A_184, %get3A_189 : vector<16xf32>
      %get3A_191 = arith.index_cast %scan3A_183 : i32 to index
      %get3A_192 = arith.constant 0 : index
      %get3A_193 = tpu.vector_load %arg10[%get3A_191, %get3A_192] {strides = array<i32>} : memref<48x128xf32, #tpu.memory_space<vmem>>, vector<1x16xf32>,
      %get3A_194 = vector.shape_cast %get3A_193 : vector<1x16xf32> to vector<16xf32>
      %add3A_195 = arith.addf %scan3A_185, %get3A_194 : vector<16xf32>
      %get3A_196 = arith.index_cast %scan3A_183 : i32 to index
      %get3A_197 = arith.constant 0 : index
      %get3A_198 = tpu.vector_load %arg11[%get3A_196, %get3A_197] {strides = array<i32>} : memref<48x128xf32, #tpu.memory_space<vmem>>, vector<1x16xf32>,
      %get3A_199 = vector.shape_cast %get3A_198 : vector<1x16xf32> to vector<16xf32>
      %add3A_200 = arith.addf %scan3A_186, %get3A_199 : vector<16xf32>
      scf.yield %add3A_190, %add3A_195, %add3A_200 : vector<16xf32>, vector<16xf32>, vector<16xf32>
    }
    %scan3A_6 = arith.constant 48 : i32
    %mul3A_7 = arith.constant 0.020833334 : f32
    %mul3A_8 = vector.broadcast %mul3A_7 : f32 to vector<16xf32>
    %mul3A_9 = arith.mulf %scan3A_5#0, %mul3A_8 : vector<16xf32>
    %mul3A_10 = arith.constant 0.020833334 : f32
    %mul3A_11 = vector.broadcast %mul3A_10 : f32 to vector<16xf32>
    %mul3A_12 = arith.mulf %scan3A_5#1, %mul3A_11 : vector<16xf32>
    %mul3A_13 = arith.constant 0.020833334 : f32
    %mul3A_14 = vector.broadcast %mul3A_13 : f32 to vector<16xf32>
    %mul3A_15 = arith.mulf %scan3A_5#2, %mul3A_14 : vector<16xf32>
    %scan3A_16 = arith.constant 0 : i32
    %scan3A_17 = arith.constant 0 : i32
    %scan3A_18 = arith.constant 48 : i32
    %scan3A_19 = arith.addi %scan3A_17, %scan3A_18 : i32
    %scan3A_20 = arith.constant 1 : i32
    scf.for %scan3A_183 = %scan3A_17 to %scan3A_19 step %scan3A_20  : i32 {
      %get3A = arith.index_cast %scan3A_183 : i32 to index
      %get3A_184 = arith.constant 0 : index
      %get3A_185 = tpu.vector_load %arg9[%get3A, %get3A_184] {strides = array<i32>} : memref<48x128xf32, #tpu.memory_space<vmem>>, vector<1x16xf32>,
      %get3A_186 = vector.shape_cast %get3A_185 : vector<1x16xf32> to vector<16xf32>
      %get3A_187 = arith.index_cast %scan3A_183 : i32 to index
      %get3A_188 = arith.constant 0 : index
      %get3A_189 = tpu.vector_load %arg10[%get3A_187, %get3A_188] {strides = array<i32>} : memref<48x128xf32, #tpu.memory_space<vmem>>, vector<1x16xf32>,
      %get3A_190 = vector.shape_cast %get3A_189 : vector<1x16xf32> to vector<16xf32>
      %get3A_191 = arith.index_cast %scan3A_183 : i32 to index
      %get3A_192 = arith.constant 0 : index
      %get3A_193 = tpu.vector_load %arg11[%get3A_191, %get3A_192] {strides = array<i32>} : memref<48x128xf32, #tpu.memory_space<vmem>>, vector<1x16xf32>,
      %get3A_194 = vector.shape_cast %get3A_193 : vector<1x16xf32> to vector<16xf32>
      %sub3A = arith.subf %get3A_186, %mul3A_9 : vector<16xf32>
      %sub3A_195 = arith.subf %get3A_190, %mul3A_12 : vector<16xf32>
      %sub3A_196 = arith.subf %get3A_194, %mul3A_15 : vector<16xf32>
      %mul3A_197 = arith.mulf %sub3A, %sub3A : vector<16xf32>
      %mul3A_198 = arith.mulf %sub3A_195, %sub3A_195 : vector<16xf32>
      %add3A_199 = arith.addf %mul3A_197, %mul3A_198 : vector<16xf32>
      %mul3A_200 = arith.mulf %sub3A_196, %sub3A_196 : vector<16xf32>
      %add3A_201 = arith.addf %add3A_199, %mul3A_200 : vector<16xf32>
      %swap3A = arith.index_cast %scan3A_183 : i32 to index
      %swap3A_202 = arith.constant 0 : index
      %swap3A_203 = tpu.vector_load %arg12[%swap3A, %swap3A_202] {strides = array<i32>} : memref<48x128xf32, #tpu.memory_space<vmem>>, vector<1x16xf32>,
      %swap3A_204 = vector.shape_cast %swap3A_203 : vector<1x16xf32> to vector<16xf32>
      %swap3A_205 = vector.shape_cast %add3A_201 : vector<16xf32> to vector<1x16xf32>
      tpu.vector_store %arg12[%swap3A, %swap3A_202], %swap3A_205 {strides = array<i32>} : memref<48x128xf32, #tpu.memory_space<vmem>>, vector<1x16xf32>,
      %broadcast_in_dim3A_206 = arith.constant 0x7F800000 : f32
      %broadcast_in_dim3A_207 = vector.broadcast %broadcast_in_dim3A_206 : f32 to vector<16xf32>
      %scan3A_208 = arith.constant 0 : i32
      %scan3A_209 = arith.constant 12 : i32
      %scan3A_210 = arith.addi %scan3A_208, %scan3A_209 : i32
      %scan3A_211 = arith.constant 1 : i32
      %scan3A_212:4 = scf.for %scan3A_229 = %scan3A_208 to %scan3A_210 step %scan3A_211 iter_args(%scan3A_230 = %broadcast_in_dim3A_207, %scan3A_231 = %broadcast_in_dim3A_207, %scan3A_232 = %broadcast_in_dim3A_207, %scan3A_233 = %broadcast_in_dim3A_207) -> (vector<16xf32>, vector<16xf32>, vector<16xf32>, vector<16xf32>)  : i32 {
        %mul3A_234 = arith.constant 4 : i32
        %mul3A_235 = arith.muli %scan3A_229, %mul3A_234 : i32
        %add3A_236 = arith.constant 0 : i32
        %add3A_237 = arith.addi %mul3A_235, %add3A_236 : i32
        %get3A_238 = arith.index_cast %add3A_237 : i32 to index
        %get3A_239 = arith.constant 0 : index
        %get3A_240 = tpu.vector_load %arg9[%get3A_238, %get3A_239] {strides = array<i32>} : memref<48x128xf32, #tpu.memory_space<vmem>>, vector<1x16xf32>,
        %get3A_241 = vector.shape_cast %get3A_240 : vector<1x16xf32> to vector<16xf32>
        %sub3A_242 = arith.subf %get3A_186, %get3A_241 : vector<16xf32>
        %get3A_243 = arith.index_cast %add3A_237 : i32 to index
        %get3A_244 = arith.constant 0 : index
        %get3A_245 = tpu.vector_load %arg10[%get3A_243, %get3A_244] {strides = array<i32>} : memref<48x128xf32, #tpu.memory_space<vmem>>, vector<1x16xf32>,
        %get3A_246 = vector.shape_cast %get3A_245 : vector<1x16xf32> to vector<16xf32>
        %sub3A_247 = arith.subf %get3A_190, %get3A_246 : vector<16xf32>
        %get3A_248 = arith.index_cast %add3A_237 : i32 to index
        %get3A_249 = arith.constant 0 : index
        %get3A_250 = tpu.vector_load %arg11[%get3A_248, %get3A_249] {strides = array<i32>} : memref<48x128xf32, #tpu.memory_space<vmem>>, vector<1x16xf32>,
        %get3A_251 = vector.shape_cast %get3A_250 : vector<1x16xf32> to vector<16xf32>
        %sub3A_252 = arith.subf %get3A_194, %get3A_251 : vector<16xf32>
        %mul3A_253 = arith.mulf %sub3A_242, %sub3A_242 : vector<16xf32>
        %mul3A_254 = arith.mulf %sub3A_247, %sub3A_247 : vector<16xf32>
        %add3A_255 = arith.addf %mul3A_253, %mul3A_254 : vector<16xf32>
        %mul3A_256 = arith.mulf %sub3A_252, %sub3A_252 : vector<16xf32>
        %add3A_257 = arith.addf %add3A_255, %mul3A_256 : vector<16xf32>
        %max3A = arith.maximumf %scan3A_230, %add3A_257 : vector<16xf32>
        %min3A = arith.minimumf %scan3A_230, %add3A_257 : vector<16xf32>
        %max3A_258 = arith.maximumf %scan3A_231, %max3A : vector<16xf32>
        %min3A_259 = arith.minimumf %scan3A_231, %max3A : vector<16xf32>
        %max3A_260 = arith.maximumf %scan3A_232, %max3A_258 : vector<16xf32>
        %min3A_261 = arith.minimumf %scan3A_232, %max3A_258 : vector<16xf32>
        %min3A_262 = arith.minimumf %scan3A_233, %max3A_260 : vector<16xf32>
        %mul3A_263 = arith.constant 4 : i32
        %mul3A_264 = arith.muli %scan3A_229, %mul3A_263 : i32
        %add3A_265 = arith.constant 1 : i32
        %add3A_266 = arith.addi %mul3A_264, %add3A_265 : i32
        %get3A_267 = arith.index_cast %add3A_266 : i32 to index
        %get3A_268 = arith.constant 0 : index
        %get3A_269 = tpu.vector_load %arg9[%get3A_267, %get3A_268] {strides = array<i32>} : memref<48x128xf32, #tpu.memory_space<vmem>>, vector<1x16xf32>,
        %get3A_270 = vector.shape_cast %get3A_269 : vector<1x16xf32> to vector<16xf32>
        %sub3A_271 = arith.subf %get3A_186, %get3A_270 : vector<16xf32>
        %get3A_272 = arith.index_cast %add3A_266 : i32 to index
        %get3A_273 = arith.constant 0 : index
        %get3A_274 = tpu.vector_load %arg10[%get3A_272, %get3A_273] {strides = array<i32>} : memref<48x128xf32, #tpu.memory_space<vmem>>, vector<1x16xf32>,
        %get3A_275 = vector.shape_cast %get3A_274 : vector<1x16xf32> to vector<16xf32>
        %sub3A_276 = arith.subf %get3A_190, %get3A_275 : vector<16xf32>
        %get3A_277 = arith.index_cast %add3A_266 : i32 to index
        %get3A_278 = arith.constant 0 : index
        %get3A_279 = tpu.vector_load %arg11[%get3A_277, %get3A_278] {strides = array<i32>} : memref<48x128xf32, #tpu.memory_space<vmem>>, vector<1x16xf32>,
        %get3A_280 = vector.shape_cast %get3A_279 : vector<1x16xf32> to vector<16xf32>
        %sub3A_281 = arith.subf %get3A_194, %get3A_280 : vector<16xf32>
        %mul3A_282 = arith.mulf %sub3A_271, %sub3A_271 : vector<16xf32>
        %mul3A_283 = arith.mulf %sub3A_276, %sub3A_276 : vector<16xf32>
        %add3A_284 = arith.addf %mul3A_282, %mul3A_283 : vector<16xf32>
        %mul3A_285 = arith.mulf %sub3A_281, %sub3A_281 : vector<16xf32>
        %add3A_286 = arith.addf %add3A_284, %mul3A_285 : vector<16xf32>
        %max3A_287 = arith.maximumf %min3A, %add3A_286 : vector<16xf32>
        %min3A_288 = arith.minimumf %min3A, %add3A_286 : vector<16xf32>
        %max3A_289 = arith.maximumf %min3A_259, %max3A_287 : vector<16xf32>
        %min3A_290 = arith.minimumf %min3A_259, %max3A_287 : vector<16xf32>
        %max3A_291 = arith.maximumf %min3A_261, %max3A_289 : vector<16xf32>
        %min3A_292 = arith.minimumf %min3A_261, %max3A_289 : vector<16xf32>
        %min3A_293 = arith.minimumf %min3A_262, %max3A_291 : vector<16xf32>
        %mul3A_294 = arith.constant 4 : i32
        %mul3A_295 = arith.muli %scan3A_229, %mul3A_294 : i32
        %add3A_296 = arith.constant 2 : i32
        %add3A_297 = arith.addi %mul3A_295, %add3A_296 : i32
        %get3A_298 = arith.index_cast %add3A_297 : i32 to index
        %get3A_299 = arith.constant 0 : index
        %get3A_300 = tpu.vector_load %arg9[%get3A_298, %get3A_299] {strides = array<i32>} : memref<48x128xf32, #tpu.memory_space<vmem>>, vector<1x16xf32>,
        %get3A_301 = vector.shape_cast %get3A_300 : vector<1x16xf32> to vector<16xf32>
        %sub3A_302 = arith.subf %get3A_186, %get3A_301 : vector<16xf32>
        %get3A_303 = arith.index_cast %add3A_297 : i32 to index
        %get3A_304 = arith.constant 0 : index
        %get3A_305 = tpu.vector_load %arg10[%get3A_303, %get3A_304] {strides = array<i32>} : memref<48x128xf32, #tpu.memory_space<vmem>>, vector<1x16xf32>,
        %get3A_306 = vector.shape_cast %get3A_305 : vector<1x16xf32> to vector<16xf32>
        %sub3A_307 = arith.subf %get3A_190, %get3A_306 : vector<16xf32>
        %get3A_308 = arith.index_cast %add3A_297 : i32 to index
        %get3A_309 = arith.constant 0 : index
        %get3A_310 = tpu.vector_load %arg11[%get3A_308, %get3A_309] {strides = array<i32>} : memref<48x128xf32, #tpu.memory_space<vmem>>, vector<1x16xf32>,
        %get3A_311 = vector.shape_cast %get3A_310 : vector<1x16xf32> to vector<16xf32>
        %sub3A_312 = arith.subf %get3A_194, %get3A_311 : vector<16xf32>
        %mul3A_313 = arith.mulf %sub3A_302, %sub3A_302 : vector<16xf32>
        %mul3A_314 = arith.mulf %sub3A_307, %sub3A_307 : vector<16xf32>
        %add3A_315 = arith.addf %mul3A_313, %mul3A_314 : vector<16xf32>
        %mul3A_316 = arith.mulf %sub3A_312, %sub3A_312 : vector<16xf32>
        %add3A_317 = arith.addf %add3A_315, %mul3A_316 : vector<16xf32>
        %max3A_318 = arith.maximumf %min3A_288, %add3A_317 : vector<16xf32>
        %min3A_319 = arith.minimumf %min3A_288, %add3A_317 : vector<16xf32>
        %max3A_320 = arith.maximumf %min3A_290, %max3A_318 : vector<16xf32>
        %min3A_321 = arith.minimumf %min3A_290, %max3A_318 : vector<16xf32>
        %max3A_322 = arith.maximumf %min3A_292, %max3A_320 : vector<16xf32>
        %min3A_323 = arith.minimumf %min3A_292, %max3A_320 : vector<16xf32>
        %min3A_324 = arith.minimumf %min3A_293, %max3A_322 : vector<16xf32>
        %mul3A_325 = arith.constant 4 : i32
        %mul3A_326 = arith.muli %scan3A_229, %mul3A_325 : i32
        %add3A_327 = arith.constant 3 : i32
        %add3A_328 = arith.addi %mul3A_326, %add3A_327 : i32
        %get3A_329 = arith.index_cast %add3A_328 : i32 to index
        %get3A_330 = arith.constant 0 : index
        %get3A_331 = tpu.vector_load %arg9[%get3A_329, %get3A_330] {strides = array<i32>} : memref<48x128xf32, #tpu.memory_space<vmem>>, vector<1x16xf32>,
        %get3A_332 = vector.shape_cast %get3A_331 : vector<1x16xf32> to vector<16xf32>
        %sub3A_333 = arith.subf %get3A_186, %get3A_332 : vector<16xf32>
        %get3A_334 = arith.index_cast %add3A_328 : i32 to index
        %get3A_335 = arith.constant 0 : index
        %get3A_336 = tpu.vector_load %arg10[%get3A_334, %get3A_335] {strides = array<i32>} : memref<48x128xf32, #tpu.memory_space<vmem>>, vector<1x16xf32>,
        %get3A_337 = vector.shape_cast %get3A_336 : vector<1x16xf32> to vector<16xf32>
        %sub3A_338 = arith.subf %get3A_190, %get3A_337 : vector<16xf32>
        %get3A_339 = arith.index_cast %add3A_328 : i32 to index
        %get3A_340 = arith.constant 0 : index
        %get3A_341 = tpu.vector_load %arg11[%get3A_339, %get3A_340] {strides = array<i32>} : memref<48x128xf32, #tpu.memory_space<vmem>>, vector<1x16xf32>,
        %get3A_342 = vector.shape_cast %get3A_341 : vector<1x16xf32> to vector<16xf32>
        %sub3A_343 = arith.subf %get3A_194, %get3A_342 : vector<16xf32>
        %mul3A_344 = arith.mulf %sub3A_333, %sub3A_333 : vector<16xf32>
        %mul3A_345 = arith.mulf %sub3A_338, %sub3A_338 : vector<16xf32>
        %add3A_346 = arith.addf %mul3A_344, %mul3A_345 : vector<16xf32>
        %mul3A_347 = arith.mulf %sub3A_343, %sub3A_343 : vector<16xf32>
        %add3A_348 = arith.addf %add3A_346, %mul3A_347 : vector<16xf32>
        %max3A_349 = arith.maximumf %min3A_319, %add3A_348 : vector<16xf32>
        %min3A_350 = arith.minimumf %min3A_319, %add3A_348 : vector<16xf32>
        %max3A_351 = arith.maximumf %min3A_321, %max3A_349 : vector<16xf32>
        %min3A_352 = arith.minimumf %min3A_321, %max3A_349 : vector<16xf32>
        %max3A_353 = arith.maximumf %min3A_323, %max3A_351 : vector<16xf32>
        %min3A_354 = arith.minimumf %min3A_323, %max3A_351 : vector<16xf32>
        %min3A_355 = arith.minimumf %min3A_324, %max3A_353 : vector<16xf32>
        scf.yield %min3A_350, %min3A_352, %min3A_354, %min3A_355 : vector<16xf32>, vector<16xf32>, vector<16xf32>, vector<16xf32>
      }
      %scan3A_213 = arith.constant 12 : i32
      %swap3A_214 = arith.index_cast %scan3A_183 : i32 to index
      %swap3A_215 = arith.constant 0 : index
      %swap3A_216 = tpu.vector_load %arg13[%swap3A_214, %swap3A_215] {strides = array<i32>} : memref<48x128xf32, #tpu.memory_space<vmem>>, vector<1x16xf32>,
      %swap3A_217 = vector.shape_cast %swap3A_216 : vector<1x16xf32> to vector<16xf32>
      %swap3A_218 = vector.shape_cast %scan3A_212#1 : vector<16xf32> to vector<1x16xf32>
      tpu.vector_store %arg13[%swap3A_214, %swap3A_215], %swap3A_218 {strides = array<i32>} : memref<48x128xf32, #tpu.memory_space<vmem>>, vector<1x16xf32>,
      %swap3A_219 = arith.index_cast %scan3A_183 : i32 to index
      %swap3A_220 = arith.constant 0 : index
      %swap3A_221 = tpu.vector_load %arg14[%swap3A_219, %swap3A_220] {strides = array<i32>} : memref<48x128xf32, #tpu.memory_space<vmem>>, vector<1x16xf32>,
      %swap3A_222 = vector.shape_cast %swap3A_221 : vector<1x16xf32> to vector<16xf32>
      %swap3A_223 = vector.shape_cast %scan3A_212#2 : vector<16xf32> to vector<1x16xf32>
      tpu.vector_store %arg14[%swap3A_219, %swap3A_220], %swap3A_223 {strides = array<i32>} : memref<48x128xf32, #tpu.memory_space<vmem>>, vector<1x16xf32>,
      %swap3A_224 = arith.index_cast %scan3A_183 : i32 to index
      %swap3A_225 = arith.constant 0 : index
      %swap3A_226 = tpu.vector_load %arg15[%swap3A_224, %swap3A_225] {strides = array<i32>} : memref<48x128xf32, #tpu.memory_space<vmem>>, vector<1x16xf32>,
      %swap3A_227 = vector.shape_cast %swap3A_226 : vector<1x16xf32> to vector<16xf32>
      %swap3A_228 = vector.shape_cast %scan3A_212#3 : vector<16xf32> to vector<1x16xf32>
      tpu.vector_store %arg15[%swap3A_224, %swap3A_225], %swap3A_228 {strides = array<i32>} : memref<48x128xf32, #tpu.memory_space<vmem>>, vector<1x16xf32>,
    }
    %scan3A_21 = arith.constant 48 : i32
    %broadcast_in_dim3A_22 = arith.constant 0.000000e+00 : f32
    %broadcast_in_dim3A_23 = vector.broadcast %broadcast_in_dim3A_22 : f32 to vector<16xf32>
    %scan3A_24 = arith.constant 0 : i32
    %scan3A_25 = arith.constant 48 : i32
    %scan3A_26 = arith.addi %scan3A_24, %scan3A_25 : i32
    %scan3A_27 = arith.constant 1 : i32
    %scan3A_28:3 = scf.for %scan3A_183 = %scan3A_24 to %scan3A_26 step %scan3A_27 iter_args(%scan3A_184 = %broadcast_in_dim3A_23, %scan3A_185 = %broadcast_in_dim3A_23, %scan3A_186 = %broadcast_in_dim3A_23) -> (vector<16xf32>, vector<16xf32>, vector<16xf32>)  : i32 {
      %get3A = arith.index_cast %scan3A_183 : i32 to index
      %get3A_187 = arith.constant 16 : index
      %get3A_188 = tpu.vector_load %arg9[%get3A, %get3A_187] {strides = array<i32>} : memref<48x128xf32, #tpu.memory_space<vmem>>, vector<1x16xf32>,
      %get3A_189 = vector.shape_cast %get3A_188 : vector<1x16xf32> to vector<16xf32>
      %add3A_190 = arith.addf %scan3A_184, %get3A_189 : vector<16xf32>
      %get3A_191 = arith.index_cast %scan3A_183 : i32 to index
      %get3A_192 = arith.constant 16 : index
      %get3A_193 = tpu.vector_load %arg10[%get3A_191, %get3A_192] {strides = array<i32>} : memref<48x128xf32, #tpu.memory_space<vmem>>, vector<1x16xf32>,
      %get3A_194 = vector.shape_cast %get3A_193 : vector<1x16xf32> to vector<16xf32>
      %add3A_195 = arith.addf %scan3A_185, %get3A_194 : vector<16xf32>
      %get3A_196 = arith.index_cast %scan3A_183 : i32 to index
      %get3A_197 = arith.constant 16 : index
      %get3A_198 = tpu.vector_load %arg11[%get3A_196, %get3A_197] {strides = array<i32>} : memref<48x128xf32, #tpu.memory_space<vmem>>, vector<1x16xf32>,
      %get3A_199 = vector.shape_cast %get3A_198 : vector<1x16xf32> to vector<16xf32>
      %add3A_200 = arith.addf %scan3A_186, %get3A_199 : vector<16xf32>
      scf.yield %add3A_190, %add3A_195, %add3A_200 : vector<16xf32>, vector<16xf32>, vector<16xf32>
    }
    %scan3A_29 = arith.constant 48 : i32
    %mul3A_30 = arith.constant 0.020833334 : f32
    %mul3A_31 = vector.broadcast %mul3A_30 : f32 to vector<16xf32>
    %mul3A_32 = arith.mulf %scan3A_28#0, %mul3A_31 : vector<16xf32>
    %mul3A_33 = arith.constant 0.020833334 : f32
    %mul3A_34 = vector.broadcast %mul3A_33 : f32 to vector<16xf32>
    %mul3A_35 = arith.mulf %scan3A_28#1, %mul3A_34 : vector<16xf32>
    %mul3A_36 = arith.constant 0.020833334 : f32
    %mul3A_37 = vector.broadcast %mul3A_36 : f32 to vector<16xf32>
    %mul3A_38 = arith.mulf %scan3A_28#2, %mul3A_37 : vector<16xf32>
    %scan3A_39 = arith.constant 0 : i32
    %scan3A_40 = arith.constant 0 : i32
    %scan3A_41 = arith.constant 48 : i32
    %scan3A_42 = arith.addi %scan3A_40, %scan3A_41 : i32
    %scan3A_43 = arith.constant 1 : i32
    scf.for %scan3A_183 = %scan3A_40 to %scan3A_42 step %scan3A_43  : i32 {
      %get3A = arith.index_cast %scan3A_183 : i32 to index
      %get3A_184 = arith.constant 16 : index
      %get3A_185 = tpu.vector_load %arg9[%get3A, %get3A_184] {strides = array<i32>} : memref<48x128xf32, #tpu.memory_space<vmem>>, vector<1x16xf32>,
      %get3A_186 = vector.shape_cast %get3A_185 : vector<1x16xf32> to vector<16xf32>
      %get3A_187 = arith.index_cast %scan3A_183 : i32 to index
      %get3A_188 = arith.constant 16 : index
      %get3A_189 = tpu.vector_load %arg10[%get3A_187, %get3A_188] {strides = array<i32>} : memref<48x128xf32, #tpu.memory_space<vmem>>, vector<1x16xf32>,
      %get3A_190 = vector.shape_cast %get3A_189 : vector<1x16xf32> to vector<16xf32>
      %get3A_191 = arith.index_cast %scan3A_183 : i32 to index
      %get3A_192 = arith.constant 16 : index
      %get3A_193 = tpu.vector_load %arg11[%get3A_191, %get3A_192] {strides = array<i32>} : memref<48x128xf32, #tpu.memory_space<vmem>>, vector<1x16xf32>,
      %get3A_194 = vector.shape_cast %get3A_193 : vector<1x16xf32> to vector<16xf32>
      %sub3A = arith.subf %get3A_186, %mul3A_32 : vector<16xf32>
      %sub3A_195 = arith.subf %get3A_190, %mul3A_35 : vector<16xf32>
      %sub3A_196 = arith.subf %get3A_194, %mul3A_38 : vector<16xf32>
      %mul3A_197 = arith.mulf %sub3A, %sub3A : vector<16xf32>
      %mul3A_198 = arith.mulf %sub3A_195, %sub3A_195 : vector<16xf32>
      %add3A_199 = arith.addf %mul3A_197, %mul3A_198 : vector<16xf32>
      %mul3A_200 = arith.mulf %sub3A_196, %sub3A_196 : vector<16xf32>
      %add3A_201 = arith.addf %add3A_199, %mul3A_200 : vector<16xf32>
      %swap3A = arith.index_cast %scan3A_183 : i32 to index
      %swap3A_202 = arith.constant 16 : index
      %swap3A_203 = tpu.vector_load %arg12[%swap3A, %swap3A_202] {strides = array<i32>} : memref<48x128xf32, #tpu.memory_space<vmem>>, vector<1x16xf32>,
      %swap3A_204 = vector.shape_cast %swap3A_203 : vector<1x16xf32> to vector<16xf32>
      %swap3A_205 = vector.shape_cast %add3A_201 : vector<16xf32> to vector<1x16xf32>
      tpu.vector_store %arg12[%swap3A, %swap3A_202], %swap3A_205 {strides = array<i32>} : memref<48x128xf32, #tpu.memory_space<vmem>>, vector<1x16xf32>,
      %broadcast_in_dim3A_206 = arith.constant 0x7F800000 : f32
      %broadcast_in_dim3A_207 = vector.broadcast %broadcast_in_dim3A_206 : f32 to vector<16xf32>
      %scan3A_208 = arith.constant 0 : i32
      %scan3A_209 = arith.constant 12 : i32
      %scan3A_210 = arith.addi %scan3A_208, %scan3A_209 : i32
      %scan3A_211 = arith.constant 1 : i32
      %scan3A_212:4 = scf.for %scan3A_229 = %scan3A_208 to %scan3A_210 step %scan3A_211 iter_args(%scan3A_230 = %broadcast_in_dim3A_207, %scan3A_231 = %broadcast_in_dim3A_207, %scan3A_232 = %broadcast_in_dim3A_207, %scan3A_233 = %broadcast_in_dim3A_207) -> (vector<16xf32>, vector<16xf32>, vector<16xf32>, vector<16xf32>)  : i32 {
        %mul3A_234 = arith.constant 4 : i32
        %mul3A_235 = arith.muli %scan3A_229, %mul3A_234 : i32
        %add3A_236 = arith.constant 0 : i32
        %add3A_237 = arith.addi %mul3A_235, %add3A_236 : i32
        %get3A_238 = arith.index_cast %add3A_237 : i32 to index
        %get3A_239 = arith.constant 16 : index
        %get3A_240 = tpu.vector_load %arg9[%get3A_238, %get3A_239] {strides = array<i32>} : memref<48x128xf32, #tpu.memory_space<vmem>>, vector<1x16xf32>,
        %get3A_241 = vector.shape_cast %get3A_240 : vector<1x16xf32> to vector<16xf32>
        %sub3A_242 = arith.subf %get3A_186, %get3A_241 : vector<16xf32>
        %get3A_243 = arith.index_cast %add3A_237 : i32 to index
        %get3A_244 = arith.constant 16 : index
        %get3A_245 = tpu.vector_load %arg10[%get3A_243, %get3A_244] {strides = array<i32>} : memref<48x128xf32, #tpu.memory_space<vmem>>, vector<1x16xf32>,
        %get3A_246 = vector.shape_cast %get3A_245 : vector<1x16xf32> to vector<16xf32>
        %sub3A_247 = arith.subf %get3A_190, %get3A_246 : vector<16xf32>
        %get3A_248 = arith.index_cast %add3A_237 : i32 to index
        %get3A_249 = arith.constant 16 : index
        %get3A_250 = tpu.vector_load %arg11[%get3A_248, %get3A_249] {strides = array<i32>} : memref<48x128xf32, #tpu.memory_space<vmem>>, vector<1x16xf32>,
        %get3A_251 = vector.shape_cast %get3A_250 : vector<1x16xf32> to vector<16xf32>
        %sub3A_252 = arith.subf %get3A_194, %get3A_251 : vector<16xf32>
        %mul3A_253 = arith.mulf %sub3A_242, %sub3A_242 : vector<16xf32>
        %mul3A_254 = arith.mulf %sub3A_247, %sub3A_247 : vector<16xf32>
        %add3A_255 = arith.addf %mul3A_253, %mul3A_254 : vector<16xf32>
        %mul3A_256 = arith.mulf %sub3A_252, %sub3A_252 : vector<16xf32>
        %add3A_257 = arith.addf %add3A_255, %mul3A_256 : vector<16xf32>
        %max3A = arith.maximumf %scan3A_230, %add3A_257 : vector<16xf32>
        %min3A = arith.minimumf %scan3A_230, %add3A_257 : vector<16xf32>
        %max3A_258 = arith.maximumf %scan3A_231, %max3A : vector<16xf32>
        %min3A_259 = arith.minimumf %scan3A_231, %max3A : vector<16xf32>
        %max3A_260 = arith.maximumf %scan3A_232, %max3A_258 : vector<16xf32>
        %min3A_261 = arith.minimumf %scan3A_232, %max3A_258 : vector<16xf32>
        %min3A_262 = arith.minimumf %scan3A_233, %max3A_260 : vector<16xf32>
        %mul3A_263 = arith.constant 4 : i32
        %mul3A_264 = arith.muli %scan3A_229, %mul3A_263 : i32
        %add3A_265 = arith.constant 1 : i32
        %add3A_266 = arith.addi %mul3A_264, %add3A_265 : i32
        %get3A_267 = arith.index_cast %add3A_266 : i32 to index
        %get3A_268 = arith.constant 16 : index
        %get3A_269 = tpu.vector_load %arg9[%get3A_267, %get3A_268] {strides = array<i32>} : memref<48x128xf32, #tpu.memory_space<vmem>>, vector<1x16xf32>,
        %get3A_270 = vector.shape_cast %get3A_269 : vector<1x16xf32> to vector<16xf32>
        %sub3A_271 = arith.subf %get3A_186, %get3A_270 : vector<16xf32>
        %get3A_272 = arith.index_cast %add3A_266 : i32 to index
        %get3A_273 = arith.constant 16 : index
        %get3A_274 = tpu.vector_load %arg10[%get3A_272, %get3A_273] {strides = array<i32>} : memref<48x128xf32, #tpu.memory_space<vmem>>, vector<1x16xf32>,
        %get3A_275 = vector.shape_cast %get3A_274 : vector<1x16xf32> to vector<16xf32>
        %sub3A_276 = arith.subf %get3A_190, %get3A_275 : vector<16xf32>
        %get3A_277 = arith.index_cast %add3A_266 : i32 to index
        %get3A_278 = arith.constant 16 : index
        %get3A_279 = tpu.vector_load %arg11[%get3A_277, %get3A_278] {strides = array<i32>} : memref<48x128xf32, #tpu.memory_space<vmem>>, vector<1x16xf32>,
        %get3A_280 = vector.shape_cast %get3A_279 : vector<1x16xf32> to vector<16xf32>
        %sub3A_281 = arith.subf %get3A_194, %get3A_280 : vector<16xf32>
        %mul3A_282 = arith.mulf %sub3A_271, %sub3A_271 : vector<16xf32>
        %mul3A_283 = arith.mulf %sub3A_276, %sub3A_276 : vector<16xf32>
        %add3A_284 = arith.addf %mul3A_282, %mul3A_283 : vector<16xf32>
        %mul3A_285 = arith.mulf %sub3A_281, %sub3A_281 : vector<16xf32>
        %add3A_286 = arith.addf %add3A_284, %mul3A_285 : vector<16xf32>
        %max3A_287 = arith.maximumf %min3A, %add3A_286 : vector<16xf32>
        %min3A_288 = arith.minimumf %min3A, %add3A_286 : vector<16xf32>
        %max3A_289 = arith.maximumf %min3A_259, %max3A_287 : vector<16xf32>
        %min3A_290 = arith.minimumf %min3A_259, %max3A_287 : vector<16xf32>
        %max3A_291 = arith.maximumf %min3A_261, %max3A_289 : vector<16xf32>
        %min3A_292 = arith.minimumf %min3A_261, %max3A_289 : vector<16xf32>
        %min3A_293 = arith.minimumf %min3A_262, %max3A_291 : vector<16xf32>
        %mul3A_294 = arith.constant 4 : i32
        %mul3A_295 = arith.muli %scan3A_229, %mul3A_294 : i32
        %add3A_296 = arith.constant 2 : i32
        %add3A_297 = arith.addi %mul3A_295, %add3A_296 : i32
        %get3A_298 = arith.index_cast %add3A_297 : i32 to index
        %get3A_299 = arith.constant 16 : index
        %get3A_300 = tpu.vector_load %arg9[%get3A_298, %get3A_299] {strides = array<i32>} : memref<48x128xf32, #tpu.memory_space<vmem>>, vector<1x16xf32>,
        %get3A_301 = vector.shape_cast %get3A_300 : vector<1x16xf32> to vector<16xf32>
        %sub3A_302 = arith.subf %get3A_186, %get3A_301 : vector<16xf32>
        %get3A_303 = arith.index_cast %add3A_297 : i32 to index
        %get3A_304 = arith.constant 16 : index
        %get3A_305 = tpu.vector_load %arg10[%get3A_303, %get3A_304] {strides = array<i32>} : memref<48x128xf32, #tpu.memory_space<vmem>>, vector<1x16xf32>,
        %get3A_306 = vector.shape_cast %get3A_305 : vector<1x16xf32> to vector<16xf32>
        %sub3A_307 = arith.subf %get3A_190, %get3A_306 : vector<16xf32>
        %get3A_308 = arith.index_cast %add3A_297 : i32 to index
        %get3A_309 = arith.constant 16 : index
        %get3A_310 = tpu.vector_load %arg11[%get3A_308, %get3A_309] {strides = array<i32>} : memref<48x128xf32, #tpu.memory_space<vmem>>, vector<1x16xf32>,
        %get3A_311 = vector.shape_cast %get3A_310 : vector<1x16xf32> to vector<16xf32>
        %sub3A_312 = arith.subf %get3A_194, %get3A_311 : vector<16xf32>
        %mul3A_313 = arith.mulf %sub3A_302, %sub3A_302 : vector<16xf32>
        %mul3A_314 = arith.mulf %sub3A_307, %sub3A_307 : vector<16xf32>
        %add3A_315 = arith.addf %mul3A_313, %mul3A_314 : vector<16xf32>
        %mul3A_316 = arith.mulf %sub3A_312, %sub3A_312 : vector<16xf32>
        %add3A_317 = arith.addf %add3A_315, %mul3A_316 : vector<16xf32>
        %max3A_318 = arith.maximumf %min3A_288, %add3A_317 : vector<16xf32>
        %min3A_319 = arith.minimumf %min3A_288, %add3A_317 : vector<16xf32>
        %max3A_320 = arith.maximumf %min3A_290, %max3A_318 : vector<16xf32>
        %min3A_321 = arith.minimumf %min3A_290, %max3A_318 : vector<16xf32>
        %max3A_322 = arith.maximumf %min3A_292, %max3A_320 : vector<16xf32>
        %min3A_323 = arith.minimumf %min3A_292, %max3A_320 : vector<16xf32>
        %min3A_324 = arith.minimumf %min3A_293, %max3A_322 : vector<16xf32>
        %mul3A_325 = arith.constant 4 : i32
        %mul3A_326 = arith.muli %scan3A_229, %mul3A_325 : i32
        %add3A_327 = arith.constant 3 : i32
        %add3A_328 = arith.addi %mul3A_326, %add3A_327 : i32
        %get3A_329 = arith.index_cast %add3A_328 : i32 to index
        %get3A_330 = arith.constant 16 : index
        %get3A_331 = tpu.vector_load %arg9[%get3A_329, %get3A_330] {strides = array<i32>} : memref<48x128xf32, #tpu.memory_space<vmem>>, vector<1x16xf32>,
        %get3A_332 = vector.shape_cast %get3A_331 : vector<1x16xf32> to vector<16xf32>
        %sub3A_333 = arith.subf %get3A_186, %get3A_332 : vector<16xf32>
        %get3A_334 = arith.index_cast %add3A_328 : i32 to index
        %get3A_335 = arith.constant 16 : index
        %get3A_336 = tpu.vector_load %arg10[%get3A_334, %get3A_335] {strides = array<i32>} : memref<48x128xf32, #tpu.memory_space<vmem>>, vector<1x16xf32>,
        %get3A_337 = vector.shape_cast %get3A_336 : vector<1x16xf32> to vector<16xf32>
        %sub3A_338 = arith.subf %get3A_190, %get3A_337 : vector<16xf32>
        %get3A_339 = arith.index_cast %add3A_328 : i32 to index
        %get3A_340 = arith.constant 16 : index
        %get3A_341 = tpu.vector_load %arg11[%get3A_339, %get3A_340] {strides = array<i32>} : memref<48x128xf32, #tpu.memory_space<vmem>>, vector<1x16xf32>,
        %get3A_342 = vector.shape_cast %get3A_341 : vector<1x16xf32> to vector<16xf32>
        %sub3A_343 = arith.subf %get3A_194, %get3A_342 : vector<16xf32>
        %mul3A_344 = arith.mulf %sub3A_333, %sub3A_333 : vector<16xf32>
        %mul3A_345 = arith.mulf %sub3A_338, %sub3A_338 : vector<16xf32>
        %add3A_346 = arith.addf %mul3A_344, %mul3A_345 : vector<16xf32>
        %mul3A_347 = arith.mulf %sub3A_343, %sub3A_343 : vector<16xf32>
        %add3A_348 = arith.addf %add3A_346, %mul3A_347 : vector<16xf32>
        %max3A_349 = arith.maximumf %min3A_319, %add3A_348 : vector<16xf32>
        %min3A_350 = arith.minimumf %min3A_319, %add3A_348 : vector<16xf32>
        %max3A_351 = arith.maximumf %min3A_321, %max3A_349 : vector<16xf32>
        %min3A_352 = arith.minimumf %min3A_321, %max3A_349 : vector<16xf32>
        %max3A_353 = arith.maximumf %min3A_323, %max3A_351 : vector<16xf32>
        %min3A_354 = arith.minimumf %min3A_323, %max3A_351 : vector<16xf32>
        %min3A_355 = arith.minimumf %min3A_324, %max3A_353 : vector<16xf32>
        scf.yield %min3A_350, %min3A_352, %min3A_354, %min3A_355 : vector<16xf32>, vector<16xf32>, vector<16xf32>, vector<16xf32>
      }
      %scan3A_213 = arith.constant 12 : i32
      %swap3A_214 = arith.index_cast %scan3A_183 : i32 to index
      %swap3A_215 = arith.constant 16 : index
      %swap3A_216 = tpu.vector_load %arg13[%swap3A_214, %swap3A_215] {strides = array<i32>} : memref<48x128xf32, #tpu.memory_space<vmem>>, vector<1x16xf32>,
      %swap3A_217 = vector.shape_cast %swap3A_216 : vector<1x16xf32> to vector<16xf32>
      %swap3A_218 = vector.shape_cast %scan3A_212#1 : vector<16xf32> to vector<1x16xf32>
      tpu.vector_store %arg13[%swap3A_214, %swap3A_215], %swap3A_218 {strides = array<i32>} : memref<48x128xf32, #tpu.memory_space<vmem>>, vector<1x16xf32>,
      %swap3A_219 = arith.index_cast %scan3A_183 : i32 to index
      %swap3A_220 = arith.constant 16 : index
      %swap3A_221 = tpu.vector_load %arg14[%swap3A_219, %swap3A_220] {strides = array<i32>} : memref<48x128xf32, #tpu.memory_space<vmem>>, vector<1x16xf32>,
      %swap3A_222 = vector.shape_cast %swap3A_221 : vector<1x16xf32> to vector<16xf32>
      %swap3A_223 = vector.shape_cast %scan3A_212#2 : vector<16xf32> to vector<1x16xf32>
      tpu.vector_store %arg14[%swap3A_219, %swap3A_220], %swap3A_223 {strides = array<i32>} : memref<48x128xf32, #tpu.memory_space<vmem>>, vector<1x16xf32>,
      %swap3A_224 = arith.index_cast %scan3A_183 : i32 to index
      %swap3A_225 = arith.constant 16 : index
      %swap3A_226 = tpu.vector_load %arg15[%swap3A_224, %swap3A_225] {strides = array<i32>} : memref<48x128xf32, #tpu.memory_space<vmem>>, vector<1x16xf32>,
      %swap3A_227 = vector.shape_cast %swap3A_226 : vector<1x16xf32> to vector<16xf32>
      %swap3A_228 = vector.shape_cast %scan3A_212#3 : vector<16xf32> to vector<1x16xf32>
      tpu.vector_store %arg15[%swap3A_224, %swap3A_225], %swap3A_228 {strides = array<i32>} : memref<48x128xf32, #tpu.memory_space<vmem>>, vector<1x16xf32>,
    }
    %scan3A_44 = arith.constant 48 : i32
    %broadcast_in_dim3A_45 = arith.constant 0.000000e+00 : f32
    %broadcast_in_dim3A_46 = vector.broadcast %broadcast_in_dim3A_45 : f32 to vector<16xf32>
    %scan3A_47 = arith.constant 0 : i32
    %scan3A_48 = arith.constant 48 : i32
    %scan3A_49 = arith.addi %scan3A_47, %scan3A_48 : i32
    %scan3A_50 = arith.constant 1 : i32
    %scan3A_51:3 = scf.for %scan3A_183 = %scan3A_47 to %scan3A_49 step %scan3A_50 iter_args(%scan3A_184 = %broadcast_in_dim3A_46, %scan3A_185 = %broadcast_in_dim3A_46, %scan3A_186 = %broadcast_in_dim3A_46) -> (vector<16xf32>, vector<16xf32>, vector<16xf32>)  : i32 {
      %get3A = arith.index_cast %scan3A_183 : i32 to index
      %get3A_187 = arith.constant 32 : index
      %get3A_188 = tpu.vector_load %arg9[%get3A, %get3A_187] {strides = array<i32>} : memref<48x128xf32, #tpu.memory_space<vmem>>, vector<1x16xf32>,
      %get3A_189 = vector.shape_cast %get3A_188 : vector<1x16xf32> to vector<16xf32>
      %add3A_190 = arith.addf %scan3A_184, %get3A_189 : vector<16xf32>
      %get3A_191 = arith.index_cast %scan3A_183 : i32 to index
      %get3A_192 = arith.constant 32 : index
      %get3A_193 = tpu.vector_load %arg10[%get3A_191, %get3A_192] {strides = array<i32>} : memref<48x128xf32, #tpu.memory_space<vmem>>, vector<1x16xf32>,
      %get3A_194 = vector.shape_cast %get3A_193 : vector<1x16xf32> to vector<16xf32>
      %add3A_195 = arith.addf %scan3A_185, %get3A_194 : vector<16xf32>
      %get3A_196 = arith.index_cast %scan3A_183 : i32 to index
      %get3A_197 = arith.constant 32 : index
      %get3A_198 = tpu.vector_load %arg11[%get3A_196, %get3A_197] {strides = array<i32>} : memref<48x128xf32, #tpu.memory_space<vmem>>, vector<1x16xf32>,
      %get3A_199 = vector.shape_cast %get3A_198 : vector<1x16xf32> to vector<16xf32>
      %add3A_200 = arith.addf %scan3A_186, %get3A_199 : vector<16xf32>
      scf.yield %add3A_190, %add3A_195, %add3A_200 : vector<16xf32>, vector<16xf32>, vector<16xf32>
    }
    %scan3A_52 = arith.constant 48 : i32
    %mul3A_53 = arith.constant 0.020833334 : f32
    %mul3A_54 = vector.broadcast %mul3A_53 : f32 to vector<16xf32>
    %mul3A_55 = arith.mulf %scan3A_51#0, %mul3A_54 : vector<16xf32>
    %mul3A_56 = arith.constant 0.020833334 : f32
    %mul3A_57 = vector.broadcast %mul3A_56 : f32 to vector<16xf32>
    %mul3A_58 = arith.mulf %scan3A_51#1, %mul3A_57 : vector<16xf32>
    %mul3A_59 = arith.constant 0.020833334 : f32
    %mul3A_60 = vector.broadcast %mul3A_59 : f32 to vector<16xf32>
    %mul3A_61 = arith.mulf %scan3A_51#2, %mul3A_60 : vector<16xf32>
    %scan3A_62 = arith.constant 0 : i32
    %scan3A_63 = arith.constant 0 : i32
    %scan3A_64 = arith.constant 48 : i32
    %scan3A_65 = arith.addi %scan3A_63, %scan3A_64 : i32
    %scan3A_66 = arith.constant 1 : i32
    scf.for %scan3A_183 = %scan3A_63 to %scan3A_65 step %scan3A_66  : i32 {
      %get3A = arith.index_cast %scan3A_183 : i32 to index
      %get3A_184 = arith.constant 32 : index
      %get3A_185 = tpu.vector_load %arg9[%get3A, %get3A_184] {strides = array<i32>} : memref<48x128xf32, #tpu.memory_space<vmem>>, vector<1x16xf32>,
      %get3A_186 = vector.shape_cast %get3A_185 : vector<1x16xf32> to vector<16xf32>
      %get3A_187 = arith.index_cast %scan3A_183 : i32 to index
      %get3A_188 = arith.constant 32 : index
      %get3A_189 = tpu.vector_load %arg10[%get3A_187, %get3A_188] {strides = array<i32>} : memref<48x128xf32, #tpu.memory_space<vmem>>, vector<1x16xf32>,
      %get3A_190 = vector.shape_cast %get3A_189 : vector<1x16xf32> to vector<16xf32>
      %get3A_191 = arith.index_cast %scan3A_183 : i32 to index
      %get3A_192 = arith.constant 32 : index
      %get3A_193 = tpu.vector_load %arg11[%get3A_191, %get3A_192] {strides = array<i32>} : memref<48x128xf32, #tpu.memory_space<vmem>>, vector<1x16xf32>,
      %get3A_194 = vector.shape_cast %get3A_193 : vector<1x16xf32> to vector<16xf32>
      %sub3A = arith.subf %get3A_186, %mul3A_55 : vector<16xf32>
      %sub3A_195 = arith.subf %get3A_190, %mul3A_58 : vector<16xf32>
      %sub3A_196 = arith.subf %get3A_194, %mul3A_61 : vector<16xf32>
      %mul3A_197 = arith.mulf %sub3A, %sub3A : vector<16xf32>
      %mul3A_198 = arith.mulf %sub3A_195, %sub3A_195 : vector<16xf32>
      %add3A_199 = arith.addf %mul3A_197, %mul3A_198 : vector<16xf32>
      %mul3A_200 = arith.mulf %sub3A_196, %sub3A_196 : vector<16xf32>
      %add3A_201 = arith.addf %add3A_199, %mul3A_200 : vector<16xf32>
      %swap3A = arith.index_cast %scan3A_183 : i32 to index
      %swap3A_202 = arith.constant 32 : index
      %swap3A_203 = tpu.vector_load %arg12[%swap3A, %swap3A_202] {strides = array<i32>} : memref<48x128xf32, #tpu.memory_space<vmem>>, vector<1x16xf32>,
      %swap3A_204 = vector.shape_cast %swap3A_203 : vector<1x16xf32> to vector<16xf32>
      %swap3A_205 = vector.shape_cast %add3A_201 : vector<16xf32> to vector<1x16xf32>
      tpu.vector_store %arg12[%swap3A, %swap3A_202], %swap3A_205 {strides = array<i32>} : memref<48x128xf32, #tpu.memory_space<vmem>>, vector<1x16xf32>,
      %broadcast_in_dim3A_206 = arith.constant 0x7F800000 : f32
      %broadcast_in_dim3A_207 = vector.broadcast %broadcast_in_dim3A_206 : f32 to vector<16xf32>
      %scan3A_208 = arith.constant 0 : i32
      %scan3A_209 = arith.constant 12 : i32
      %scan3A_210 = arith.addi %scan3A_208, %scan3A_209 : i32
      %scan3A_211 = arith.constant 1 : i32
      %scan3A_212:4 = scf.for %scan3A_229 = %scan3A_208 to %scan3A_210 step %scan3A_211 iter_args(%scan3A_230 = %broadcast_in_dim3A_207, %scan3A_231 = %broadcast_in_dim3A_207, %scan3A_232 = %broadcast_in_dim3A_207, %scan3A_233 = %broadcast_in_dim3A_207) -> (vector<16xf32>, vector<16xf32>, vector<16xf32>, vector<16xf32>)  : i32 {
        %mul3A_234 = arith.constant 4 : i32
        %mul3A_235 = arith.muli %scan3A_229, %mul3A_234 : i32
        %add3A_236 = arith.constant 0 : i32
        %add3A_237 = arith.addi %mul3A_235, %add3A_236 : i32
        %get3A_238 = arith.index_cast %add3A_237 : i32 to index
        %get3A_239 = arith.constant 32 : index
        %get3A_240 = tpu.vector_load %arg9[%get3A_238, %get3A_239] {strides = array<i32>} : memref<48x128xf32, #tpu.memory_space<vmem>>, vector<1x16xf32>,
        %get3A_241 = vector.shape_cast %get3A_240 : vector<1x16xf32> to vector<16xf32>
        %sub3A_242 = arith.subf %get3A_186, %get3A_241 : vector<16xf32>
        %get3A_243 = arith.index_cast %add3A_237 : i32 to index
        %get3A_244 = arith.constant 32 : index
        %get3A_245 = tpu.vector_load %arg10[%get3A_243, %get3A_244] {strides = array<i32>} : memref<48x128xf32, #tpu.memory_space<vmem>>, vector<1x16xf32>,
        %get3A_246 = vector.shape_cast %get3A_245 : vector<1x16xf32> to vector<16xf32>
        %sub3A_247 = arith.subf %get3A_190, %get3A_246 : vector<16xf32>
        %get3A_248 = arith.index_cast %add3A_237 : i32 to index
        %get3A_249 = arith.constant 32 : index
        %get3A_250 = tpu.vector_load %arg11[%get3A_248, %get3A_249] {strides = array<i32>} : memref<48x128xf32, #tpu.memory_space<vmem>>, vector<1x16xf32>,
        %get3A_251 = vector.shape_cast %get3A_250 : vector<1x16xf32> to vector<16xf32>
        %sub3A_252 = arith.subf %get3A_194, %get3A_251 : vector<16xf32>
        %mul3A_253 = arith.mulf %sub3A_242, %sub3A_242 : vector<16xf32>
        %mul3A_254 = arith.mulf %sub3A_247, %sub3A_247 : vector<16xf32>
        %add3A_255 = arith.addf %mul3A_253, %mul3A_254 : vector<16xf32>
        %mul3A_256 = arith.mulf %sub3A_252, %sub3A_252 : vector<16xf32>
        %add3A_257 = arith.addf %add3A_255, %mul3A_256 : vector<16xf32>
        %max3A = arith.maximumf %scan3A_230, %add3A_257 : vector<16xf32>
        %min3A = arith.minimumf %scan3A_230, %add3A_257 : vector<16xf32>
        %max3A_258 = arith.maximumf %scan3A_231, %max3A : vector<16xf32>
        %min3A_259 = arith.minimumf %scan3A_231, %max3A : vector<16xf32>
        %max3A_260 = arith.maximumf %scan3A_232, %max3A_258 : vector<16xf32>
        %min3A_261 = arith.minimumf %scan3A_232, %max3A_258 : vector<16xf32>
        %min3A_262 = arith.minimumf %scan3A_233, %max3A_260 : vector<16xf32>
        %mul3A_263 = arith.constant 4 : i32
        %mul3A_264 = arith.muli %scan3A_229, %mul3A_263 : i32
        %add3A_265 = arith.constant 1 : i32
        %add3A_266 = arith.addi %mul3A_264, %add3A_265 : i32
        %get3A_267 = arith.index_cast %add3A_266 : i32 to index
        %get3A_268 = arith.constant 32 : index
        %get3A_269 = tpu.vector_load %arg9[%get3A_267, %get3A_268] {strides = array<i32>} : memref<48x128xf32, #tpu.memory_space<vmem>>, vector<1x16xf32>,
        %get3A_270 = vector.shape_cast %get3A_269 : vector<1x16xf32> to vector<16xf32>
        %sub3A_271 = arith.subf %get3A_186, %get3A_270 : vector<16xf32>
        %get3A_272 = arith.index_cast %add3A_266 : i32 to index
        %get3A_273 = arith.constant 32 : index
        %get3A_274 = tpu.vector_load %arg10[%get3A_272, %get3A_273] {strides = array<i32>} : memref<48x128xf32, #tpu.memory_space<vmem>>, vector<1x16xf32>,
        %get3A_275 = vector.shape_cast %get3A_274 : vector<1x16xf32> to vector<16xf32>
        %sub3A_276 = arith.subf %get3A_190, %get3A_275 : vector<16xf32>
        %get3A_277 = arith.index_cast %add3A_266 : i32 to index
        %get3A_278 = arith.constant 32 : index
        %get3A_279 = tpu.vector_load %arg11[%get3A_277, %get3A_278] {strides = array<i32>} : memref<48x128xf32, #tpu.memory_space<vmem>>, vector<1x16xf32>,
        %get3A_280 = vector.shape_cast %get3A_279 : vector<1x16xf32> to vector<16xf32>
        %sub3A_281 = arith.subf %get3A_194, %get3A_280 : vector<16xf32>
        %mul3A_282 = arith.mulf %sub3A_271, %sub3A_271 : vector<16xf32>
        %mul3A_283 = arith.mulf %sub3A_276, %sub3A_276 : vector<16xf32>
        %add3A_284 = arith.addf %mul3A_282, %mul3A_283 : vector<16xf32>
        %mul3A_285 = arith.mulf %sub3A_281, %sub3A_281 : vector<16xf32>
        %add3A_286 = arith.addf %add3A_284, %mul3A_285 : vector<16xf32>
        %max3A_287 = arith.maximumf %min3A, %add3A_286 : vector<16xf32>
        %min3A_288 = arith.minimumf %min3A, %add3A_286 : vector<16xf32>
        %max3A_289 = arith.maximumf %min3A_259, %max3A_287 : vector<16xf32>
        %min3A_290 = arith.minimumf %min3A_259, %max3A_287 : vector<16xf32>
        %max3A_291 = arith.maximumf %min3A_261, %max3A_289 : vector<16xf32>
        %min3A_292 = arith.minimumf %min3A_261, %max3A_289 : vector<16xf32>
        %min3A_293 = arith.minimumf %min3A_262, %max3A_291 : vector<16xf32>
        %mul3A_294 = arith.constant 4 : i32
        %mul3A_295 = arith.muli %scan3A_229, %mul3A_294 : i32
        %add3A_296 = arith.constant 2 : i32
        %add3A_297 = arith.addi %mul3A_295, %add3A_296 : i32
        %get3A_298 = arith.index_cast %add3A_297 : i32 to index
        %get3A_299 = arith.constant 32 : index
        %get3A_300 = tpu.vector_load %arg9[%get3A_298, %get3A_299] {strides = array<i32>} : memref<48x128xf32, #tpu.memory_space<vmem>>, vector<1x16xf32>,
        %get3A_301 = vector.shape_cast %get3A_300 : vector<1x16xf32> to vector<16xf32>
        %sub3A_302 = arith.subf %get3A_186, %get3A_301 : vector<16xf32>
        %get3A_303 = arith.index_cast %add3A_297 : i32 to index
        %get3A_304 = arith.constant 32 : index
        %get3A_305 = tpu.vector_load %arg10[%get3A_303, %get3A_304] {strides = array<i32>} : memref<48x128xf32, #tpu.memory_space<vmem>>, vector<1x16xf32>,
        %get3A_306 = vector.shape_cast %get3A_305 : vector<1x16xf32> to vector<16xf32>
        %sub3A_307 = arith.subf %get3A_190, %get3A_306 : vector<16xf32>
        %get3A_308 = arith.index_cast %add3A_297 : i32 to index
        %get3A_309 = arith.constant 32 : index
        %get3A_310 = tpu.vector_load %arg11[%get3A_308, %get3A_309] {strides = array<i32>} : memref<48x128xf32, #tpu.memory_space<vmem>>, vector<1x16xf32>,
        %get3A_311 = vector.shape_cast %get3A_310 : vector<1x16xf32> to vector<16xf32>
        %sub3A_312 = arith.subf %get3A_194, %get3A_311 : vector<16xf32>
        %mul3A_313 = arith.mulf %sub3A_302, %sub3A_302 : vector<16xf32>
        %mul3A_314 = arith.mulf %sub3A_307, %sub3A_307 : vector<16xf32>
        %add3A_315 = arith.addf %mul3A_313, %mul3A_314 : vector<16xf32>
        %mul3A_316 = arith.mulf %sub3A_312, %sub3A_312 : vector<16xf32>
        %add3A_317 = arith.addf %add3A_315, %mul3A_316 : vector<16xf32>
        %max3A_318 = arith.maximumf %min3A_288, %add3A_317 : vector<16xf32>
        %min3A_319 = arith.minimumf %min3A_288, %add3A_317 : vector<16xf32>
        %max3A_320 = arith.maximumf %min3A_290, %max3A_318 : vector<16xf32>
        %min3A_321 = arith.minimumf %min3A_290, %max3A_318 : vector<16xf32>
        %max3A_322 = arith.maximumf %min3A_292, %max3A_320 : vector<16xf32>
        %min3A_323 = arith.minimumf %min3A_292, %max3A_320 : vector<16xf32>
        %min3A_324 = arith.minimumf %min3A_293, %max3A_322 : vector<16xf32>
        %mul3A_325 = arith.constant 4 : i32
        %mul3A_326 = arith.muli %scan3A_229, %mul3A_325 : i32
        %add3A_327 = arith.constant 3 : i32
        %add3A_328 = arith.addi %mul3A_326, %add3A_327 : i32
        %get3A_329 = arith.index_cast %add3A_328 : i32 to index
        %get3A_330 = arith.constant 32 : index
        %get3A_331 = tpu.vector_load %arg9[%get3A_329, %get3A_330] {strides = array<i32>} : memref<48x128xf32, #tpu.memory_space<vmem>>, vector<1x16xf32>,
        %get3A_332 = vector.shape_cast %get3A_331 : vector<1x16xf32> to vector<16xf32>
        %sub3A_333 = arith.subf %get3A_186, %get3A_332 : vector<16xf32>
        %get3A_334 = arith.index_cast %add3A_328 : i32 to index
        %get3A_335 = arith.constant 32 : index
        %get3A_336 = tpu.vector_load %arg10[%get3A_334, %get3A_335] {strides = array<i32>} : memref<48x128xf32, #tpu.memory_space<vmem>>, vector<1x16xf32>,
        %get3A_337 = vector.shape_cast %get3A_336 : vector<1x16xf32> to vector<16xf32>
        %sub3A_338 = arith.subf %get3A_190, %get3A_337 : vector<16xf32>
        %get3A_339 = arith.index_cast %add3A_328 : i32 to index
        %get3A_340 = arith.constant 32 : index
        %get3A_341 = tpu.vector_load %arg11[%get3A_339, %get3A_340] {strides = array<i32>} : memref<48x128xf32, #tpu.memory_space<vmem>>, vector<1x16xf32>,
        %get3A_342 = vector.shape_cast %get3A_341 : vector<1x16xf32> to vector<16xf32>
        %sub3A_343 = arith.subf %get3A_194, %get3A_342 : vector<16xf32>
        %mul3A_344 = arith.mulf %sub3A_333, %sub3A_333 : vector<16xf32>
        %mul3A_345 = arith.mulf %sub3A_338, %sub3A_338 : vector<16xf32>
        %add3A_346 = arith.addf %mul3A_344, %mul3A_345 : vector<16xf32>
        %mul3A_347 = arith.mulf %sub3A_343, %sub3A_343 : vector<16xf32>
        %add3A_348 = arith.addf %add3A_346, %mul3A_347 : vector<16xf32>
        %max3A_349 = arith.maximumf %min3A_319, %add3A_348 : vector<16xf32>
        %min3A_350 = arith.minimumf %min3A_319, %add3A_348 : vector<16xf32>
        %max3A_351 = arith.maximumf %min3A_321, %max3A_349 : vector<16xf32>
        %min3A_352 = arith.minimumf %min3A_321, %max3A_349 : vector<16xf32>
        %max3A_353 = arith.maximumf %min3A_323, %max3A_351 : vector<16xf32>
        %min3A_354 = arith.minimumf %min3A_323, %max3A_351 : vector<16xf32>
        %min3A_355 = arith.minimumf %min3A_324, %max3A_353 : vector<16xf32>
        scf.yield %min3A_350, %min3A_352, %min3A_354, %min3A_355 : vector<16xf32>, vector<16xf32>, vector<16xf32>, vector<16xf32>
      }
      %scan3A_213 = arith.constant 12 : i32
      %swap3A_214 = arith.index_cast %scan3A_183 : i32 to index
      %swap3A_215 = arith.constant 32 : index
      %swap3A_216 = tpu.vector_load %arg13[%swap3A_214, %swap3A_215] {strides = array<i32>} : memref<48x128xf32, #tpu.memory_space<vmem>>, vector<1x16xf32>,
      %swap3A_217 = vector.shape_cast %swap3A_216 : vector<1x16xf32> to vector<16xf32>
      %swap3A_218 = vector.shape_cast %scan3A_212#1 : vector<16xf32> to vector<1x16xf32>
      tpu.vector_store %arg13[%swap3A_214, %swap3A_215], %swap3A_218 {strides = array<i32>} : memref<48x128xf32, #tpu.memory_space<vmem>>, vector<1x16xf32>,
      %swap3A_219 = arith.index_cast %scan3A_183 : i32 to index
      %swap3A_220 = arith.constant 32 : index
      %swap3A_221 = tpu.vector_load %arg14[%swap3A_219, %swap3A_220] {strides = array<i32>} : memref<48x128xf32, #tpu.memory_space<vmem>>, vector<1x16xf32>,
      %swap3A_222 = vector.shape_cast %swap3A_221 : vector<1x16xf32> to vector<16xf32>
      %swap3A_223 = vector.shape_cast %scan3A_212#2 : vector<16xf32> to vector<1x16xf32>
      tpu.vector_store %arg14[%swap3A_219, %swap3A_220], %swap3A_223 {strides = array<i32>} : memref<48x128xf32, #tpu.memory_space<vmem>>, vector<1x16xf32>,
      %swap3A_224 = arith.index_cast %scan3A_183 : i32 to index
      %swap3A_225 = arith.constant 32 : index
      %swap3A_226 = tpu.vector_load %arg15[%swap3A_224, %swap3A_225] {strides = array<i32>} : memref<48x128xf32, #tpu.memory_space<vmem>>, vector<1x16xf32>,
      %swap3A_227 = vector.shape_cast %swap3A_226 : vector<1x16xf32> to vector<16xf32>
      %swap3A_228 = vector.shape_cast %scan3A_212#3 : vector<16xf32> to vector<1x16xf32>
      tpu.vector_store %arg15[%swap3A_224, %swap3A_225], %swap3A_228 {strides = array<i32>} : memref<48x128xf32, #tpu.memory_space<vmem>>, vector<1x16xf32>,
    }
    %scan3A_67 = arith.constant 48 : i32
    %broadcast_in_dim3A_68 = arith.constant 0.000000e+00 : f32
    %broadcast_in_dim3A_69 = vector.broadcast %broadcast_in_dim3A_68 : f32 to vector<16xf32>
    %scan3A_70 = arith.constant 0 : i32
    %scan3A_71 = arith.constant 48 : i32
    %scan3A_72 = arith.addi %scan3A_70, %scan3A_71 : i32
    %scan3A_73 = arith.constant 1 : i32
    %scan3A_74:3 = scf.for %scan3A_183 = %scan3A_70 to %scan3A_72 step %scan3A_73 iter_args(%scan3A_184 = %broadcast_in_dim3A_69, %scan3A_185 = %broadcast_in_dim3A_69, %scan3A_186 = %broadcast_in_dim3A_69) -> (vector<16xf32>, vector<16xf32>, vector<16xf32>)  : i32 {
      %get3A = arith.index_cast %scan3A_183 : i32 to index
      %get3A_187 = arith.constant 48 : index
      %get3A_188 = tpu.vector_load %arg9[%get3A, %get3A_187] {strides = array<i32>} : memref<48x128xf32, #tpu.memory_space<vmem>>, vector<1x16xf32>,
      %get3A_189 = vector.shape_cast %get3A_188 : vector<1x16xf32> to vector<16xf32>
      %add3A_190 = arith.addf %scan3A_184, %get3A_189 : vector<16xf32>
      %get3A_191 = arith.index_cast %scan3A_183 : i32 to index
      %get3A_192 = arith.constant 48 : index
      %get3A_193 = tpu.vector_load %arg10[%get3A_191, %get3A_192] {strides = array<i32>} : memref<48x128xf32, #tpu.memory_space<vmem>>, vector<1x16xf32>,
      %get3A_194 = vector.shape_cast %get3A_193 : vector<1x16xf32> to vector<16xf32>
      %add3A_195 = arith.addf %scan3A_185, %get3A_194 : vector<16xf32>
      %get3A_196 = arith.index_cast %scan3A_183 : i32 to index
      %get3A_197 = arith.constant 48 : index
      %get3A_198 = tpu.vector_load %arg11[%get3A_196, %get3A_197] {strides = array<i32>} : memref<48x128xf32, #tpu.memory_space<vmem>>, vector<1x16xf32>,
      %get3A_199 = vector.shape_cast %get3A_198 : vector<1x16xf32> to vector<16xf32>
      %add3A_200 = arith.addf %scan3A_186, %get3A_199 : vector<16xf32>
      scf.yield %add3A_190, %add3A_195, %add3A_200 : vector<16xf32>, vector<16xf32>, vector<16xf32>
    }
    %scan3A_75 = arith.constant 48 : i32
    %mul3A_76 = arith.constant 0.020833334 : f32
    %mul3A_77 = vector.broadcast %mul3A_76 : f32 to vector<16xf32>
    %mul3A_78 = arith.mulf %scan3A_74#0, %mul3A_77 : vector<16xf32>
    %mul3A_79 = arith.constant 0.020833334 : f32
    %mul3A_80 = vector.broadcast %mul3A_79 : f32 to vector<16xf32>
    %mul3A_81 = arith.mulf %scan3A_74#1, %mul3A_80 : vector<16xf32>
    %mul3A_82 = arith.constant 0.020833334 : f32
    %mul3A_83 = vector.broadcast %mul3A_82 : f32 to vector<16xf32>
    %mul3A_84 = arith.mulf %scan3A_74#2, %mul3A_83 : vector<16xf32>
    %scan3A_85 = arith.constant 0 : i32
    %scan3A_86 = arith.constant 0 : i32
    %scan3A_87 = arith.constant 48 : i32
    %scan3A_88 = arith.addi %scan3A_86, %scan3A_87 : i32
    %scan3A_89 = arith.constant 1 : i32
    scf.for %scan3A_183 = %scan3A_86 to %scan3A_88 step %scan3A_89  : i32 {
      %get3A = arith.index_cast %scan3A_183 : i32 to index
      %get3A_184 = arith.constant 48 : index
      %get3A_185 = tpu.vector_load %arg9[%get3A, %get3A_184] {strides = array<i32>} : memref<48x128xf32, #tpu.memory_space<vmem>>, vector<1x16xf32>,
      %get3A_186 = vector.shape_cast %get3A_185 : vector<1x16xf32> to vector<16xf32>
      %get3A_187 = arith.index_cast %scan3A_183 : i32 to index
      %get3A_188 = arith.constant 48 : index
      %get3A_189 = tpu.vector_load %arg10[%get3A_187, %get3A_188] {strides = array<i32>} : memref<48x128xf32, #tpu.memory_space<vmem>>, vector<1x16xf32>,
      %get3A_190 = vector.shape_cast %get3A_189 : vector<1x16xf32> to vector<16xf32>
      %get3A_191 = arith.index_cast %scan3A_183 : i32 to index
      %get3A_192 = arith.constant 48 : index
      %get3A_193 = tpu.vector_load %arg11[%get3A_191, %get3A_192] {strides = array<i32>} : memref<48x128xf32, #tpu.memory_space<vmem>>, vector<1x16xf32>,
      %get3A_194 = vector.shape_cast %get3A_193 : vector<1x16xf32> to vector<16xf32>
      %sub3A = arith.subf %get3A_186, %mul3A_78 : vector<16xf32>
      %sub3A_195 = arith.subf %get3A_190, %mul3A_81 : vector<16xf32>
      %sub3A_196 = arith.subf %get3A_194, %mul3A_84 : vector<16xf32>
      %mul3A_197 = arith.mulf %sub3A, %sub3A : vector<16xf32>
      %mul3A_198 = arith.mulf %sub3A_195, %sub3A_195 : vector<16xf32>
      %add3A_199 = arith.addf %mul3A_197, %mul3A_198 : vector<16xf32>
      %mul3A_200 = arith.mulf %sub3A_196, %sub3A_196 : vector<16xf32>
      %add3A_201 = arith.addf %add3A_199, %mul3A_200 : vector<16xf32>
      %swap3A = arith.index_cast %scan3A_183 : i32 to index
      %swap3A_202 = arith.constant 48 : index
      %swap3A_203 = tpu.vector_load %arg12[%swap3A, %swap3A_202] {strides = array<i32>} : memref<48x128xf32, #tpu.memory_space<vmem>>, vector<1x16xf32>,
      %swap3A_204 = vector.shape_cast %swap3A_203 : vector<1x16xf32> to vector<16xf32>
      %swap3A_205 = vector.shape_cast %add3A_201 : vector<16xf32> to vector<1x16xf32>
      tpu.vector_store %arg12[%swap3A, %swap3A_202], %swap3A_205 {strides = array<i32>} : memref<48x128xf32, #tpu.memory_space<vmem>>, vector<1x16xf32>,
      %broadcast_in_dim3A_206 = arith.constant 0x7F800000 : f32
      %broadcast_in_dim3A_207 = vector.broadcast %broadcast_in_dim3A_206 : f32 to vector<16xf32>
      %scan3A_208 = arith.constant 0 : i32
      %scan3A_209 = arith.constant 12 : i32
      %scan3A_210 = arith.addi %scan3A_208, %scan3A_209 : i32
      %scan3A_211 = arith.constant 1 : i32
      %scan3A_212:4 = scf.for %scan3A_229 = %scan3A_208 to %scan3A_210 step %scan3A_211 iter_args(%scan3A_230 = %broadcast_in_dim3A_207, %scan3A_231 = %broadcast_in_dim3A_207, %scan3A_232 = %broadcast_in_dim3A_207, %scan3A_233 = %broadcast_in_dim3A_207) -> (vector<16xf32>, vector<16xf32>, vector<16xf32>, vector<16xf32>)  : i32 {
        %mul3A_234 = arith.constant 4 : i32
        %mul3A_235 = arith.muli %scan3A_229, %mul3A_234 : i32
        %add3A_236 = arith.constant 0 : i32
        %add3A_237 = arith.addi %mul3A_235, %add3A_236 : i32
        %get3A_238 = arith.index_cast %add3A_237 : i32 to index
        %get3A_239 = arith.constant 48 : index
        %get3A_240 = tpu.vector_load %arg9[%get3A_238, %get3A_239] {strides = array<i32>} : memref<48x128xf32, #tpu.memory_space<vmem>>, vector<1x16xf32>,
        %get3A_241 = vector.shape_cast %get3A_240 : vector<1x16xf32> to vector<16xf32>
        %sub3A_242 = arith.subf %get3A_186, %get3A_241 : vector<16xf32>
        %get3A_243 = arith.index_cast %add3A_237 : i32 to index
        %get3A_244 = arith.constant 48 : index
        %get3A_245 = tpu.vector_load %arg10[%get3A_243, %get3A_244] {strides = array<i32>} : memref<48x128xf32, #tpu.memory_space<vmem>>, vector<1x16xf32>,
        %get3A_246 = vector.shape_cast %get3A_245 : vector<1x16xf32> to vector<16xf32>
        %sub3A_247 = arith.subf %get3A_190, %get3A_246 : vector<16xf32>
        %get3A_248 = arith.index_cast %add3A_237 : i32 to index
        %get3A_249 = arith.constant 48 : index
        %get3A_250 = tpu.vector_load %arg11[%get3A_248, %get3A_249] {strides = array<i32>} : memref<48x128xf32, #tpu.memory_space<vmem>>, vector<1x16xf32>,
        %get3A_251 = vector.shape_cast %get3A_250 : vector<1x16xf32> to vector<16xf32>
        %sub3A_252 = arith.subf %get3A_194, %get3A_251 : vector<16xf32>
        %mul3A_253 = arith.mulf %sub3A_242, %sub3A_242 : vector<16xf32>
        %mul3A_254 = arith.mulf %sub3A_247, %sub3A_247 : vector<16xf32>
        %add3A_255 = arith.addf %mul3A_253, %mul3A_254 : vector<16xf32>
        %mul3A_256 = arith.mulf %sub3A_252, %sub3A_252 : vector<16xf32>
        %add3A_257 = arith.addf %add3A_255, %mul3A_256 : vector<16xf32>
        %max3A = arith.maximumf %scan3A_230, %add3A_257 : vector<16xf32>
        %min3A = arith.minimumf %scan3A_230, %add3A_257 : vector<16xf32>
        %max3A_258 = arith.maximumf %scan3A_231, %max3A : vector<16xf32>
        %min3A_259 = arith.minimumf %scan3A_231, %max3A : vector<16xf32>
        %max3A_260 = arith.maximumf %scan3A_232, %max3A_258 : vector<16xf32>
        %min3A_261 = arith.minimumf %scan3A_232, %max3A_258 : vector<16xf32>
        %min3A_262 = arith.minimumf %scan3A_233, %max3A_260 : vector<16xf32>
        %mul3A_263 = arith.constant 4 : i32
        %mul3A_264 = arith.muli %scan3A_229, %mul3A_263 : i32
        %add3A_265 = arith.constant 1 : i32
        %add3A_266 = arith.addi %mul3A_264, %add3A_265 : i32
        %get3A_267 = arith.index_cast %add3A_266 : i32 to index
        %get3A_268 = arith.constant 48 : index
        %get3A_269 = tpu.vector_load %arg9[%get3A_267, %get3A_268] {strides = array<i32>} : memref<48x128xf32, #tpu.memory_space<vmem>>, vector<1x16xf32>,
        %get3A_270 = vector.shape_cast %get3A_269 : vector<1x16xf32> to vector<16xf32>
        %sub3A_271 = arith.subf %get3A_186, %get3A_270 : vector<16xf32>
        %get3A_272 = arith.index_cast %add3A_266 : i32 to index
        %get3A_273 = arith.constant 48 : index
        %get3A_274 = tpu.vector_load %arg10[%get3A_272, %get3A_273] {strides = array<i32>} : memref<48x128xf32, #tpu.memory_space<vmem>>, vector<1x16xf32>,
        %get3A_275 = vector.shape_cast %get3A_274 : vector<1x16xf32> to vector<16xf32>
        %sub3A_276 = arith.subf %get3A_190, %get3A_275 : vector<16xf32>
        %get3A_277 = arith.index_cast %add3A_266 : i32 to index
        %get3A_278 = arith.constant 48 : index
        %get3A_279 = tpu.vector_load %arg11[%get3A_277, %get3A_278] {strides = array<i32>} : memref<48x128xf32, #tpu.memory_space<vmem>>, vector<1x16xf32>,
        %get3A_280 = vector.shape_cast %get3A_279 : vector<1x16xf32> to vector<16xf32>
        %sub3A_281 = arith.subf %get3A_194, %get3A_280 : vector<16xf32>
        %mul3A_282 = arith.mulf %sub3A_271, %sub3A_271 : vector<16xf32>
        %mul3A_283 = arith.mulf %sub3A_276, %sub3A_276 : vector<16xf32>
        %add3A_284 = arith.addf %mul3A_282, %mul3A_283 : vector<16xf32>
        %mul3A_285 = arith.mulf %sub3A_281, %sub3A_281 : vector<16xf32>
        %add3A_286 = arith.addf %add3A_284, %mul3A_285 : vector<16xf32>
        %max3A_287 = arith.maximumf %min3A, %add3A_286 : vector<16xf32>
        %min3A_288 = arith.minimumf %min3A, %add3A_286 : vector<16xf32>
        %max3A_289 = arith.maximumf %min3A_259, %max3A_287 : vector<16xf32>
        %min3A_290 = arith.minimumf %min3A_259, %max3A_287 : vector<16xf32>
        %max3A_291 = arith.maximumf %min3A_261, %max3A_289 : vector<16xf32>
        %min3A_292 = arith.minimumf %min3A_261, %max3A_289 : vector<16xf32>
        %min3A_293 = arith.minimumf %min3A_262, %max3A_291 : vector<16xf32>
        %mul3A_294 = arith.constant 4 : i32
        %mul3A_295 = arith.muli %scan3A_229, %mul3A_294 : i32
        %add3A_296 = arith.constant 2 : i32
        %add3A_297 = arith.addi %mul3A_295, %add3A_296 : i32
        %get3A_298 = arith.index_cast %add3A_297 : i32 to index
        %get3A_299 = arith.constant 48 : index
        %get3A_300 = tpu.vector_load %arg9[%get3A_298, %get3A_299] {strides = array<i32>} : memref<48x128xf32, #tpu.memory_space<vmem>>, vector<1x16xf32>,
        %get3A_301 = vector.shape_cast %get3A_300 : vector<1x16xf32> to vector<16xf32>
        %sub3A_302 = arith.subf %get3A_186, %get3A_301 : vector<16xf32>
        %get3A_303 = arith.index_cast %add3A_297 : i32 to index
        %get3A_304 = arith.constant 48 : index
        %get3A_305 = tpu.vector_load %arg10[%get3A_303, %get3A_304] {strides = array<i32>} : memref<48x128xf32, #tpu.memory_space<vmem>>, vector<1x16xf32>,
        %get3A_306 = vector.shape_cast %get3A_305 : vector<1x16xf32> to vector<16xf32>
        %sub3A_307 = arith.subf %get3A_190, %get3A_306 : vector<16xf32>
        %get3A_308 = arith.index_cast %add3A_297 : i32 to index
        %get3A_309 = arith.constant 48 : index
        %get3A_310 = tpu.vector_load %arg11[%get3A_308, %get3A_309] {strides = array<i32>} : memref<48x128xf32, #tpu.memory_space<vmem>>, vector<1x16xf32>,
        %get3A_311 = vector.shape_cast %get3A_310 : vector<1x16xf32> to vector<16xf32>
        %sub3A_312 = arith.subf %get3A_194, %get3A_311 : vector<16xf32>
        %mul3A_313 = arith.mulf %sub3A_302, %sub3A_302 : vector<16xf32>
        %mul3A_314 = arith.mulf %sub3A_307, %sub3A_307 : vector<16xf32>
        %add3A_315 = arith.addf %mul3A_313, %mul3A_314 : vector<16xf32>
        %mul3A_316 = arith.mulf %sub3A_312, %sub3A_312 : vector<16xf32>
        %add3A_317 = arith.addf %add3A_315, %mul3A_316 : vector<16xf32>
        %max3A_318 = arith.maximumf %min3A_288, %add3A_317 : vector<16xf32>
        %min3A_319 = arith.minimumf %min3A_288, %add3A_317 : vector<16xf32>
        %max3A_320 = arith.maximumf %min3A_290, %max3A_318 : vector<16xf32>
        %min3A_321 = arith.minimumf %min3A_290, %max3A_318 : vector<16xf32>
        %max3A_322 = arith.maximumf %min3A_292, %max3A_320 : vector<16xf32>
        %min3A_323 = arith.minimumf %min3A_292, %max3A_320 : vector<16xf32>
        %min3A_324 = arith.minimumf %min3A_293, %max3A_322 : vector<16xf32>
        %mul3A_325 = arith.constant 4 : i32
        %mul3A_326 = arith.muli %scan3A_229, %mul3A_325 : i32
        %add3A_327 = arith.constant 3 : i32
        %add3A_328 = arith.addi %mul3A_326, %add3A_327 : i32
        %get3A_329 = arith.index_cast %add3A_328 : i32 to index
        %get3A_330 = arith.constant 48 : index
        %get3A_331 = tpu.vector_load %arg9[%get3A_329, %get3A_330] {strides = array<i32>} : memref<48x128xf32, #tpu.memory_space<vmem>>, vector<1x16xf32>,
        %get3A_332 = vector.shape_cast %get3A_331 : vector<1x16xf32> to vector<16xf32>
        %sub3A_333 = arith.subf %get3A_186, %get3A_332 : vector<16xf32>
        %get3A_334 = arith.index_cast %add3A_328 : i32 to index
        %get3A_335 = arith.constant 48 : index
        %get3A_336 = tpu.vector_load %arg10[%get3A_334, %get3A_335] {strides = array<i32>} : memref<48x128xf32, #tpu.memory_space<vmem>>, vector<1x16xf32>,
        %get3A_337 = vector.shape_cast %get3A_336 : vector<1x16xf32> to vector<16xf32>
        %sub3A_338 = arith.subf %get3A_190, %get3A_337 : vector<16xf32>
        %get3A_339 = arith.index_cast %add3A_328 : i32 to index
        %get3A_340 = arith.constant 48 : index
        %get3A_341 = tpu.vector_load %arg11[%get3A_339, %get3A_340] {strides = array<i32>} : memref<48x128xf32, #tpu.memory_space<vmem>>, vector<1x16xf32>,
        %get3A_342 = vector.shape_cast %get3A_341 : vector<1x16xf32> to vector<16xf32>
        %sub3A_343 = arith.subf %get3A_194, %get3A_342 : vector<16xf32>
        %mul3A_344 = arith.mulf %sub3A_333, %sub3A_333 : vector<16xf32>
        %mul3A_345 = arith.mulf %sub3A_338, %sub3A_338 : vector<16xf32>
        %add3A_346 = arith.addf %mul3A_344, %mul3A_345 : vector<16xf32>
        %mul3A_347 = arith.mulf %sub3A_343, %sub3A_343 : vector<16xf32>
        %add3A_348 = arith.addf %add3A_346, %mul3A_347 : vector<16xf32>
        %max3A_349 = arith.maximumf %min3A_319, %add3A_348 : vector<16xf32>
        %min3A_350 = arith.minimumf %min3A_319, %add3A_348 : vector<16xf32>
        %max3A_351 = arith.maximumf %min3A_321, %max3A_349 : vector<16xf32>
        %min3A_352 = arith.minimumf %min3A_321, %max3A_349 : vector<16xf32>
        %max3A_353 = arith.maximumf %min3A_323, %max3A_351 : vector<16xf32>
        %min3A_354 = arith.minimumf %min3A_323, %max3A_351 : vector<16xf32>
        %min3A_355 = arith.minimumf %min3A_324, %max3A_353 : vector<16xf32>
        scf.yield %min3A_350, %min3A_352, %min3A_354, %min3A_355 : vector<16xf32>, vector<16xf32>, vector<16xf32>, vector<16xf32>
      }
      %scan3A_213 = arith.constant 12 : i32
      %swap3A_214 = arith.index_cast %scan3A_183 : i32 to index
      %swap3A_215 = arith.constant 48 : index
      %swap3A_216 = tpu.vector_load %arg13[%swap3A_214, %swap3A_215] {strides = array<i32>} : memref<48x128xf32, #tpu.memory_space<vmem>>, vector<1x16xf32>,
      %swap3A_217 = vector.shape_cast %swap3A_216 : vector<1x16xf32> to vector<16xf32>
      %swap3A_218 = vector.shape_cast %scan3A_212#1 : vector<16xf32> to vector<1x16xf32>
      tpu.vector_store %arg13[%swap3A_214, %swap3A_215], %swap3A_218 {strides = array<i32>} : memref<48x128xf32, #tpu.memory_space<vmem>>, vector<1x16xf32>,
      %swap3A_219 = arith.index_cast %scan3A_183 : i32 to index
      %swap3A_220 = arith.constant 48 : index
      %swap3A_221 = tpu.vector_load %arg14[%swap3A_219, %swap3A_220] {strides = array<i32>} : memref<48x128xf32, #tpu.memory_space<vmem>>, vector<1x16xf32>,
      %swap3A_222 = vector.shape_cast %swap3A_221 : vector<1x16xf32> to vector<16xf32>
      %swap3A_223 = vector.shape_cast %scan3A_212#2 : vector<16xf32> to vector<1x16xf32>
      tpu.vector_store %arg14[%swap3A_219, %swap3A_220], %swap3A_223 {strides = array<i32>} : memref<48x128xf32, #tpu.memory_space<vmem>>, vector<1x16xf32>,
      %swap3A_224 = arith.index_cast %scan3A_183 : i32 to index
      %swap3A_225 = arith.constant 48 : index
      %swap3A_226 = tpu.vector_load %arg15[%swap3A_224, %swap3A_225] {strides = array<i32>} : memref<48x128xf32, #tpu.memory_space<vmem>>, vector<1x16xf32>,
      %swap3A_227 = vector.shape_cast %swap3A_226 : vector<1x16xf32> to vector<16xf32>
      %swap3A_228 = vector.shape_cast %scan3A_212#3 : vector<16xf32> to vector<1x16xf32>
      tpu.vector_store %arg15[%swap3A_224, %swap3A_225], %swap3A_228 {strides = array<i32>} : memref<48x128xf32, #tpu.memory_space<vmem>>, vector<1x16xf32>,
    }
    %scan3A_90 = arith.constant 48 : i32
    %broadcast_in_dim3A_91 = arith.constant 0.000000e+00 : f32
    %broadcast_in_dim3A_92 = vector.broadcast %broadcast_in_dim3A_91 : f32 to vector<16xf32>
    %scan3A_93 = arith.constant 0 : i32
    %scan3A_94 = arith.constant 48 : i32
    %scan3A_95 = arith.addi %scan3A_93, %scan3A_94 : i32
    %scan3A_96 = arith.constant 1 : i32
    %scan3A_97:3 = scf.for %scan3A_183 = %scan3A_93 to %scan3A_95 step %scan3A_96 iter_args(%scan3A_184 = %broadcast_in_dim3A_92, %scan3A_185 = %broadcast_in_dim3A_92, %scan3A_186 = %broadcast_in_dim3A_92) -> (vector<16xf32>, vector<16xf32>, vector<16xf32>)  : i32 {
      %get3A = arith.index_cast %scan3A_183 : i32 to index
      %get3A_187 = arith.constant 64 : index
      %get3A_188 = tpu.vector_load %arg9[%get3A, %get3A_187] {strides = array<i32>} : memref<48x128xf32, #tpu.memory_space<vmem>>, vector<1x16xf32>,
      %get3A_189 = vector.shape_cast %get3A_188 : vector<1x16xf32> to vector<16xf32>
      %add3A_190 = arith.addf %scan3A_184, %get3A_189 : vector<16xf32>
      %get3A_191 = arith.index_cast %scan3A_183 : i32 to index
      %get3A_192 = arith.constant 64 : index
      %get3A_193 = tpu.vector_load %arg10[%get3A_191, %get3A_192] {strides = array<i32>} : memref<48x128xf32, #tpu.memory_space<vmem>>, vector<1x16xf32>,
      %get3A_194 = vector.shape_cast %get3A_193 : vector<1x16xf32> to vector<16xf32>
      %add3A_195 = arith.addf %scan3A_185, %get3A_194 : vector<16xf32>
      %get3A_196 = arith.index_cast %scan3A_183 : i32 to index
      %get3A_197 = arith.constant 64 : index
      %get3A_198 = tpu.vector_load %arg11[%get3A_196, %get3A_197] {strides = array<i32>} : memref<48x128xf32, #tpu.memory_space<vmem>>, vector<1x16xf32>,
      %get3A_199 = vector.shape_cast %get3A_198 : vector<1x16xf32> to vector<16xf32>
      %add3A_200 = arith.addf %scan3A_186, %get3A_199 : vector<16xf32>
      scf.yield %add3A_190, %add3A_195, %add3A_200 : vector<16xf32>, vector<16xf32>, vector<16xf32>
    }
    %scan3A_98 = arith.constant 48 : i32
    %mul3A_99 = arith.constant 0.020833334 : f32
    %mul3A_100 = vector.broadcast %mul3A_99 : f32 to vector<16xf32>
    %mul3A_101 = arith.mulf %scan3A_97#0, %mul3A_100 : vector<16xf32>
    %mul3A_102 = arith.constant 0.020833334 : f32
    %mul3A_103 = vector.broadcast %mul3A_102 : f32 to vector<16xf32>
    %mul3A_104 = arith.mulf %scan3A_97#1, %mul3A_103 : vector<16xf32>
    %mul3A_105 = arith.constant 0.020833334 : f32
    %mul3A_106 = vector.broadcast %mul3A_105 : f32 to vector<16xf32>
    %mul3A_107 = arith.mulf %scan3A_97#2, %mul3A_106 : vector<16xf32>
    %scan3A_108 = arith.constant 0 : i32
    %scan3A_109 = arith.constant 0 : i32
    %scan3A_110 = arith.constant 48 : i32
    %scan3A_111 = arith.addi %scan3A_109, %scan3A_110 : i32
    %scan3A_112 = arith.constant 1 : i32
    scf.for %scan3A_183 = %scan3A_109 to %scan3A_111 step %scan3A_112  : i32 {
      %get3A = arith.index_cast %scan3A_183 : i32 to index
      %get3A_184 = arith.constant 64 : index
      %get3A_185 = tpu.vector_load %arg9[%get3A, %get3A_184] {strides = array<i32>} : memref<48x128xf32, #tpu.memory_space<vmem>>, vector<1x16xf32>,
      %get3A_186 = vector.shape_cast %get3A_185 : vector<1x16xf32> to vector<16xf32>
      %get3A_187 = arith.index_cast %scan3A_183 : i32 to index
      %get3A_188 = arith.constant 64 : index
      %get3A_189 = tpu.vector_load %arg10[%get3A_187, %get3A_188] {strides = array<i32>} : memref<48x128xf32, #tpu.memory_space<vmem>>, vector<1x16xf32>,
      %get3A_190 = vector.shape_cast %get3A_189 : vector<1x16xf32> to vector<16xf32>
      %get3A_191 = arith.index_cast %scan3A_183 : i32 to index
      %get3A_192 = arith.constant 64 : index
      %get3A_193 = tpu.vector_load %arg11[%get3A_191, %get3A_192] {strides = array<i32>} : memref<48x128xf32, #tpu.memory_space<vmem>>, vector<1x16xf32>,
      %get3A_194 = vector.shape_cast %get3A_193 : vector<1x16xf32> to vector<16xf32>
      %sub3A = arith.subf %get3A_186, %mul3A_101 : vector<16xf32>
      %sub3A_195 = arith.subf %get3A_190, %mul3A_104 : vector<16xf32>
      %sub3A_196 = arith.subf %get3A_194, %mul3A_107 : vector<16xf32>
      %mul3A_197 = arith.mulf %sub3A, %sub3A : vector<16xf32>
      %mul3A_198 = arith.mulf %sub3A_195, %sub3A_195 : vector<16xf32>
      %add3A_199 = arith.addf %mul3A_197, %mul3A_198 : vector<16xf32>
      %mul3A_200 = arith.mulf %sub3A_196, %sub3A_196 : vector<16xf32>
      %add3A_201 = arith.addf %add3A_199, %mul3A_200 : vector<16xf32>
      %swap3A = arith.index_cast %scan3A_183 : i32 to index
      %swap3A_202 = arith.constant 64 : index
      %swap3A_203 = tpu.vector_load %arg12[%swap3A, %swap3A_202] {strides = array<i32>} : memref<48x128xf32, #tpu.memory_space<vmem>>, vector<1x16xf32>,
      %swap3A_204 = vector.shape_cast %swap3A_203 : vector<1x16xf32> to vector<16xf32>
      %swap3A_205 = vector.shape_cast %add3A_201 : vector<16xf32> to vector<1x16xf32>
      tpu.vector_store %arg12[%swap3A, %swap3A_202], %swap3A_205 {strides = array<i32>} : memref<48x128xf32, #tpu.memory_space<vmem>>, vector<1x16xf32>,
      %broadcast_in_dim3A_206 = arith.constant 0x7F800000 : f32
      %broadcast_in_dim3A_207 = vector.broadcast %broadcast_in_dim3A_206 : f32 to vector<16xf32>
      %scan3A_208 = arith.constant 0 : i32
      %scan3A_209 = arith.constant 12 : i32
      %scan3A_210 = arith.addi %scan3A_208, %scan3A_209 : i32
      %scan3A_211 = arith.constant 1 : i32
      %scan3A_212:4 = scf.for %scan3A_229 = %scan3A_208 to %scan3A_210 step %scan3A_211 iter_args(%scan3A_230 = %broadcast_in_dim3A_207, %scan3A_231 = %broadcast_in_dim3A_207, %scan3A_232 = %broadcast_in_dim3A_207, %scan3A_233 = %broadcast_in_dim3A_207) -> (vector<16xf32>, vector<16xf32>, vector<16xf32>, vector<16xf32>)  : i32 {
        %mul3A_234 = arith.constant 4 : i32
        %mul3A_235 = arith.muli %scan3A_229, %mul3A_234 : i32
        %add3A_236 = arith.constant 0 : i32
        %add3A_237 = arith.addi %mul3A_235, %add3A_236 : i32
        %get3A_238 = arith.index_cast %add3A_237 : i32 to index
        %get3A_239 = arith.constant 64 : index
        %get3A_240 = tpu.vector_load %arg9[%get3A_238, %get3A_239] {strides = array<i32>} : memref<48x128xf32, #tpu.memory_space<vmem>>, vector<1x16xf32>,
        %get3A_241 = vector.shape_cast %get3A_240 : vector<1x16xf32> to vector<16xf32>
        %sub3A_242 = arith.subf %get3A_186, %get3A_241 : vector<16xf32>
        %get3A_243 = arith.index_cast %add3A_237 : i32 to index
        %get3A_244 = arith.constant 64 : index
        %get3A_245 = tpu.vector_load %arg10[%get3A_243, %get3A_244] {strides = array<i32>} : memref<48x128xf32, #tpu.memory_space<vmem>>, vector<1x16xf32>,
        %get3A_246 = vector.shape_cast %get3A_245 : vector<1x16xf32> to vector<16xf32>
        %sub3A_247 = arith.subf %get3A_190, %get3A_246 : vector<16xf32>
        %get3A_248 = arith.index_cast %add3A_237 : i32 to index
        %get3A_249 = arith.constant 64 : index
        %get3A_250 = tpu.vector_load %arg11[%get3A_248, %get3A_249] {strides = array<i32>} : memref<48x128xf32, #tpu.memory_space<vmem>>, vector<1x16xf32>,
        %get3A_251 = vector.shape_cast %get3A_250 : vector<1x16xf32> to vector<16xf32>
        %sub3A_252 = arith.subf %get3A_194, %get3A_251 : vector<16xf32>
        %mul3A_253 = arith.mulf %sub3A_242, %sub3A_242 : vector<16xf32>
        %mul3A_254 = arith.mulf %sub3A_247, %sub3A_247 : vector<16xf32>
        %add3A_255 = arith.addf %mul3A_253, %mul3A_254 : vector<16xf32>
        %mul3A_256 = arith.mulf %sub3A_252, %sub3A_252 : vector<16xf32>
        %add3A_257 = arith.addf %add3A_255, %mul3A_256 : vector<16xf32>
        %max3A = arith.maximumf %scan3A_230, %add3A_257 : vector<16xf32>
        %min3A = arith.minimumf %scan3A_230, %add3A_257 : vector<16xf32>
        %max3A_258 = arith.maximumf %scan3A_231, %max3A : vector<16xf32>
        %min3A_259 = arith.minimumf %scan3A_231, %max3A : vector<16xf32>
        %max3A_260 = arith.maximumf %scan3A_232, %max3A_258 : vector<16xf32>
        %min3A_261 = arith.minimumf %scan3A_232, %max3A_258 : vector<16xf32>
        %min3A_262 = arith.minimumf %scan3A_233, %max3A_260 : vector<16xf32>
        %mul3A_263 = arith.constant 4 : i32
        %mul3A_264 = arith.muli %scan3A_229, %mul3A_263 : i32
        %add3A_265 = arith.constant 1 : i32
        %add3A_266 = arith.addi %mul3A_264, %add3A_265 : i32
        %get3A_267 = arith.index_cast %add3A_266 : i32 to index
        %get3A_268 = arith.constant 64 : index
        %get3A_269 = tpu.vector_load %arg9[%get3A_267, %get3A_268] {strides = array<i32>} : memref<48x128xf32, #tpu.memory_space<vmem>>, vector<1x16xf32>,
        %get3A_270 = vector.shape_cast %get3A_269 : vector<1x16xf32> to vector<16xf32>
        %sub3A_271 = arith.subf %get3A_186, %get3A_270 : vector<16xf32>
        %get3A_272 = arith.index_cast %add3A_266 : i32 to index
        %get3A_273 = arith.constant 64 : index
        %get3A_274 = tpu.vector_load %arg10[%get3A_272, %get3A_273] {strides = array<i32>} : memref<48x128xf32, #tpu.memory_space<vmem>>, vector<1x16xf32>,
        %get3A_275 = vector.shape_cast %get3A_274 : vector<1x16xf32> to vector<16xf32>
        %sub3A_276 = arith.subf %get3A_190, %get3A_275 : vector<16xf32>
        %get3A_277 = arith.index_cast %add3A_266 : i32 to index
        %get3A_278 = arith.constant 64 : index
        %get3A_279 = tpu.vector_load %arg11[%get3A_277, %get3A_278] {strides = array<i32>} : memref<48x128xf32, #tpu.memory_space<vmem>>, vector<1x16xf32>,
        %get3A_280 = vector.shape_cast %get3A_279 : vector<1x16xf32> to vector<16xf32>
        %sub3A_281 = arith.subf %get3A_194, %get3A_280 : vector<16xf32>
        %mul3A_282 = arith.mulf %sub3A_271, %sub3A_271 : vector<16xf32>
        %mul3A_283 = arith.mulf %sub3A_276, %sub3A_276 : vector<16xf32>
        %add3A_284 = arith.addf %mul3A_282, %mul3A_283 : vector<16xf32>
        %mul3A_285 = arith.mulf %sub3A_281, %sub3A_281 : vector<16xf32>
        %add3A_286 = arith.addf %add3A_284, %mul3A_285 : vector<16xf32>
        %max3A_287 = arith.maximumf %min3A, %add3A_286 : vector<16xf32>
        %min3A_288 = arith.minimumf %min3A, %add3A_286 : vector<16xf32>
        %max3A_289 = arith.maximumf %min3A_259, %max3A_287 : vector<16xf32>
        %min3A_290 = arith.minimumf %min3A_259, %max3A_287 : vector<16xf32>
        %max3A_291 = arith.maximumf %min3A_261, %max3A_289 : vector<16xf32>
        %min3A_292 = arith.minimumf %min3A_261, %max3A_289 : vector<16xf32>
        %min3A_293 = arith.minimumf %min3A_262, %max3A_291 : vector<16xf32>
        %mul3A_294 = arith.constant 4 : i32
        %mul3A_295 = arith.muli %scan3A_229, %mul3A_294 : i32
        %add3A_296 = arith.constant 2 : i32
        %add3A_297 = arith.addi %mul3A_295, %add3A_296 : i32
        %get3A_298 = arith.index_cast %add3A_297 : i32 to index
        %get3A_299 = arith.constant 64 : index
        %get3A_300 = tpu.vector_load %arg9[%get3A_298, %get3A_299] {strides = array<i32>} : memref<48x128xf32, #tpu.memory_space<vmem>>, vector<1x16xf32>,
        %get3A_301 = vector.shape_cast %get3A_300 : vector<1x16xf32> to vector<16xf32>
        %sub3A_302 = arith.subf %get3A_186, %get3A_301 : vector<16xf32>
        %get3A_303 = arith.index_cast %add3A_297 : i32 to index
        %get3A_304 = arith.constant 64 : index
        %get3A_305 = tpu.vector_load %arg10[%get3A_303, %get3A_304] {strides = array<i32>} : memref<48x128xf32, #tpu.memory_space<vmem>>, vector<1x16xf32>,
        %get3A_306 = vector.shape_cast %get3A_305 : vector<1x16xf32> to vector<16xf32>
        %sub3A_307 = arith.subf %get3A_190, %get3A_306 : vector<16xf32>
        %get3A_308 = arith.index_cast %add3A_297 : i32 to index
        %get3A_309 = arith.constant 64 : index
        %get3A_310 = tpu.vector_load %arg11[%get3A_308, %get3A_309] {strides = array<i32>} : memref<48x128xf32, #tpu.memory_space<vmem>>, vector<1x16xf32>,
        %get3A_311 = vector.shape_cast %get3A_310 : vector<1x16xf32> to vector<16xf32>
        %sub3A_312 = arith.subf %get3A_194, %get3A_311 : vector<16xf32>
        %mul3A_313 = arith.mulf %sub3A_302, %sub3A_302 : vector<16xf32>
        %mul3A_314 = arith.mulf %sub3A_307, %sub3A_307 : vector<16xf32>
        %add3A_315 = arith.addf %mul3A_313, %mul3A_314 : vector<16xf32>
        %mul3A_316 = arith.mulf %sub3A_312, %sub3A_312 : vector<16xf32>
        %add3A_317 = arith.addf %add3A_315, %mul3A_316 : vector<16xf32>
        %max3A_318 = arith.maximumf %min3A_288, %add3A_317 : vector<16xf32>
        %min3A_319 = arith.minimumf %min3A_288, %add3A_317 : vector<16xf32>
        %max3A_320 = arith.maximumf %min3A_290, %max3A_318 : vector<16xf32>
        %min3A_321 = arith.minimumf %min3A_290, %max3A_318 : vector<16xf32>
        %max3A_322 = arith.maximumf %min3A_292, %max3A_320 : vector<16xf32>
        %min3A_323 = arith.minimumf %min3A_292, %max3A_320 : vector<16xf32>
        %min3A_324 = arith.minimumf %min3A_293, %max3A_322 : vector<16xf32>
        %mul3A_325 = arith.constant 4 : i32
        %mul3A_326 = arith.muli %scan3A_229, %mul3A_325 : i32
        %add3A_327 = arith.constant 3 : i32
        %add3A_328 = arith.addi %mul3A_326, %add3A_327 : i32
        %get3A_329 = arith.index_cast %add3A_328 : i32 to index
        %get3A_330 = arith.constant 64 : index
        %get3A_331 = tpu.vector_load %arg9[%get3A_329, %get3A_330] {strides = array<i32>} : memref<48x128xf32, #tpu.memory_space<vmem>>, vector<1x16xf32>,
        %get3A_332 = vector.shape_cast %get3A_331 : vector<1x16xf32> to vector<16xf32>
        %sub3A_333 = arith.subf %get3A_186, %get3A_332 : vector<16xf32>
        %get3A_334 = arith.index_cast %add3A_328 : i32 to index
        %get3A_335 = arith.constant 64 : index
        %get3A_336 = tpu.vector_load %arg10[%get3A_334, %get3A_335] {strides = array<i32>} : memref<48x128xf32, #tpu.memory_space<vmem>>, vector<1x16xf32>,
        %get3A_337 = vector.shape_cast %get3A_336 : vector<1x16xf32> to vector<16xf32>
        %sub3A_338 = arith.subf %get3A_190, %get3A_337 : vector<16xf32>
        %get3A_339 = arith.index_cast %add3A_328 : i32 to index
        %get3A_340 = arith.constant 64 : index
        %get3A_341 = tpu.vector_load %arg11[%get3A_339, %get3A_340] {strides = array<i32>} : memref<48x128xf32, #tpu.memory_space<vmem>>, vector<1x16xf32>,
        %get3A_342 = vector.shape_cast %get3A_341 : vector<1x16xf32> to vector<16xf32>
        %sub3A_343 = arith.subf %get3A_194, %get3A_342 : vector<16xf32>
        %mul3A_344 = arith.mulf %sub3A_333, %sub3A_333 : vector<16xf32>
        %mul3A_345 = arith.mulf %sub3A_338, %sub3A_338 : vector<16xf32>
        %add3A_346 = arith.addf %mul3A_344, %mul3A_345 : vector<16xf32>
        %mul3A_347 = arith.mulf %sub3A_343, %sub3A_343 : vector<16xf32>
        %add3A_348 = arith.addf %add3A_346, %mul3A_347 : vector<16xf32>
        %max3A_349 = arith.maximumf %min3A_319, %add3A_348 : vector<16xf32>
        %min3A_350 = arith.minimumf %min3A_319, %add3A_348 : vector<16xf32>
        %max3A_351 = arith.maximumf %min3A_321, %max3A_349 : vector<16xf32>
        %min3A_352 = arith.minimumf %min3A_321, %max3A_349 : vector<16xf32>
        %max3A_353 = arith.maximumf %min3A_323, %max3A_351 : vector<16xf32>
        %min3A_354 = arith.minimumf %min3A_323, %max3A_351 : vector<16xf32>
        %min3A_355 = arith.minimumf %min3A_324, %max3A_353 : vector<16xf32>
        scf.yield %min3A_350, %min3A_352, %min3A_354, %min3A_355 : vector<16xf32>, vector<16xf32>, vector<16xf32>, vector<16xf32>
      }
      %scan3A_213 = arith.constant 12 : i32
      %swap3A_214 = arith.index_cast %scan3A_183 : i32 to index
      %swap3A_215 = arith.constant 64 : index
      %swap3A_216 = tpu.vector_load %arg13[%swap3A_214, %swap3A_215] {strides = array<i32>} : memref<48x128xf32, #tpu.memory_space<vmem>>, vector<1x16xf32>,
      %swap3A_217 = vector.shape_cast %swap3A_216 : vector<1x16xf32> to vector<16xf32>
      %swap3A_218 = vector.shape_cast %scan3A_212#1 : vector<16xf32> to vector<1x16xf32>
      tpu.vector_store %arg13[%swap3A_214, %swap3A_215], %swap3A_218 {strides = array<i32>} : memref<48x128xf32, #tpu.memory_space<vmem>>, vector<1x16xf32>,
      %swap3A_219 = arith.index_cast %scan3A_183 : i32 to index
      %swap3A_220 = arith.constant 64 : index
      %swap3A_221 = tpu.vector_load %arg14[%swap3A_219, %swap3A_220] {strides = array<i32>} : memref<48x128xf32, #tpu.memory_space<vmem>>, vector<1x16xf32>,
      %swap3A_222 = vector.shape_cast %swap3A_221 : vector<1x16xf32> to vector<16xf32>
      %swap3A_223 = vector.shape_cast %scan3A_212#2 : vector<16xf32> to vector<1x16xf32>
      tpu.vector_store %arg14[%swap3A_219, %swap3A_220], %swap3A_223 {strides = array<i32>} : memref<48x128xf32, #tpu.memory_space<vmem>>, vector<1x16xf32>,
      %swap3A_224 = arith.index_cast %scan3A_183 : i32 to index
      %swap3A_225 = arith.constant 64 : index
      %swap3A_226 = tpu.vector_load %arg15[%swap3A_224, %swap3A_225] {strides = array<i32>} : memref<48x128xf32, #tpu.memory_space<vmem>>, vector<1x16xf32>,
      %swap3A_227 = vector.shape_cast %swap3A_226 : vector<1x16xf32> to vector<16xf32>
      %swap3A_228 = vector.shape_cast %scan3A_212#3 : vector<16xf32> to vector<1x16xf32>
      tpu.vector_store %arg15[%swap3A_224, %swap3A_225], %swap3A_228 {strides = array<i32>} : memref<48x128xf32, #tpu.memory_space<vmem>>, vector<1x16xf32>,
    }
    %scan3A_113 = arith.constant 48 : i32
    %broadcast_in_dim3A_114 = arith.constant 0.000000e+00 : f32
    %broadcast_in_dim3A_115 = vector.broadcast %broadcast_in_dim3A_114 : f32 to vector<16xf32>
    %scan3A_116 = arith.constant 0 : i32
    %scan3A_117 = arith.constant 48 : i32
    %scan3A_118 = arith.addi %scan3A_116, %scan3A_117 : i32
    %scan3A_119 = arith.constant 1 : i32
    %scan3A_120:3 = scf.for %scan3A_183 = %scan3A_116 to %scan3A_118 step %scan3A_119 iter_args(%scan3A_184 = %broadcast_in_dim3A_115, %scan3A_185 = %broadcast_in_dim3A_115, %scan3A_186 = %broadcast_in_dim3A_115) -> (vector<16xf32>, vector<16xf32>, vector<16xf32>)  : i32 {
      %get3A = arith.index_cast %scan3A_183 : i32 to index
      %get3A_187 = arith.constant 80 : index
      %get3A_188 = tpu.vector_load %arg9[%get3A, %get3A_187] {strides = array<i32>} : memref<48x128xf32, #tpu.memory_space<vmem>>, vector<1x16xf32>,
      %get3A_189 = vector.shape_cast %get3A_188 : vector<1x16xf32> to vector<16xf32>
      %add3A_190 = arith.addf %scan3A_184, %get3A_189 : vector<16xf32>
      %get3A_191 = arith.index_cast %scan3A_183 : i32 to index
      %get3A_192 = arith.constant 80 : index
      %get3A_193 = tpu.vector_load %arg10[%get3A_191, %get3A_192] {strides = array<i32>} : memref<48x128xf32, #tpu.memory_space<vmem>>, vector<1x16xf32>,
      %get3A_194 = vector.shape_cast %get3A_193 : vector<1x16xf32> to vector<16xf32>
      %add3A_195 = arith.addf %scan3A_185, %get3A_194 : vector<16xf32>
      %get3A_196 = arith.index_cast %scan3A_183 : i32 to index
      %get3A_197 = arith.constant 80 : index
      %get3A_198 = tpu.vector_load %arg11[%get3A_196, %get3A_197] {strides = array<i32>} : memref<48x128xf32, #tpu.memory_space<vmem>>, vector<1x16xf32>,
      %get3A_199 = vector.shape_cast %get3A_198 : vector<1x16xf32> to vector<16xf32>
      %add3A_200 = arith.addf %scan3A_186, %get3A_199 : vector<16xf32>
      scf.yield %add3A_190, %add3A_195, %add3A_200 : vector<16xf32>, vector<16xf32>, vector<16xf32>
    }
    %scan3A_121 = arith.constant 48 : i32
    %mul3A_122 = arith.constant 0.020833334 : f32
    %mul3A_123 = vector.broadcast %mul3A_122 : f32 to vector<16xf32>
    %mul3A_124 = arith.mulf %scan3A_120#0, %mul3A_123 : vector<16xf32>
    %mul3A_125 = arith.constant 0.020833334 : f32
    %mul3A_126 = vector.broadcast %mul3A_125 : f32 to vector<16xf32>
    %mul3A_127 = arith.mulf %scan3A_120#1, %mul3A_126 : vector<16xf32>
    %mul3A_128 = arith.constant 0.020833334 : f32
    %mul3A_129 = vector.broadcast %mul3A_128 : f32 to vector<16xf32>
    %mul3A_130 = arith.mulf %scan3A_120#2, %mul3A_129 : vector<16xf32>
    %scan3A_131 = arith.constant 0 : i32
    %scan3A_132 = arith.constant 0 : i32
    %scan3A_133 = arith.constant 48 : i32
    %scan3A_134 = arith.addi %scan3A_132, %scan3A_133 : i32
    %scan3A_135 = arith.constant 1 : i32
    scf.for %scan3A_183 = %scan3A_132 to %scan3A_134 step %scan3A_135  : i32 {
      %get3A = arith.index_cast %scan3A_183 : i32 to index
      %get3A_184 = arith.constant 80 : index
      %get3A_185 = tpu.vector_load %arg9[%get3A, %get3A_184] {strides = array<i32>} : memref<48x128xf32, #tpu.memory_space<vmem>>, vector<1x16xf32>,
      %get3A_186 = vector.shape_cast %get3A_185 : vector<1x16xf32> to vector<16xf32>
      %get3A_187 = arith.index_cast %scan3A_183 : i32 to index
      %get3A_188 = arith.constant 80 : index
      %get3A_189 = tpu.vector_load %arg10[%get3A_187, %get3A_188] {strides = array<i32>} : memref<48x128xf32, #tpu.memory_space<vmem>>, vector<1x16xf32>,
      %get3A_190 = vector.shape_cast %get3A_189 : vector<1x16xf32> to vector<16xf32>
      %get3A_191 = arith.index_cast %scan3A_183 : i32 to index
      %get3A_192 = arith.constant 80 : index
      %get3A_193 = tpu.vector_load %arg11[%get3A_191, %get3A_192] {strides = array<i32>} : memref<48x128xf32, #tpu.memory_space<vmem>>, vector<1x16xf32>,
      %get3A_194 = vector.shape_cast %get3A_193 : vector<1x16xf32> to vector<16xf32>
      %sub3A = arith.subf %get3A_186, %mul3A_124 : vector<16xf32>
      %sub3A_195 = arith.subf %get3A_190, %mul3A_127 : vector<16xf32>
      %sub3A_196 = arith.subf %get3A_194, %mul3A_130 : vector<16xf32>
      %mul3A_197 = arith.mulf %sub3A, %sub3A : vector<16xf32>
      %mul3A_198 = arith.mulf %sub3A_195, %sub3A_195 : vector<16xf32>
      %add3A_199 = arith.addf %mul3A_197, %mul3A_198 : vector<16xf32>
      %mul3A_200 = arith.mulf %sub3A_196, %sub3A_196 : vector<16xf32>
      %add3A_201 = arith.addf %add3A_199, %mul3A_200 : vector<16xf32>
      %swap3A = arith.index_cast %scan3A_183 : i32 to index
      %swap3A_202 = arith.constant 80 : index
      %swap3A_203 = tpu.vector_load %arg12[%swap3A, %swap3A_202] {strides = array<i32>} : memref<48x128xf32, #tpu.memory_space<vmem>>, vector<1x16xf32>,
      %swap3A_204 = vector.shape_cast %swap3A_203 : vector<1x16xf32> to vector<16xf32>
      %swap3A_205 = vector.shape_cast %add3A_201 : vector<16xf32> to vector<1x16xf32>
      tpu.vector_store %arg12[%swap3A, %swap3A_202], %swap3A_205 {strides = array<i32>} : memref<48x128xf32, #tpu.memory_space<vmem>>, vector<1x16xf32>,
      %broadcast_in_dim3A_206 = arith.constant 0x7F800000 : f32
      %broadcast_in_dim3A_207 = vector.broadcast %broadcast_in_dim3A_206 : f32 to vector<16xf32>
      %scan3A_208 = arith.constant 0 : i32
      %scan3A_209 = arith.constant 12 : i32
      %scan3A_210 = arith.addi %scan3A_208, %scan3A_209 : i32
      %scan3A_211 = arith.constant 1 : i32
      %scan3A_212:4 = scf.for %scan3A_229 = %scan3A_208 to %scan3A_210 step %scan3A_211 iter_args(%scan3A_230 = %broadcast_in_dim3A_207, %scan3A_231 = %broadcast_in_dim3A_207, %scan3A_232 = %broadcast_in_dim3A_207, %scan3A_233 = %broadcast_in_dim3A_207) -> (vector<16xf32>, vector<16xf32>, vector<16xf32>, vector<16xf32>)  : i32 {
        %mul3A_234 = arith.constant 4 : i32
        %mul3A_235 = arith.muli %scan3A_229, %mul3A_234 : i32
        %add3A_236 = arith.constant 0 : i32
        %add3A_237 = arith.addi %mul3A_235, %add3A_236 : i32
        %get3A_238 = arith.index_cast %add3A_237 : i32 to index
        %get3A_239 = arith.constant 80 : index
        %get3A_240 = tpu.vector_load %arg9[%get3A_238, %get3A_239] {strides = array<i32>} : memref<48x128xf32, #tpu.memory_space<vmem>>, vector<1x16xf32>,
        %get3A_241 = vector.shape_cast %get3A_240 : vector<1x16xf32> to vector<16xf32>
        %sub3A_242 = arith.subf %get3A_186, %get3A_241 : vector<16xf32>
        %get3A_243 = arith.index_cast %add3A_237 : i32 to index
        %get3A_244 = arith.constant 80 : index
        %get3A_245 = tpu.vector_load %arg10[%get3A_243, %get3A_244] {strides = array<i32>} : memref<48x128xf32, #tpu.memory_space<vmem>>, vector<1x16xf32>,
        %get3A_246 = vector.shape_cast %get3A_245 : vector<1x16xf32> to vector<16xf32>
        %sub3A_247 = arith.subf %get3A_190, %get3A_246 : vector<16xf32>
        %get3A_248 = arith.index_cast %add3A_237 : i32 to index
        %get3A_249 = arith.constant 80 : index
        %get3A_250 = tpu.vector_load %arg11[%get3A_248, %get3A_249] {strides = array<i32>} : memref<48x128xf32, #tpu.memory_space<vmem>>, vector<1x16xf32>,
        %get3A_251 = vector.shape_cast %get3A_250 : vector<1x16xf32> to vector<16xf32>
        %sub3A_252 = arith.subf %get3A_194, %get3A_251 : vector<16xf32>
        %mul3A_253 = arith.mulf %sub3A_242, %sub3A_242 : vector<16xf32>
        %mul3A_254 = arith.mulf %sub3A_247, %sub3A_247 : vector<16xf32>
        %add3A_255 = arith.addf %mul3A_253, %mul3A_254 : vector<16xf32>
        %mul3A_256 = arith.mulf %sub3A_252, %sub3A_252 : vector<16xf32>
        %add3A_257 = arith.addf %add3A_255, %mul3A_256 : vector<16xf32>
        %max3A = arith.maximumf %scan3A_230, %add3A_257 : vector<16xf32>
        %min3A = arith.minimumf %scan3A_230, %add3A_257 : vector<16xf32>
        %max3A_258 = arith.maximumf %scan3A_231, %max3A : vector<16xf32>
        %min3A_259 = arith.minimumf %scan3A_231, %max3A : vector<16xf32>
        %max3A_260 = arith.maximumf %scan3A_232, %max3A_258 : vector<16xf32>
        %min3A_261 = arith.minimumf %scan3A_232, %max3A_258 : vector<16xf32>
        %min3A_262 = arith.minimumf %scan3A_233, %max3A_260 : vector<16xf32>
        %mul3A_263 = arith.constant 4 : i32
        %mul3A_264 = arith.muli %scan3A_229, %mul3A_263 : i32
        %add3A_265 = arith.constant 1 : i32
        %add3A_266 = arith.addi %mul3A_264, %add3A_265 : i32
        %get3A_267 = arith.index_cast %add3A_266 : i32 to index
        %get3A_268 = arith.constant 80 : index
        %get3A_269 = tpu.vector_load %arg9[%get3A_267, %get3A_268] {strides = array<i32>} : memref<48x128xf32, #tpu.memory_space<vmem>>, vector<1x16xf32>,
        %get3A_270 = vector.shape_cast %get3A_269 : vector<1x16xf32> to vector<16xf32>
        %sub3A_271 = arith.subf %get3A_186, %get3A_270 : vector<16xf32>
        %get3A_272 = arith.index_cast %add3A_266 : i32 to index
        %get3A_273 = arith.constant 80 : index
        %get3A_274 = tpu.vector_load %arg10[%get3A_272, %get3A_273] {strides = array<i32>} : memref<48x128xf32, #tpu.memory_space<vmem>>, vector<1x16xf32>,
        %get3A_275 = vector.shape_cast %get3A_274 : vector<1x16xf32> to vector<16xf32>
        %sub3A_276 = arith.subf %get3A_190, %get3A_275 : vector<16xf32>
        %get3A_277 = arith.index_cast %add3A_266 : i32 to index
        %get3A_278 = arith.constant 80 : index
        %get3A_279 = tpu.vector_load %arg11[%get3A_277, %get3A_278] {strides = array<i32>} : memref<48x128xf32, #tpu.memory_space<vmem>>, vector<1x16xf32>,
        %get3A_280 = vector.shape_cast %get3A_279 : vector<1x16xf32> to vector<16xf32>
        %sub3A_281 = arith.subf %get3A_194, %get3A_280 : vector<16xf32>
        %mul3A_282 = arith.mulf %sub3A_271, %sub3A_271 : vector<16xf32>
        %mul3A_283 = arith.mulf %sub3A_276, %sub3A_276 : vector<16xf32>
        %add3A_284 = arith.addf %mul3A_282, %mul3A_283 : vector<16xf32>
        %mul3A_285 = arith.mulf %sub3A_281, %sub3A_281 : vector<16xf32>
        %add3A_286 = arith.addf %add3A_284, %mul3A_285 : vector<16xf32>
        %max3A_287 = arith.maximumf %min3A, %add3A_286 : vector<16xf32>
        %min3A_288 = arith.minimumf %min3A, %add3A_286 : vector<16xf32>
        %max3A_289 = arith.maximumf %min3A_259, %max3A_287 : vector<16xf32>
        %min3A_290 = arith.minimumf %min3A_259, %max3A_287 : vector<16xf32>
        %max3A_291 = arith.maximumf %min3A_261, %max3A_289 : vector<16xf32>
        %min3A_292 = arith.minimumf %min3A_261, %max3A_289 : vector<16xf32>
        %min3A_293 = arith.minimumf %min3A_262, %max3A_291 : vector<16xf32>
        %mul3A_294 = arith.constant 4 : i32
        %mul3A_295 = arith.muli %scan3A_229, %mul3A_294 : i32
        %add3A_296 = arith.constant 2 : i32
        %add3A_297 = arith.addi %mul3A_295, %add3A_296 : i32
        %get3A_298 = arith.index_cast %add3A_297 : i32 to index
        %get3A_299 = arith.constant 80 : index
        %get3A_300 = tpu.vector_load %arg9[%get3A_298, %get3A_299] {strides = array<i32>} : memref<48x128xf32, #tpu.memory_space<vmem>>, vector<1x16xf32>,
        %get3A_301 = vector.shape_cast %get3A_300 : vector<1x16xf32> to vector<16xf32>
        %sub3A_302 = arith.subf %get3A_186, %get3A_301 : vector<16xf32>
        %get3A_303 = arith.index_cast %add3A_297 : i32 to index
        %get3A_304 = arith.constant 80 : index
        %get3A_305 = tpu.vector_load %arg10[%get3A_303, %get3A_304] {strides = array<i32>} : memref<48x128xf32, #tpu.memory_space<vmem>>, vector<1x16xf32>,
        %get3A_306 = vector.shape_cast %get3A_305 : vector<1x16xf32> to vector<16xf32>
        %sub3A_307 = arith.subf %get3A_190, %get3A_306 : vector<16xf32>
        %get3A_308 = arith.index_cast %add3A_297 : i32 to index
        %get3A_309 = arith.constant 80 : index
        %get3A_310 = tpu.vector_load %arg11[%get3A_308, %get3A_309] {strides = array<i32>} : memref<48x128xf32, #tpu.memory_space<vmem>>, vector<1x16xf32>,
        %get3A_311 = vector.shape_cast %get3A_310 : vector<1x16xf32> to vector<16xf32>
        %sub3A_312 = arith.subf %get3A_194, %get3A_311 : vector<16xf32>
        %mul3A_313 = arith.mulf %sub3A_302, %sub3A_302 : vector<16xf32>
        %mul3A_314 = arith.mulf %sub3A_307, %sub3A_307 : vector<16xf32>
        %add3A_315 = arith.addf %mul3A_313, %mul3A_314 : vector<16xf32>
        %mul3A_316 = arith.mulf %sub3A_312, %sub3A_312 : vector<16xf32>
        %add3A_317 = arith.addf %add3A_315, %mul3A_316 : vector<16xf32>
        %max3A_318 = arith.maximumf %min3A_288, %add3A_317 : vector<16xf32>
        %min3A_319 = arith.minimumf %min3A_288, %add3A_317 : vector<16xf32>
        %max3A_320 = arith.maximumf %min3A_290, %max3A_318 : vector<16xf32>
        %min3A_321 = arith.minimumf %min3A_290, %max3A_318 : vector<16xf32>
        %max3A_322 = arith.maximumf %min3A_292, %max3A_320 : vector<16xf32>
        %min3A_323 = arith.minimumf %min3A_292, %max3A_320 : vector<16xf32>
        %min3A_324 = arith.minimumf %min3A_293, %max3A_322 : vector<16xf32>
        %mul3A_325 = arith.constant 4 : i32
        %mul3A_326 = arith.muli %scan3A_229, %mul3A_325 : i32
        %add3A_327 = arith.constant 3 : i32
        %add3A_328 = arith.addi %mul3A_326, %add3A_327 : i32
        %get3A_329 = arith.index_cast %add3A_328 : i32 to index
        %get3A_330 = arith.constant 80 : index
        %get3A_331 = tpu.vector_load %arg9[%get3A_329, %get3A_330] {strides = array<i32>} : memref<48x128xf32, #tpu.memory_space<vmem>>, vector<1x16xf32>,
        %get3A_332 = vector.shape_cast %get3A_331 : vector<1x16xf32> to vector<16xf32>
        %sub3A_333 = arith.subf %get3A_186, %get3A_332 : vector<16xf32>
        %get3A_334 = arith.index_cast %add3A_328 : i32 to index
        %get3A_335 = arith.constant 80 : index
        %get3A_336 = tpu.vector_load %arg10[%get3A_334, %get3A_335] {strides = array<i32>} : memref<48x128xf32, #tpu.memory_space<vmem>>, vector<1x16xf32>,
        %get3A_337 = vector.shape_cast %get3A_336 : vector<1x16xf32> to vector<16xf32>
        %sub3A_338 = arith.subf %get3A_190, %get3A_337 : vector<16xf32>
        %get3A_339 = arith.index_cast %add3A_328 : i32 to index
        %get3A_340 = arith.constant 80 : index
        %get3A_341 = tpu.vector_load %arg11[%get3A_339, %get3A_340] {strides = array<i32>} : memref<48x128xf32, #tpu.memory_space<vmem>>, vector<1x16xf32>,
        %get3A_342 = vector.shape_cast %get3A_341 : vector<1x16xf32> to vector<16xf32>
        %sub3A_343 = arith.subf %get3A_194, %get3A_342 : vector<16xf32>
        %mul3A_344 = arith.mulf %sub3A_333, %sub3A_333 : vector<16xf32>
        %mul3A_345 = arith.mulf %sub3A_338, %sub3A_338 : vector<16xf32>
        %add3A_346 = arith.addf %mul3A_344, %mul3A_345 : vector<16xf32>
        %mul3A_347 = arith.mulf %sub3A_343, %sub3A_343 : vector<16xf32>
        %add3A_348 = arith.addf %add3A_346, %mul3A_347 : vector<16xf32>
        %max3A_349 = arith.maximumf %min3A_319, %add3A_348 : vector<16xf32>
        %min3A_350 = arith.minimumf %min3A_319, %add3A_348 : vector<16xf32>
        %max3A_351 = arith.maximumf %min3A_321, %max3A_349 : vector<16xf32>
        %min3A_352 = arith.minimumf %min3A_321, %max3A_349 : vector<16xf32>
        %max3A_353 = arith.maximumf %min3A_323, %max3A_351 : vector<16xf32>
        %min3A_354 = arith.minimumf %min3A_323, %max3A_351 : vector<16xf32>
        %min3A_355 = arith.minimumf %min3A_324, %max3A_353 : vector<16xf32>
        scf.yield %min3A_350, %min3A_352, %min3A_354, %min3A_355 : vector<16xf32>, vector<16xf32>, vector<16xf32>, vector<16xf32>
      }
      %scan3A_213 = arith.constant 12 : i32
      %swap3A_214 = arith.index_cast %scan3A_183 : i32 to index
      %swap3A_215 = arith.constant 80 : index
      %swap3A_216 = tpu.vector_load %arg13[%swap3A_214, %swap3A_215] {strides = array<i32>} : memref<48x128xf32, #tpu.memory_space<vmem>>, vector<1x16xf32>,
      %swap3A_217 = vector.shape_cast %swap3A_216 : vector<1x16xf32> to vector<16xf32>
      %swap3A_218 = vector.shape_cast %scan3A_212#1 : vector<16xf32> to vector<1x16xf32>
      tpu.vector_store %arg13[%swap3A_214, %swap3A_215], %swap3A_218 {strides = array<i32>} : memref<48x128xf32, #tpu.memory_space<vmem>>, vector<1x16xf32>,
      %swap3A_219 = arith.index_cast %scan3A_183 : i32 to index
      %swap3A_220 = arith.constant 80 : index
      %swap3A_221 = tpu.vector_load %arg14[%swap3A_219, %swap3A_220] {strides = array<i32>} : memref<48x128xf32, #tpu.memory_space<vmem>>, vector<1x16xf32>,
      %swap3A_222 = vector.shape_cast %swap3A_221 : vector<1x16xf32> to vector<16xf32>
      %swap3A_223 = vector.shape_cast %scan3A_212#2 : vector<16xf32> to vector<1x16xf32>
      tpu.vector_store %arg14[%swap3A_219, %swap3A_220], %swap3A_223 {strides = array<i32>} : memref<48x128xf32, #tpu.memory_space<vmem>>, vector<1x16xf32>,
      %swap3A_224 = arith.index_cast %scan3A_183 : i32 to index
      %swap3A_225 = arith.constant 80 : index
      %swap3A_226 = tpu.vector_load %arg15[%swap3A_224, %swap3A_225] {strides = array<i32>} : memref<48x128xf32, #tpu.memory_space<vmem>>, vector<1x16xf32>,
      %swap3A_227 = vector.shape_cast %swap3A_226 : vector<1x16xf32> to vector<16xf32>
      %swap3A_228 = vector.shape_cast %scan3A_212#3 : vector<16xf32> to vector<1x16xf32>
      tpu.vector_store %arg15[%swap3A_224, %swap3A_225], %swap3A_228 {strides = array<i32>} : memref<48x128xf32, #tpu.memory_space<vmem>>, vector<1x16xf32>,
    }
    %scan3A_136 = arith.constant 48 : i32
    %broadcast_in_dim3A_137 = arith.constant 0.000000e+00 : f32
    %broadcast_in_dim3A_138 = vector.broadcast %broadcast_in_dim3A_137 : f32 to vector<16xf32>
    %scan3A_139 = arith.constant 0 : i32
    %scan3A_140 = arith.constant 48 : i32
    %scan3A_141 = arith.addi %scan3A_139, %scan3A_140 : i32
    %scan3A_142 = arith.constant 1 : i32
    %scan3A_143:3 = scf.for %scan3A_183 = %scan3A_139 to %scan3A_141 step %scan3A_142 iter_args(%scan3A_184 = %broadcast_in_dim3A_138, %scan3A_185 = %broadcast_in_dim3A_138, %scan3A_186 = %broadcast_in_dim3A_138) -> (vector<16xf32>, vector<16xf32>, vector<16xf32>)  : i32 {
      %get3A = arith.index_cast %scan3A_183 : i32 to index
      %get3A_187 = arith.constant 96 : index
      %get3A_188 = tpu.vector_load %arg9[%get3A, %get3A_187] {strides = array<i32>} : memref<48x128xf32, #tpu.memory_space<vmem>>, vector<1x16xf32>,
      %get3A_189 = vector.shape_cast %get3A_188 : vector<1x16xf32> to vector<16xf32>
      %add3A_190 = arith.addf %scan3A_184, %get3A_189 : vector<16xf32>
      %get3A_191 = arith.index_cast %scan3A_183 : i32 to index
      %get3A_192 = arith.constant 96 : index
      %get3A_193 = tpu.vector_load %arg10[%get3A_191, %get3A_192] {strides = array<i32>} : memref<48x128xf32, #tpu.memory_space<vmem>>, vector<1x16xf32>,
      %get3A_194 = vector.shape_cast %get3A_193 : vector<1x16xf32> to vector<16xf32>
      %add3A_195 = arith.addf %scan3A_185, %get3A_194 : vector<16xf32>
      %get3A_196 = arith.index_cast %scan3A_183 : i32 to index
      %get3A_197 = arith.constant 96 : index
      %get3A_198 = tpu.vector_load %arg11[%get3A_196, %get3A_197] {strides = array<i32>} : memref<48x128xf32, #tpu.memory_space<vmem>>, vector<1x16xf32>,
      %get3A_199 = vector.shape_cast %get3A_198 : vector<1x16xf32> to vector<16xf32>
      %add3A_200 = arith.addf %scan3A_186, %get3A_199 : vector<16xf32>
      scf.yield %add3A_190, %add3A_195, %add3A_200 : vector<16xf32>, vector<16xf32>, vector<16xf32>
    }
    %scan3A_144 = arith.constant 48 : i32
    %mul3A_145 = arith.constant 0.020833334 : f32
    %mul3A_146 = vector.broadcast %mul3A_145 : f32 to vector<16xf32>
    %mul3A_147 = arith.mulf %scan3A_143#0, %mul3A_146 : vector<16xf32>
    %mul3A_148 = arith.constant 0.020833334 : f32
    %mul3A_149 = vector.broadcast %mul3A_148 : f32 to vector<16xf32>
    %mul3A_150 = arith.mulf %scan3A_143#1, %mul3A_149 : vector<16xf32>
    %mul3A_151 = arith.constant 0.020833334 : f32
    %mul3A_152 = vector.broadcast %mul3A_151 : f32 to vector<16xf32>
    %mul3A_153 = arith.mulf %scan3A_143#2, %mul3A_152 : vector<16xf32>
    %scan3A_154 = arith.constant 0 : i32
    %scan3A_155 = arith.constant 0 : i32
    %scan3A_156 = arith.constant 48 : i32
    %scan3A_157 = arith.addi %scan3A_155, %scan3A_156 : i32
    %scan3A_158 = arith.constant 1 : i32
    scf.for %scan3A_183 = %scan3A_155 to %scan3A_157 step %scan3A_158  : i32 {
      %get3A = arith.index_cast %scan3A_183 : i32 to index
      %get3A_184 = arith.constant 96 : index
      %get3A_185 = tpu.vector_load %arg9[%get3A, %get3A_184] {strides = array<i32>} : memref<48x128xf32, #tpu.memory_space<vmem>>, vector<1x16xf32>,
      %get3A_186 = vector.shape_cast %get3A_185 : vector<1x16xf32> to vector<16xf32>
      %get3A_187 = arith.index_cast %scan3A_183 : i32 to index
      %get3A_188 = arith.constant 96 : index
      %get3A_189 = tpu.vector_load %arg10[%get3A_187, %get3A_188] {strides = array<i32>} : memref<48x128xf32, #tpu.memory_space<vmem>>, vector<1x16xf32>,
      %get3A_190 = vector.shape_cast %get3A_189 : vector<1x16xf32> to vector<16xf32>
      %get3A_191 = arith.index_cast %scan3A_183 : i32 to index
      %get3A_192 = arith.constant 96 : index
      %get3A_193 = tpu.vector_load %arg11[%get3A_191, %get3A_192] {strides = array<i32>} : memref<48x128xf32, #tpu.memory_space<vmem>>, vector<1x16xf32>,
      %get3A_194 = vector.shape_cast %get3A_193 : vector<1x16xf32> to vector<16xf32>
      %sub3A = arith.subf %get3A_186, %mul3A_147 : vector<16xf32>
      %sub3A_195 = arith.subf %get3A_190, %mul3A_150 : vector<16xf32>
      %sub3A_196 = arith.subf %get3A_194, %mul3A_153 : vector<16xf32>
      %mul3A_197 = arith.mulf %sub3A, %sub3A : vector<16xf32>
      %mul3A_198 = arith.mulf %sub3A_195, %sub3A_195 : vector<16xf32>
      %add3A_199 = arith.addf %mul3A_197, %mul3A_198 : vector<16xf32>
      %mul3A_200 = arith.mulf %sub3A_196, %sub3A_196 : vector<16xf32>
      %add3A_201 = arith.addf %add3A_199, %mul3A_200 : vector<16xf32>
      %swap3A = arith.index_cast %scan3A_183 : i32 to index
      %swap3A_202 = arith.constant 96 : index
      %swap3A_203 = tpu.vector_load %arg12[%swap3A, %swap3A_202] {strides = array<i32>} : memref<48x128xf32, #tpu.memory_space<vmem>>, vector<1x16xf32>,
      %swap3A_204 = vector.shape_cast %swap3A_203 : vector<1x16xf32> to vector<16xf32>
      %swap3A_205 = vector.shape_cast %add3A_201 : vector<16xf32> to vector<1x16xf32>
      tpu.vector_store %arg12[%swap3A, %swap3A_202], %swap3A_205 {strides = array<i32>} : memref<48x128xf32, #tpu.memory_space<vmem>>, vector<1x16xf32>,
      %broadcast_in_dim3A_206 = arith.constant 0x7F800000 : f32
      %broadcast_in_dim3A_207 = vector.broadcast %broadcast_in_dim3A_206 : f32 to vector<16xf32>
      %scan3A_208 = arith.constant 0 : i32
      %scan3A_209 = arith.constant 12 : i32
      %scan3A_210 = arith.addi %scan3A_208, %scan3A_209 : i32
      %scan3A_211 = arith.constant 1 : i32
      %scan3A_212:4 = scf.for %scan3A_229 = %scan3A_208 to %scan3A_210 step %scan3A_211 iter_args(%scan3A_230 = %broadcast_in_dim3A_207, %scan3A_231 = %broadcast_in_dim3A_207, %scan3A_232 = %broadcast_in_dim3A_207, %scan3A_233 = %broadcast_in_dim3A_207) -> (vector<16xf32>, vector<16xf32>, vector<16xf32>, vector<16xf32>)  : i32 {
        %mul3A_234 = arith.constant 4 : i32
        %mul3A_235 = arith.muli %scan3A_229, %mul3A_234 : i32
        %add3A_236 = arith.constant 0 : i32
        %add3A_237 = arith.addi %mul3A_235, %add3A_236 : i32
        %get3A_238 = arith.index_cast %add3A_237 : i32 to index
        %get3A_239 = arith.constant 96 : index
        %get3A_240 = tpu.vector_load %arg9[%get3A_238, %get3A_239] {strides = array<i32>} : memref<48x128xf32, #tpu.memory_space<vmem>>, vector<1x16xf32>,
        %get3A_241 = vector.shape_cast %get3A_240 : vector<1x16xf32> to vector<16xf32>
        %sub3A_242 = arith.subf %get3A_186, %get3A_241 : vector<16xf32>
        %get3A_243 = arith.index_cast %add3A_237 : i32 to index
        %get3A_244 = arith.constant 96 : index
        %get3A_245 = tpu.vector_load %arg10[%get3A_243, %get3A_244] {strides = array<i32>} : memref<48x128xf32, #tpu.memory_space<vmem>>, vector<1x16xf32>,
        %get3A_246 = vector.shape_cast %get3A_245 : vector<1x16xf32> to vector<16xf32>
        %sub3A_247 = arith.subf %get3A_190, %get3A_246 : vector<16xf32>
        %get3A_248 = arith.index_cast %add3A_237 : i32 to index
        %get3A_249 = arith.constant 96 : index
        %get3A_250 = tpu.vector_load %arg11[%get3A_248, %get3A_249] {strides = array<i32>} : memref<48x128xf32, #tpu.memory_space<vmem>>, vector<1x16xf32>,
        %get3A_251 = vector.shape_cast %get3A_250 : vector<1x16xf32> to vector<16xf32>
        %sub3A_252 = arith.subf %get3A_194, %get3A_251 : vector<16xf32>
        %mul3A_253 = arith.mulf %sub3A_242, %sub3A_242 : vector<16xf32>
        %mul3A_254 = arith.mulf %sub3A_247, %sub3A_247 : vector<16xf32>
        %add3A_255 = arith.addf %mul3A_253, %mul3A_254 : vector<16xf32>
        %mul3A_256 = arith.mulf %sub3A_252, %sub3A_252 : vector<16xf32>
        %add3A_257 = arith.addf %add3A_255, %mul3A_256 : vector<16xf32>
        %max3A = arith.maximumf %scan3A_230, %add3A_257 : vector<16xf32>
        %min3A = arith.minimumf %scan3A_230, %add3A_257 : vector<16xf32>
        %max3A_258 = arith.maximumf %scan3A_231, %max3A : vector<16xf32>
        %min3A_259 = arith.minimumf %scan3A_231, %max3A : vector<16xf32>
        %max3A_260 = arith.maximumf %scan3A_232, %max3A_258 : vector<16xf32>
        %min3A_261 = arith.minimumf %scan3A_232, %max3A_258 : vector<16xf32>
        %min3A_262 = arith.minimumf %scan3A_233, %max3A_260 : vector<16xf32>
        %mul3A_263 = arith.constant 4 : i32
        %mul3A_264 = arith.muli %scan3A_229, %mul3A_263 : i32
        %add3A_265 = arith.constant 1 : i32
        %add3A_266 = arith.addi %mul3A_264, %add3A_265 : i32
        %get3A_267 = arith.index_cast %add3A_266 : i32 to index
        %get3A_268 = arith.constant 96 : index
        %get3A_269 = tpu.vector_load %arg9[%get3A_267, %get3A_268] {strides = array<i32>} : memref<48x128xf32, #tpu.memory_space<vmem>>, vector<1x16xf32>,
        %get3A_270 = vector.shape_cast %get3A_269 : vector<1x16xf32> to vector<16xf32>
        %sub3A_271 = arith.subf %get3A_186, %get3A_270 : vector<16xf32>
        %get3A_272 = arith.index_cast %add3A_266 : i32 to index
        %get3A_273 = arith.constant 96 : index
        %get3A_274 = tpu.vector_load %arg10[%get3A_272, %get3A_273] {strides = array<i32>} : memref<48x128xf32, #tpu.memory_space<vmem>>, vector<1x16xf32>,
        %get3A_275 = vector.shape_cast %get3A_274 : vector<1x16xf32> to vector<16xf32>
        %sub3A_276 = arith.subf %get3A_190, %get3A_275 : vector<16xf32>
        %get3A_277 = arith.index_cast %add3A_266 : i32 to index
        %get3A_278 = arith.constant 96 : index
        %get3A_279 = tpu.vector_load %arg11[%get3A_277, %get3A_278] {strides = array<i32>} : memref<48x128xf32, #tpu.memory_space<vmem>>, vector<1x16xf32>,
        %get3A_280 = vector.shape_cast %get3A_279 : vector<1x16xf32> to vector<16xf32>
        %sub3A_281 = arith.subf %get3A_194, %get3A_280 : vector<16xf32>
        %mul3A_282 = arith.mulf %sub3A_271, %sub3A_271 : vector<16xf32>
        %mul3A_283 = arith.mulf %sub3A_276, %sub3A_276 : vector<16xf32>
        %add3A_284 = arith.addf %mul3A_282, %mul3A_283 : vector<16xf32>
        %mul3A_285 = arith.mulf %sub3A_281, %sub3A_281 : vector<16xf32>
        %add3A_286 = arith.addf %add3A_284, %mul3A_285 : vector<16xf32>
        %max3A_287 = arith.maximumf %min3A, %add3A_286 : vector<16xf32>
        %min3A_288 = arith.minimumf %min3A, %add3A_286 : vector<16xf32>
        %max3A_289 = arith.maximumf %min3A_259, %max3A_287 : vector<16xf32>
        %min3A_290 = arith.minimumf %min3A_259, %max3A_287 : vector<16xf32>
        %max3A_291 = arith.maximumf %min3A_261, %max3A_289 : vector<16xf32>
        %min3A_292 = arith.minimumf %min3A_261, %max3A_289 : vector<16xf32>
        %min3A_293 = arith.minimumf %min3A_262, %max3A_291 : vector<16xf32>
        %mul3A_294 = arith.constant 4 : i32
        %mul3A_295 = arith.muli %scan3A_229, %mul3A_294 : i32
        %add3A_296 = arith.constant 2 : i32
        %add3A_297 = arith.addi %mul3A_295, %add3A_296 : i32
        %get3A_298 = arith.index_cast %add3A_297 : i32 to index
        %get3A_299 = arith.constant 96 : index
        %get3A_300 = tpu.vector_load %arg9[%get3A_298, %get3A_299] {strides = array<i32>} : memref<48x128xf32, #tpu.memory_space<vmem>>, vector<1x16xf32>,
        %get3A_301 = vector.shape_cast %get3A_300 : vector<1x16xf32> to vector<16xf32>
        %sub3A_302 = arith.subf %get3A_186, %get3A_301 : vector<16xf32>
        %get3A_303 = arith.index_cast %add3A_297 : i32 to index
        %get3A_304 = arith.constant 96 : index
        %get3A_305 = tpu.vector_load %arg10[%get3A_303, %get3A_304] {strides = array<i32>} : memref<48x128xf32, #tpu.memory_space<vmem>>, vector<1x16xf32>,
        %get3A_306 = vector.shape_cast %get3A_305 : vector<1x16xf32> to vector<16xf32>
        %sub3A_307 = arith.subf %get3A_190, %get3A_306 : vector<16xf32>
        %get3A_308 = arith.index_cast %add3A_297 : i32 to index
        %get3A_309 = arith.constant 96 : index
        %get3A_310 = tpu.vector_load %arg11[%get3A_308, %get3A_309] {strides = array<i32>} : memref<48x128xf32, #tpu.memory_space<vmem>>, vector<1x16xf32>,
        %get3A_311 = vector.shape_cast %get3A_310 : vector<1x16xf32> to vector<16xf32>
        %sub3A_312 = arith.subf %get3A_194, %get3A_311 : vector<16xf32>
        %mul3A_313 = arith.mulf %sub3A_302, %sub3A_302 : vector<16xf32>
        %mul3A_314 = arith.mulf %sub3A_307, %sub3A_307 : vector<16xf32>
        %add3A_315 = arith.addf %mul3A_313, %mul3A_314 : vector<16xf32>
        %mul3A_316 = arith.mulf %sub3A_312, %sub3A_312 : vector<16xf32>
        %add3A_317 = arith.addf %add3A_315, %mul3A_316 : vector<16xf32>
        %max3A_318 = arith.maximumf %min3A_288, %add3A_317 : vector<16xf32>
        %min3A_319 = arith.minimumf %min3A_288, %add3A_317 : vector<16xf32>
        %max3A_320 = arith.maximumf %min3A_290, %max3A_318 : vector<16xf32>
        %min3A_321 = arith.minimumf %min3A_290, %max3A_318 : vector<16xf32>
        %max3A_322 = arith.maximumf %min3A_292, %max3A_320 : vector<16xf32>
        %min3A_323 = arith.minimumf %min3A_292, %max3A_320 : vector<16xf32>
        %min3A_324 = arith.minimumf %min3A_293, %max3A_322 : vector<16xf32>
        %mul3A_325 = arith.constant 4 : i32
        %mul3A_326 = arith.muli %scan3A_229, %mul3A_325 : i32
        %add3A_327 = arith.constant 3 : i32
        %add3A_328 = arith.addi %mul3A_326, %add3A_327 : i32
        %get3A_329 = arith.index_cast %add3A_328 : i32 to index
        %get3A_330 = arith.constant 96 : index
        %get3A_331 = tpu.vector_load %arg9[%get3A_329, %get3A_330] {strides = array<i32>} : memref<48x128xf32, #tpu.memory_space<vmem>>, vector<1x16xf32>,
        %get3A_332 = vector.shape_cast %get3A_331 : vector<1x16xf32> to vector<16xf32>
        %sub3A_333 = arith.subf %get3A_186, %get3A_332 : vector<16xf32>
        %get3A_334 = arith.index_cast %add3A_328 : i32 to index
        %get3A_335 = arith.constant 96 : index
        %get3A_336 = tpu.vector_load %arg10[%get3A_334, %get3A_335] {strides = array<i32>} : memref<48x128xf32, #tpu.memory_space<vmem>>, vector<1x16xf32>,
        %get3A_337 = vector.shape_cast %get3A_336 : vector<1x16xf32> to vector<16xf32>
        %sub3A_338 = arith.subf %get3A_190, %get3A_337 : vector<16xf32>
        %get3A_339 = arith.index_cast %add3A_328 : i32 to index
        %get3A_340 = arith.constant 96 : index
        %get3A_341 = tpu.vector_load %arg11[%get3A_339, %get3A_340] {strides = array<i32>} : memref<48x128xf32, #tpu.memory_space<vmem>>, vector<1x16xf32>,
        %get3A_342 = vector.shape_cast %get3A_341 : vector<1x16xf32> to vector<16xf32>
        %sub3A_343 = arith.subf %get3A_194, %get3A_342 : vector<16xf32>
        %mul3A_344 = arith.mulf %sub3A_333, %sub3A_333 : vector<16xf32>
        %mul3A_345 = arith.mulf %sub3A_338, %sub3A_338 : vector<16xf32>
        %add3A_346 = arith.addf %mul3A_344, %mul3A_345 : vector<16xf32>
        %mul3A_347 = arith.mulf %sub3A_343, %sub3A_343 : vector<16xf32>
        %add3A_348 = arith.addf %add3A_346, %mul3A_347 : vector<16xf32>
        %max3A_349 = arith.maximumf %min3A_319, %add3A_348 : vector<16xf32>
        %min3A_350 = arith.minimumf %min3A_319, %add3A_348 : vector<16xf32>
        %max3A_351 = arith.maximumf %min3A_321, %max3A_349 : vector<16xf32>
        %min3A_352 = arith.minimumf %min3A_321, %max3A_349 : vector<16xf32>
        %max3A_353 = arith.maximumf %min3A_323, %max3A_351 : vector<16xf32>
        %min3A_354 = arith.minimumf %min3A_323, %max3A_351 : vector<16xf32>
        %min3A_355 = arith.minimumf %min3A_324, %max3A_353 : vector<16xf32>
        scf.yield %min3A_350, %min3A_352, %min3A_354, %min3A_355 : vector<16xf32>, vector<16xf32>, vector<16xf32>, vector<16xf32>
      }
      %scan3A_213 = arith.constant 12 : i32
      %swap3A_214 = arith.index_cast %scan3A_183 : i32 to index
      %swap3A_215 = arith.constant 96 : index
      %swap3A_216 = tpu.vector_load %arg13[%swap3A_214, %swap3A_215] {strides = array<i32>} : memref<48x128xf32, #tpu.memory_space<vmem>>, vector<1x16xf32>,
      %swap3A_217 = vector.shape_cast %swap3A_216 : vector<1x16xf32> to vector<16xf32>
      %swap3A_218 = vector.shape_cast %scan3A_212#1 : vector<16xf32> to vector<1x16xf32>
      tpu.vector_store %arg13[%swap3A_214, %swap3A_215], %swap3A_218 {strides = array<i32>} : memref<48x128xf32, #tpu.memory_space<vmem>>, vector<1x16xf32>,
      %swap3A_219 = arith.index_cast %scan3A_183 : i32 to index
      %swap3A_220 = arith.constant 96 : index
      %swap3A_221 = tpu.vector_load %arg14[%swap3A_219, %swap3A_220] {strides = array<i32>} : memref<48x128xf32, #tpu.memory_space<vmem>>, vector<1x16xf32>,
      %swap3A_222 = vector.shape_cast %swap3A_221 : vector<1x16xf32> to vector<16xf32>
      %swap3A_223 = vector.shape_cast %scan3A_212#2 : vector<16xf32> to vector<1x16xf32>
      tpu.vector_store %arg14[%swap3A_219, %swap3A_220], %swap3A_223 {strides = array<i32>} : memref<48x128xf32, #tpu.memory_space<vmem>>, vector<1x16xf32>,
      %swap3A_224 = arith.index_cast %scan3A_183 : i32 to index
      %swap3A_225 = arith.constant 96 : index
      %swap3A_226 = tpu.vector_load %arg15[%swap3A_224, %swap3A_225] {strides = array<i32>} : memref<48x128xf32, #tpu.memory_space<vmem>>, vector<1x16xf32>,
      %swap3A_227 = vector.shape_cast %swap3A_226 : vector<1x16xf32> to vector<16xf32>
      %swap3A_228 = vector.shape_cast %scan3A_212#3 : vector<16xf32> to vector<1x16xf32>
      tpu.vector_store %arg15[%swap3A_224, %swap3A_225], %swap3A_228 {strides = array<i32>} : memref<48x128xf32, #tpu.memory_space<vmem>>, vector<1x16xf32>,
    }
    %scan3A_159 = arith.constant 48 : i32
    %broadcast_in_dim3A_160 = arith.constant 0.000000e+00 : f32
    %broadcast_in_dim3A_161 = vector.broadcast %broadcast_in_dim3A_160 : f32 to vector<16xf32>
    %scan3A_162 = arith.constant 0 : i32
    %scan3A_163 = arith.constant 48 : i32
    %scan3A_164 = arith.addi %scan3A_162, %scan3A_163 : i32
    %scan3A_165 = arith.constant 1 : i32
    %scan3A_166:3 = scf.for %scan3A_183 = %scan3A_162 to %scan3A_164 step %scan3A_165 iter_args(%scan3A_184 = %broadcast_in_dim3A_161, %scan3A_185 = %broadcast_in_dim3A_161, %scan3A_186 = %broadcast_in_dim3A_161) -> (vector<16xf32>, vector<16xf32>, vector<16xf32>)  : i32 {
      %get3A = arith.index_cast %scan3A_183 : i32 to index
      %get3A_187 = arith.constant 112 : index
      %get3A_188 = tpu.vector_load %arg9[%get3A, %get3A_187] {strides = array<i32>} : memref<48x128xf32, #tpu.memory_space<vmem>>, vector<1x16xf32>,
      %get3A_189 = vector.shape_cast %get3A_188 : vector<1x16xf32> to vector<16xf32>
      %add3A_190 = arith.addf %scan3A_184, %get3A_189 : vector<16xf32>
      %get3A_191 = arith.index_cast %scan3A_183 : i32 to index
      %get3A_192 = arith.constant 112 : index
      %get3A_193 = tpu.vector_load %arg10[%get3A_191, %get3A_192] {strides = array<i32>} : memref<48x128xf32, #tpu.memory_space<vmem>>, vector<1x16xf32>,
      %get3A_194 = vector.shape_cast %get3A_193 : vector<1x16xf32> to vector<16xf32>
      %add3A_195 = arith.addf %scan3A_185, %get3A_194 : vector<16xf32>
      %get3A_196 = arith.index_cast %scan3A_183 : i32 to index
      %get3A_197 = arith.constant 112 : index
      %get3A_198 = tpu.vector_load %arg11[%get3A_196, %get3A_197] {strides = array<i32>} : memref<48x128xf32, #tpu.memory_space<vmem>>, vector<1x16xf32>,
      %get3A_199 = vector.shape_cast %get3A_198 : vector<1x16xf32> to vector<16xf32>
      %add3A_200 = arith.addf %scan3A_186, %get3A_199 : vector<16xf32>
      scf.yield %add3A_190, %add3A_195, %add3A_200 : vector<16xf32>, vector<16xf32>, vector<16xf32>
    }
    %scan3A_167 = arith.constant 48 : i32
    %mul3A_168 = arith.constant 0.020833334 : f32
    %mul3A_169 = vector.broadcast %mul3A_168 : f32 to vector<16xf32>
    %mul3A_170 = arith.mulf %scan3A_166#0, %mul3A_169 : vector<16xf32>
    %mul3A_171 = arith.constant 0.020833334 : f32
    %mul3A_172 = vector.broadcast %mul3A_171 : f32 to vector<16xf32>
    %mul3A_173 = arith.mulf %scan3A_166#1, %mul3A_172 : vector<16xf32>
    %mul3A_174 = arith.constant 0.020833334 : f32
    %mul3A_175 = vector.broadcast %mul3A_174 : f32 to vector<16xf32>
    %mul3A_176 = arith.mulf %scan3A_166#2, %mul3A_175 : vector<16xf32>
    %scan3A_177 = arith.constant 0 : i32
    %scan3A_178 = arith.constant 0 : i32
    %scan3A_179 = arith.constant 48 : i32
    %scan3A_180 = arith.addi %scan3A_178, %scan3A_179 : i32
    %scan3A_181 = arith.constant 1 : i32
    scf.for %scan3A_183 = %scan3A_178 to %scan3A_180 step %scan3A_181  : i32 {
      %get3A = arith.index_cast %scan3A_183 : i32 to index
      %get3A_184 = arith.constant 112 : index
      %get3A_185 = tpu.vector_load %arg9[%get3A, %get3A_184] {strides = array<i32>} : memref<48x128xf32, #tpu.memory_space<vmem>>, vector<1x16xf32>,
      %get3A_186 = vector.shape_cast %get3A_185 : vector<1x16xf32> to vector<16xf32>
      %get3A_187 = arith.index_cast %scan3A_183 : i32 to index
      %get3A_188 = arith.constant 112 : index
      %get3A_189 = tpu.vector_load %arg10[%get3A_187, %get3A_188] {strides = array<i32>} : memref<48x128xf32, #tpu.memory_space<vmem>>, vector<1x16xf32>,
      %get3A_190 = vector.shape_cast %get3A_189 : vector<1x16xf32> to vector<16xf32>
      %get3A_191 = arith.index_cast %scan3A_183 : i32 to index
      %get3A_192 = arith.constant 112 : index
      %get3A_193 = tpu.vector_load %arg11[%get3A_191, %get3A_192] {strides = array<i32>} : memref<48x128xf32, #tpu.memory_space<vmem>>, vector<1x16xf32>,
      %get3A_194 = vector.shape_cast %get3A_193 : vector<1x16xf32> to vector<16xf32>
      %sub3A = arith.subf %get3A_186, %mul3A_170 : vector<16xf32>
      %sub3A_195 = arith.subf %get3A_190, %mul3A_173 : vector<16xf32>
      %sub3A_196 = arith.subf %get3A_194, %mul3A_176 : vector<16xf32>
      %mul3A_197 = arith.mulf %sub3A, %sub3A : vector<16xf32>
      %mul3A_198 = arith.mulf %sub3A_195, %sub3A_195 : vector<16xf32>
      %add3A_199 = arith.addf %mul3A_197, %mul3A_198 : vector<16xf32>
      %mul3A_200 = arith.mulf %sub3A_196, %sub3A_196 : vector<16xf32>
      %add3A_201 = arith.addf %add3A_199, %mul3A_200 : vector<16xf32>
      %swap3A = arith.index_cast %scan3A_183 : i32 to index
      %swap3A_202 = arith.constant 112 : index
      %swap3A_203 = tpu.vector_load %arg12[%swap3A, %swap3A_202] {strides = array<i32>} : memref<48x128xf32, #tpu.memory_space<vmem>>, vector<1x16xf32>,
      %swap3A_204 = vector.shape_cast %swap3A_203 : vector<1x16xf32> to vector<16xf32>
      %swap3A_205 = vector.shape_cast %add3A_201 : vector<16xf32> to vector<1x16xf32>
      tpu.vector_store %arg12[%swap3A, %swap3A_202], %swap3A_205 {strides = array<i32>} : memref<48x128xf32, #tpu.memory_space<vmem>>, vector<1x16xf32>,
      %broadcast_in_dim3A_206 = arith.constant 0x7F800000 : f32
      %broadcast_in_dim3A_207 = vector.broadcast %broadcast_in_dim3A_206 : f32 to vector<16xf32>
      %scan3A_208 = arith.constant 0 : i32
      %scan3A_209 = arith.constant 12 : i32
      %scan3A_210 = arith.addi %scan3A_208, %scan3A_209 : i32
      %scan3A_211 = arith.constant 1 : i32
      %scan3A_212:4 = scf.for %scan3A_229 = %scan3A_208 to %scan3A_210 step %scan3A_211 iter_args(%scan3A_230 = %broadcast_in_dim3A_207, %scan3A_231 = %broadcast_in_dim3A_207, %scan3A_232 = %broadcast_in_dim3A_207, %scan3A_233 = %broadcast_in_dim3A_207) -> (vector<16xf32>, vector<16xf32>, vector<16xf32>, vector<16xf32>)  : i32 {
        %mul3A_234 = arith.constant 4 : i32
        %mul3A_235 = arith.muli %scan3A_229, %mul3A_234 : i32
        %add3A_236 = arith.constant 0 : i32
        %add3A_237 = arith.addi %mul3A_235, %add3A_236 : i32
        %get3A_238 = arith.index_cast %add3A_237 : i32 to index
        %get3A_239 = arith.constant 112 : index
        %get3A_240 = tpu.vector_load %arg9[%get3A_238, %get3A_239] {strides = array<i32>} : memref<48x128xf32, #tpu.memory_space<vmem>>, vector<1x16xf32>,
        %get3A_241 = vector.shape_cast %get3A_240 : vector<1x16xf32> to vector<16xf32>
        %sub3A_242 = arith.subf %get3A_186, %get3A_241 : vector<16xf32>
        %get3A_243 = arith.index_cast %add3A_237 : i32 to index
        %get3A_244 = arith.constant 112 : index
        %get3A_245 = tpu.vector_load %arg10[%get3A_243, %get3A_244] {strides = array<i32>} : memref<48x128xf32, #tpu.memory_space<vmem>>, vector<1x16xf32>,
        %get3A_246 = vector.shape_cast %get3A_245 : vector<1x16xf32> to vector<16xf32>
        %sub3A_247 = arith.subf %get3A_190, %get3A_246 : vector<16xf32>
        %get3A_248 = arith.index_cast %add3A_237 : i32 to index
        %get3A_249 = arith.constant 112 : index
        %get3A_250 = tpu.vector_load %arg11[%get3A_248, %get3A_249] {strides = array<i32>} : memref<48x128xf32, #tpu.memory_space<vmem>>, vector<1x16xf32>,
        %get3A_251 = vector.shape_cast %get3A_250 : vector<1x16xf32> to vector<16xf32>
        %sub3A_252 = arith.subf %get3A_194, %get3A_251 : vector<16xf32>
        %mul3A_253 = arith.mulf %sub3A_242, %sub3A_242 : vector<16xf32>
        %mul3A_254 = arith.mulf %sub3A_247, %sub3A_247 : vector<16xf32>
        %add3A_255 = arith.addf %mul3A_253, %mul3A_254 : vector<16xf32>
        %mul3A_256 = arith.mulf %sub3A_252, %sub3A_252 : vector<16xf32>
        %add3A_257 = arith.addf %add3A_255, %mul3A_256 : vector<16xf32>
        %max3A = arith.maximumf %scan3A_230, %add3A_257 : vector<16xf32>
        %min3A = arith.minimumf %scan3A_230, %add3A_257 : vector<16xf32>
        %max3A_258 = arith.maximumf %scan3A_231, %max3A : vector<16xf32>
        %min3A_259 = arith.minimumf %scan3A_231, %max3A : vector<16xf32>
        %max3A_260 = arith.maximumf %scan3A_232, %max3A_258 : vector<16xf32>
        %min3A_261 = arith.minimumf %scan3A_232, %max3A_258 : vector<16xf32>
        %min3A_262 = arith.minimumf %scan3A_233, %max3A_260 : vector<16xf32>
        %mul3A_263 = arith.constant 4 : i32
        %mul3A_264 = arith.muli %scan3A_229, %mul3A_263 : i32
        %add3A_265 = arith.constant 1 : i32
        %add3A_266 = arith.addi %mul3A_264, %add3A_265 : i32
        %get3A_267 = arith.index_cast %add3A_266 : i32 to index
        %get3A_268 = arith.constant 112 : index
        %get3A_269 = tpu.vector_load %arg9[%get3A_267, %get3A_268] {strides = array<i32>} : memref<48x128xf32, #tpu.memory_space<vmem>>, vector<1x16xf32>,
        %get3A_270 = vector.shape_cast %get3A_269 : vector<1x16xf32> to vector<16xf32>
        %sub3A_271 = arith.subf %get3A_186, %get3A_270 : vector<16xf32>
        %get3A_272 = arith.index_cast %add3A_266 : i32 to index
        %get3A_273 = arith.constant 112 : index
        %get3A_274 = tpu.vector_load %arg10[%get3A_272, %get3A_273] {strides = array<i32>} : memref<48x128xf32, #tpu.memory_space<vmem>>, vector<1x16xf32>,
        %get3A_275 = vector.shape_cast %get3A_274 : vector<1x16xf32> to vector<16xf32>
        %sub3A_276 = arith.subf %get3A_190, %get3A_275 : vector<16xf32>
        %get3A_277 = arith.index_cast %add3A_266 : i32 to index
        %get3A_278 = arith.constant 112 : index
        %get3A_279 = tpu.vector_load %arg11[%get3A_277, %get3A_278] {strides = array<i32>} : memref<48x128xf32, #tpu.memory_space<vmem>>, vector<1x16xf32>,
        %get3A_280 = vector.shape_cast %get3A_279 : vector<1x16xf32> to vector<16xf32>
        %sub3A_281 = arith.subf %get3A_194, %get3A_280 : vector<16xf32>
        %mul3A_282 = arith.mulf %sub3A_271, %sub3A_271 : vector<16xf32>
        %mul3A_283 = arith.mulf %sub3A_276, %sub3A_276 : vector<16xf32>
        %add3A_284 = arith.addf %mul3A_282, %mul3A_283 : vector<16xf32>
        %mul3A_285 = arith.mulf %sub3A_281, %sub3A_281 : vector<16xf32>
        %add3A_286 = arith.addf %add3A_284, %mul3A_285 : vector<16xf32>
        %max3A_287 = arith.maximumf %min3A, %add3A_286 : vector<16xf32>
        %min3A_288 = arith.minimumf %min3A, %add3A_286 : vector<16xf32>
        %max3A_289 = arith.maximumf %min3A_259, %max3A_287 : vector<16xf32>
        %min3A_290 = arith.minimumf %min3A_259, %max3A_287 : vector<16xf32>
        %max3A_291 = arith.maximumf %min3A_261, %max3A_289 : vector<16xf32>
        %min3A_292 = arith.minimumf %min3A_261, %max3A_289 : vector<16xf32>
        %min3A_293 = arith.minimumf %min3A_262, %max3A_291 : vector<16xf32>
        %mul3A_294 = arith.constant 4 : i32
        %mul3A_295 = arith.muli %scan3A_229, %mul3A_294 : i32
        %add3A_296 = arith.constant 2 : i32
        %add3A_297 = arith.addi %mul3A_295, %add3A_296 : i32
        %get3A_298 = arith.index_cast %add3A_297 : i32 to index
        %get3A_299 = arith.constant 112 : index
        %get3A_300 = tpu.vector_load %arg9[%get3A_298, %get3A_299] {strides = array<i32>} : memref<48x128xf32, #tpu.memory_space<vmem>>, vector<1x16xf32>,
        %get3A_301 = vector.shape_cast %get3A_300 : vector<1x16xf32> to vector<16xf32>
        %sub3A_302 = arith.subf %get3A_186, %get3A_301 : vector<16xf32>
        %get3A_303 = arith.index_cast %add3A_297 : i32 to index
        %get3A_304 = arith.constant 112 : index
        %get3A_305 = tpu.vector_load %arg10[%get3A_303, %get3A_304] {strides = array<i32>} : memref<48x128xf32, #tpu.memory_space<vmem>>, vector<1x16xf32>,
        %get3A_306 = vector.shape_cast %get3A_305 : vector<1x16xf32> to vector<16xf32>
        %sub3A_307 = arith.subf %get3A_190, %get3A_306 : vector<16xf32>
        %get3A_308 = arith.index_cast %add3A_297 : i32 to index
        %get3A_309 = arith.constant 112 : index
        %get3A_310 = tpu.vector_load %arg11[%get3A_308, %get3A_309] {strides = array<i32>} : memref<48x128xf32, #tpu.memory_space<vmem>>, vector<1x16xf32>,
        %get3A_311 = vector.shape_cast %get3A_310 : vector<1x16xf32> to vector<16xf32>
        %sub3A_312 = arith.subf %get3A_194, %get3A_311 : vector<16xf32>
        %mul3A_313 = arith.mulf %sub3A_302, %sub3A_302 : vector<16xf32>
        %mul3A_314 = arith.mulf %sub3A_307, %sub3A_307 : vector<16xf32>
        %add3A_315 = arith.addf %mul3A_313, %mul3A_314 : vector<16xf32>
        %mul3A_316 = arith.mulf %sub3A_312, %sub3A_312 : vector<16xf32>
        %add3A_317 = arith.addf %add3A_315, %mul3A_316 : vector<16xf32>
        %max3A_318 = arith.maximumf %min3A_288, %add3A_317 : vector<16xf32>
        %min3A_319 = arith.minimumf %min3A_288, %add3A_317 : vector<16xf32>
        %max3A_320 = arith.maximumf %min3A_290, %max3A_318 : vector<16xf32>
        %min3A_321 = arith.minimumf %min3A_290, %max3A_318 : vector<16xf32>
        %max3A_322 = arith.maximumf %min3A_292, %max3A_320 : vector<16xf32>
        %min3A_323 = arith.minimumf %min3A_292, %max3A_320 : vector<16xf32>
        %min3A_324 = arith.minimumf %min3A_293, %max3A_322 : vector<16xf32>
        %mul3A_325 = arith.constant 4 : i32
        %mul3A_326 = arith.muli %scan3A_229, %mul3A_325 : i32
        %add3A_327 = arith.constant 3 : i32
        %add3A_328 = arith.addi %mul3A_326, %add3A_327 : i32
        %get3A_329 = arith.index_cast %add3A_328 : i32 to index
        %get3A_330 = arith.constant 112 : index
        %get3A_331 = tpu.vector_load %arg9[%get3A_329, %get3A_330] {strides = array<i32>} : memref<48x128xf32, #tpu.memory_space<vmem>>, vector<1x16xf32>,
        %get3A_332 = vector.shape_cast %get3A_331 : vector<1x16xf32> to vector<16xf32>
        %sub3A_333 = arith.subf %get3A_186, %get3A_332 : vector<16xf32>
        %get3A_334 = arith.index_cast %add3A_328 : i32 to index
        %get3A_335 = arith.constant 112 : index
        %get3A_336 = tpu.vector_load %arg10[%get3A_334, %get3A_335] {strides = array<i32>} : memref<48x128xf32, #tpu.memory_space<vmem>>, vector<1x16xf32>,
        %get3A_337 = vector.shape_cast %get3A_336 : vector<1x16xf32> to vector<16xf32>
        %sub3A_338 = arith.subf %get3A_190, %get3A_337 : vector<16xf32>
        %get3A_339 = arith.index_cast %add3A_328 : i32 to index
        %get3A_340 = arith.constant 112 : index
        %get3A_341 = tpu.vector_load %arg11[%get3A_339, %get3A_340] {strides = array<i32>} : memref<48x128xf32, #tpu.memory_space<vmem>>, vector<1x16xf32>,
        %get3A_342 = vector.shape_cast %get3A_341 : vector<1x16xf32> to vector<16xf32>
        %sub3A_343 = arith.subf %get3A_194, %get3A_342 : vector<16xf32>
        %mul3A_344 = arith.mulf %sub3A_333, %sub3A_333 : vector<16xf32>
        %mul3A_345 = arith.mulf %sub3A_338, %sub3A_338 : vector<16xf32>
        %add3A_346 = arith.addf %mul3A_344, %mul3A_345 : vector<16xf32>
        %mul3A_347 = arith.mulf %sub3A_343, %sub3A_343 : vector<16xf32>
        %add3A_348 = arith.addf %add3A_346, %mul3A_347 : vector<16xf32>
        %max3A_349 = arith.maximumf %min3A_319, %add3A_348 : vector<16xf32>
        %min3A_350 = arith.minimumf %min3A_319, %add3A_348 : vector<16xf32>
        %max3A_351 = arith.maximumf %min3A_321, %max3A_349 : vector<16xf32>
        %min3A_352 = arith.minimumf %min3A_321, %max3A_349 : vector<16xf32>
        %max3A_353 = arith.maximumf %min3A_323, %max3A_351 : vector<16xf32>
        %min3A_354 = arith.minimumf %min3A_323, %max3A_351 : vector<16xf32>
        %min3A_355 = arith.minimumf %min3A_324, %max3A_353 : vector<16xf32>
        scf.yield %min3A_350, %min3A_352, %min3A_354, %min3A_355 : vector<16xf32>, vector<16xf32>, vector<16xf32>, vector<16xf32>
      }
      %scan3A_213 = arith.constant 12 : i32
      %swap3A_214 = arith.index_cast %scan3A_183 : i32 to index
      %swap3A_215 = arith.constant 112 : index
      %swap3A_216 = tpu.vector_load %arg13[%swap3A_214, %swap3A_215] {strides = array<i32>} : memref<48x128xf32, #tpu.memory_space<vmem>>, vector<1x16xf32>,
      %swap3A_217 = vector.shape_cast %swap3A_216 : vector<1x16xf32> to vector<16xf32>
      %swap3A_218 = vector.shape_cast %scan3A_212#1 : vector<16xf32> to vector<1x16xf32>
      tpu.vector_store %arg13[%swap3A_214, %swap3A_215], %swap3A_218 {strides = array<i32>} : memref<48x128xf32, #tpu.memory_space<vmem>>, vector<1x16xf32>,
      %swap3A_219 = arith.index_cast %scan3A_183 : i32 to index
      %swap3A_220 = arith.constant 112 : index
      %swap3A_221 = tpu.vector_load %arg14[%swap3A_219, %swap3A_220] {strides = array<i32>} : memref<48x128xf32, #tpu.memory_space<vmem>>, vector<1x16xf32>,
      %swap3A_222 = vector.shape_cast %swap3A_221 : vector<1x16xf32> to vector<16xf32>
      %swap3A_223 = vector.shape_cast %scan3A_212#2 : vector<16xf32> to vector<1x16xf32>
      tpu.vector_store %arg14[%swap3A_219, %swap3A_220], %swap3A_223 {strides = array<i32>} : memref<48x128xf32, #tpu.memory_space<vmem>>, vector<1x16xf32>,
      %swap3A_224 = arith.index_cast %scan3A_183 : i32 to index
      %swap3A_225 = arith.constant 112 : index
      %swap3A_226 = tpu.vector_load %arg15[%swap3A_224, %swap3A_225] {strides = array<i32>} : memref<48x128xf32, #tpu.memory_space<vmem>>, vector<1x16xf32>,
      %swap3A_227 = vector.shape_cast %swap3A_226 : vector<1x16xf32> to vector<16xf32>
      %swap3A_228 = vector.shape_cast %scan3A_212#3 : vector<16xf32> to vector<1x16xf32>
      tpu.vector_store %arg15[%swap3A_224, %swap3A_225], %swap3A_228 {strides = array<i32>} : memref<48x128xf32, #tpu.memory_space<vmem>>, vector<1x16xf32>,
    }
    %scan3A_182 = arith.constant 48 : i32
    "tpu.region"() ({
      %run_scoped3A = tpu.sem_alloc : memref<!tpu.dma_semaphore, #tpu.memory_space<semaphore_mem>>
      %dma_start3A = arith.constant 0 : i32
      %dma_start3A_183 = arith.constant 0 : i32
      %dma_start3A_184 = tpu.memref_slice %arg5[%add3A, %dma_start3A, %dma_start3A_183] : memref<32x48x128xf32, #tpu.memory_space<hbm>> -> memref<1x48x128xf32, #tpu.memory_space<hbm>>
      %dma_start3A_185 = tpu.memref_squeeze %dma_start3A_184 : memref<1x48x128xf32, #tpu.memory_space<hbm>> -> memref<48x128xf32, #tpu.memory_space<hbm>>
      %dma_start3A_186 = arith.constant 0 : i32
      %dma_start3A_187 = arith.constant 0 : i32
      %dma_start3A_188 = tpu.memref_slice %arg5[%add3A, %dma_start3A_186, %dma_start3A_187] : memref<32x48x128xf32, #tpu.memory_space<hbm>> -> memref<1x48x128xf32, #tpu.memory_space<hbm>>
      %dma_start3A_189 = tpu.memref_squeeze %dma_start3A_188 : memref<1x48x128xf32, #tpu.memory_space<hbm>> -> memref<48x128xf32, #tpu.memory_space<hbm>>
      tpu.enqueue_dma source(%arg12 : memref<48x128xf32, #tpu.memory_space<vmem>>) target(%dma_start3A_189 : memref<48x128xf32, #tpu.memory_space<hbm>>) target_semaphore(%run_scoped3A : memref<!tpu.dma_semaphore, #tpu.memory_space<semaphore_mem>>)
      %dma_wait3A = arith.constant 0 : i32
      %dma_wait3A_190 = arith.constant 0 : i32
      %dma_wait3A_191 = tpu.memref_slice %arg5[%add3A, %dma_wait3A, %dma_wait3A_190] : memref<32x48x128xf32, #tpu.memory_space<hbm>> -> memref<1x48x128xf32, #tpu.memory_space<hbm>>
      %dma_wait3A_192 = tpu.memref_squeeze %dma_wait3A_191 : memref<1x48x128xf32, #tpu.memory_space<hbm>> -> memref<48x128xf32, #tpu.memory_space<hbm>>
      %dma_wait3A_193 = arith.constant 0 : i32
      %dma_wait3A_194 = arith.constant 0 : i32
      %dma_wait3A_195 = tpu.memref_slice %arg5[%add3A, %dma_wait3A_193, %dma_wait3A_194] : memref<32x48x128xf32, #tpu.memory_space<hbm>> -> memref<1x48x128xf32, #tpu.memory_space<hbm>>
      %dma_wait3A_196 = tpu.memref_squeeze %dma_wait3A_195 : memref<1x48x128xf32, #tpu.memory_space<hbm>> -> memref<48x128xf32, #tpu.memory_space<hbm>>
      tpu.wait_dma2 semaphore(%run_scoped3A : memref<!tpu.dma_semaphore, #tpu.memory_space<semaphore_mem>>) src(%arg12 : memref<48x128xf32, #tpu.memory_space<vmem>>) dst(%dma_wait3A_196 : memref<48x128xf32, #tpu.memory_space<hbm>>)
      tpu.yield
    }) : () -> ()
    "tpu.region"() ({
      %run_scoped3A = tpu.sem_alloc : memref<!tpu.dma_semaphore, #tpu.memory_space<semaphore_mem>>
      %dma_start3A = arith.constant 0 : i32
      %dma_start3A_183 = arith.constant 0 : i32
      %dma_start3A_184 = tpu.memref_slice %arg6[%add3A, %dma_start3A, %dma_start3A_183] : memref<32x48x128xf32, #tpu.memory_space<hbm>> -> memref<1x48x128xf32, #tpu.memory_space<hbm>>
      %dma_start3A_185 = tpu.memref_squeeze %dma_start3A_184 : memref<1x48x128xf32, #tpu.memory_space<hbm>> -> memref<48x128xf32, #tpu.memory_space<hbm>>
      %dma_start3A_186 = arith.constant 0 : i32
      %dma_start3A_187 = arith.constant 0 : i32
      %dma_start3A_188 = tpu.memref_slice %arg6[%add3A, %dma_start3A_186, %dma_start3A_187] : memref<32x48x128xf32, #tpu.memory_space<hbm>> -> memref<1x48x128xf32, #tpu.memory_space<hbm>>
      %dma_start3A_189 = tpu.memref_squeeze %dma_start3A_188 : memref<1x48x128xf32, #tpu.memory_space<hbm>> -> memref<48x128xf32, #tpu.memory_space<hbm>>
      tpu.enqueue_dma source(%arg13 : memref<48x128xf32, #tpu.memory_space<vmem>>) target(%dma_start3A_189 : memref<48x128xf32, #tpu.memory_space<hbm>>) target_semaphore(%run_scoped3A : memref<!tpu.dma_semaphore, #tpu.memory_space<semaphore_mem>>)
      %dma_wait3A = arith.constant 0 : i32
      %dma_wait3A_190 = arith.constant 0 : i32
      %dma_wait3A_191 = tpu.memref_slice %arg6[%add3A, %dma_wait3A, %dma_wait3A_190] : memref<32x48x128xf32, #tpu.memory_space<hbm>> -> memref<1x48x128xf32, #tpu.memory_space<hbm>>
      %dma_wait3A_192 = tpu.memref_squeeze %dma_wait3A_191 : memref<1x48x128xf32, #tpu.memory_space<hbm>> -> memref<48x128xf32, #tpu.memory_space<hbm>>
      %dma_wait3A_193 = arith.constant 0 : i32
      %dma_wait3A_194 = arith.constant 0 : i32
      %dma_wait3A_195 = tpu.memref_slice %arg6[%add3A, %dma_wait3A_193, %dma_wait3A_194] : memref<32x48x128xf32, #tpu.memory_space<hbm>> -> memref<1x48x128xf32, #tpu.memory_space<hbm>>
      %dma_wait3A_196 = tpu.memref_squeeze %dma_wait3A_195 : memref<1x48x128xf32, #tpu.memory_space<hbm>> -> memref<48x128xf32, #tpu.memory_space<hbm>>
      tpu.wait_dma2 semaphore(%run_scoped3A : memref<!tpu.dma_semaphore, #tpu.memory_space<semaphore_mem>>) src(%arg13 : memref<48x128xf32, #tpu.memory_space<vmem>>) dst(%dma_wait3A_196 : memref<48x128xf32, #tpu.memory_space<hbm>>)
      tpu.yield
    }) : () -> ()
    "tpu.region"() ({
      %run_scoped3A = tpu.sem_alloc : memref<!tpu.dma_semaphore, #tpu.memory_space<semaphore_mem>>
      %dma_start3A = arith.constant 0 : i32
      %dma_start3A_183 = arith.constant 0 : i32
      %dma_start3A_184 = tpu.memref_slice %arg7[%add3A, %dma_start3A, %dma_start3A_183] : memref<32x48x128xf32, #tpu.memory_space<hbm>> -> memref<1x48x128xf32, #tpu.memory_space<hbm>>
      %dma_start3A_185 = tpu.memref_squeeze %dma_start3A_184 : memref<1x48x128xf32, #tpu.memory_space<hbm>> -> memref<48x128xf32, #tpu.memory_space<hbm>>
      %dma_start3A_186 = arith.constant 0 : i32
      %dma_start3A_187 = arith.constant 0 : i32
      %dma_start3A_188 = tpu.memref_slice %arg7[%add3A, %dma_start3A_186, %dma_start3A_187] : memref<32x48x128xf32, #tpu.memory_space<hbm>> -> memref<1x48x128xf32, #tpu.memory_space<hbm>>
      %dma_start3A_189 = tpu.memref_squeeze %dma_start3A_188 : memref<1x48x128xf32, #tpu.memory_space<hbm>> -> memref<48x128xf32, #tpu.memory_space<hbm>>
      tpu.enqueue_dma source(%arg14 : memref<48x128xf32, #tpu.memory_space<vmem>>) target(%dma_start3A_189 : memref<48x128xf32, #tpu.memory_space<hbm>>) target_semaphore(%run_scoped3A : memref<!tpu.dma_semaphore, #tpu.memory_space<semaphore_mem>>)
      %dma_wait3A = arith.constant 0 : i32
      %dma_wait3A_190 = arith.constant 0 : i32
      %dma_wait3A_191 = tpu.memref_slice %arg7[%add3A, %dma_wait3A, %dma_wait3A_190] : memref<32x48x128xf32, #tpu.memory_space<hbm>> -> memref<1x48x128xf32, #tpu.memory_space<hbm>>
      %dma_wait3A_192 = tpu.memref_squeeze %dma_wait3A_191 : memref<1x48x128xf32, #tpu.memory_space<hbm>> -> memref<48x128xf32, #tpu.memory_space<hbm>>
      %dma_wait3A_193 = arith.constant 0 : i32
      %dma_wait3A_194 = arith.constant 0 : i32
      %dma_wait3A_195 = tpu.memref_slice %arg7[%add3A, %dma_wait3A_193, %dma_wait3A_194] : memref<32x48x128xf32, #tpu.memory_space<hbm>> -> memref<1x48x128xf32, #tpu.memory_space<hbm>>
      %dma_wait3A_196 = tpu.memref_squeeze %dma_wait3A_195 : memref<1x48x128xf32, #tpu.memory_space<hbm>> -> memref<48x128xf32, #tpu.memory_space<hbm>>
      tpu.wait_dma2 semaphore(%run_scoped3A : memref<!tpu.dma_semaphore, #tpu.memory_space<semaphore_mem>>) src(%arg14 : memref<48x128xf32, #tpu.memory_space<vmem>>) dst(%dma_wait3A_196 : memref<48x128xf32, #tpu.memory_space<hbm>>)
      tpu.yield
    }) : () -> ()
    "tpu.region"() ({
      %run_scoped3A = tpu.sem_alloc : memref<!tpu.dma_semaphore, #tpu.memory_space<semaphore_mem>>
      %dma_start3A = arith.constant 0 : i32
      %dma_start3A_183 = arith.constant 0 : i32
      %dma_start3A_184 = tpu.memref_slice %arg8[%add3A, %dma_start3A, %dma_start3A_183] : memref<32x48x128xf32, #tpu.memory_space<hbm>> -> memref<1x48x128xf32, #tpu.memory_space<hbm>>
      %dma_start3A_185 = tpu.memref_squeeze %dma_start3A_184 : memref<1x48x128xf32, #tpu.memory_space<hbm>> -> memref<48x128xf32, #tpu.memory_space<hbm>>
      %dma_start3A_186 = arith.constant 0 : i32
      %dma_start3A_187 = arith.constant 0 : i32
      %dma_start3A_188 = tpu.memref_slice %arg8[%add3A, %dma_start3A_186, %dma_start3A_187] : memref<32x48x128xf32, #tpu.memory_space<hbm>> -> memref<1x48x128xf32, #tpu.memory_space<hbm>>
      %dma_start3A_189 = tpu.memref_squeeze %dma_start3A_188 : memref<1x48x128xf32, #tpu.memory_space<hbm>> -> memref<48x128xf32, #tpu.memory_space<hbm>>
      tpu.enqueue_dma source(%arg15 : memref<48x128xf32, #tpu.memory_space<vmem>>) target(%dma_start3A_189 : memref<48x128xf32, #tpu.memory_space<hbm>>) target_semaphore(%run_scoped3A : memref<!tpu.dma_semaphore, #tpu.memory_space<semaphore_mem>>)
      %dma_wait3A = arith.constant 0 : i32
      %dma_wait3A_190 = arith.constant 0 : i32
      %dma_wait3A_191 = tpu.memref_slice %arg8[%add3A, %dma_wait3A, %dma_wait3A_190] : memref<32x48x128xf32, #tpu.memory_space<hbm>> -> memref<1x48x128xf32, #tpu.memory_space<hbm>>
      %dma_wait3A_192 = tpu.memref_squeeze %dma_wait3A_191 : memref<1x48x128xf32, #tpu.memory_space<hbm>> -> memref<48x128xf32, #tpu.memory_space<hbm>>
      %dma_wait3A_193 = arith.constant 0 : i32
      %dma_wait3A_194 = arith.constant 0 : i32
      %dma_wait3A_195 = tpu.memref_slice %arg8[%add3A, %dma_wait3A_193, %dma_wait3A_194] : memref<32x48x128xf32, #tpu.memory_space<hbm>> -> memref<1x48x128xf32, #tpu.memory_space<hbm>>
      %dma_wait3A_196 = tpu.memref_squeeze %dma_wait3A_195 : memref<1x48x128xf32, #tpu.memory_space<hbm>> -> memref<48x128xf32, #tpu.memory_space<hbm>>
      tpu.wait_dma2 semaphore(%run_scoped3A : memref<!tpu.dma_semaphore, #tpu.memory_space<semaphore_mem>>) src(%arg15 : memref<48x128xf32, #tpu.memory_space<vmem>>) dst(%dma_wait3A_196 : memref<48x128xf32, #tpu.memory_space<hbm>>)
      tpu.yield
    }) : () -> ()
    return
  }
}

module attributes {stable_mosaic.version = 14 : i64} {
  func.func @_tc_block(%arg0: i32, %arg1: memref<1x48x128xf32, #tpu.memory_space<vmem>>, %arg2: memref<1x48x128xf32, #tpu.memory_space<vmem>>, %arg3: memref<1x48x128xf32, #tpu.memory_space<vmem>>, %arg4: memref<1x48x128xf32, #tpu.memory_space<vmem>>, %arg5: memref<1x128xf32, #tpu.memory_space<vmem>>, %arg6: memref<1x128xf32, #tpu.memory_space<vmem>>, %arg7: memref<1x128xf32, #tpu.memory_space<vmem>>, %arg8: memref<1x128xf32, #tpu.memory_space<vmem>>, %arg9: memref<1x128xf32, #tpu.memory_space<vmem>>, %arg10: memref<384x384xf32, #tpu.memory_space<vmem>>, %arg11: memref<1x384xf32, #tpu.memory_space<vmem>>, %arg12: memref<128x48x384xf32, #tpu.memory_space<vmem>>) attributes {dimension_semantics = [#tpu.dimension_semantics<arbitrary>], iteration_bounds = array<i64: 32>, scalar_prefetch = 0 : i64, scratch_operands = 0 : i64, tpu.core_type = #tpu.core_type<tc>, window_params = [{transform_indices = @transform_0, window_bounds = array<i64: 1, 48, 128>}, {transform_indices = @transform_1, window_bounds = array<i64: 1, 48, 128>}, {transform_indices = @transform_2, window_bounds = array<i64: 1, 48, 128>}, {transform_indices = @transform_3, window_bounds = array<i64: 1, 48, 128>}, {pipeline_mode = #tpu.pipeline_mode<synchronous>, transform_indices = @transform_4, window_bounds = array<i64: 1, 128>}, {pipeline_mode = #tpu.pipeline_mode<synchronous>, transform_indices = @transform_5, window_bounds = array<i64: 1, 128>}, {pipeline_mode = #tpu.pipeline_mode<synchronous>, transform_indices = @transform_6, window_bounds = array<i64: 1, 128>}, {pipeline_mode = #tpu.pipeline_mode<synchronous>, transform_indices = @transform_7, window_bounds = array<i64: 1, 128>}, {pipeline_mode = #tpu.pipeline_mode<synchronous>, transform_indices = @transform_8, window_bounds = array<i64: 1, 128>}, {pipeline_mode = #tpu.pipeline_mode<synchronous>, transform_indices = @transform_9, window_bounds = array<i64: 384, 384>}, {pipeline_mode = #tpu.pipeline_mode<synchronous>, transform_indices = @transform_10, window_bounds = array<i64: 1, 384>}, {transform_indices = @transform_11, window_bounds = array<i64: 128, 48, 384>}]} {
    %get3A = arith.constant 0 : index
    %get3A_0 = arith.constant 0 : index
    %get3A_1 = arith.constant 0 : index
    %get3A_2 = vector.load %arg1[%get3A, %get3A_0, %get3A_1] : memref<1x48x128xf32, #tpu.memory_space<vmem>>, vector<1x48x128xf32>
    %get3A_3 = vector.shape_cast %get3A_2 : vector<1x48x128xf32> to vector<48x128xf32>
    %sqrt3A = math.sqrt %get3A_3 : vector<48x128xf32>
    %get3A_4 = arith.constant 0 : index
    %get3A_5 = arith.constant 0 : index
    %get3A_6 = arith.constant 0 : index
    %get3A_7 = vector.load %arg2[%get3A_4, %get3A_5, %get3A_6] : memref<1x48x128xf32, #tpu.memory_space<vmem>>, vector<1x48x128xf32>
    %get3A_8 = vector.shape_cast %get3A_7 : vector<1x48x128xf32> to vector<48x128xf32>
    %sqrt3A_9 = math.sqrt %get3A_8 : vector<48x128xf32>
    %get3A_10 = arith.constant 0 : index
    %get3A_11 = arith.constant 0 : index
    %get3A_12 = arith.constant 0 : index
    %get3A_13 = vector.load %arg3[%get3A_10, %get3A_11, %get3A_12] : memref<1x48x128xf32, #tpu.memory_space<vmem>>, vector<1x48x128xf32>
    %get3A_14 = vector.shape_cast %get3A_13 : vector<1x48x128xf32> to vector<48x128xf32>
    %sqrt3A_15 = math.sqrt %get3A_14 : vector<48x128xf32>
    %add3A = arith.addf %sqrt3A_9, %sqrt3A_15 : vector<48x128xf32>
    %get3A_16 = arith.constant 0 : index
    %get3A_17 = arith.constant 0 : index
    %get3A_18 = arith.constant 0 : index
    %get3A_19 = vector.load %arg4[%get3A_16, %get3A_17, %get3A_18] : memref<1x48x128xf32, #tpu.memory_space<vmem>>, vector<1x48x128xf32>
    %get3A_20 = vector.shape_cast %get3A_19 : vector<1x48x128xf32> to vector<48x128xf32>
    %sqrt3A_21 = math.sqrt %get3A_20 : vector<48x128xf32>
    %add3A_22 = arith.addf %add3A, %sqrt3A_21 : vector<48x128xf32>
    %mul3A = arith.constant 0.333333343 : f32
    %mul3A_23 = vector.broadcast %mul3A : f32 to vector<48x128xf32>
    %mul3A_24 = arith.mulf %add3A_22, %mul3A_23 : vector<48x128xf32>
    %get3A_25 = arith.constant 0 : index
    %get3A_26 = arith.constant 0 : index
    %get3A_27 = vector.load %arg10[%get3A_25, %get3A_26] : memref<384x384xf32, #tpu.memory_space<vmem>>, vector<384x384xf32>
    %slice3A = vector.extract_strided_slice %get3A_27 {offsets = [0, 0], sizes = [128, 384], strides = [1, 1]} : vector<384x384xf32> to vector<128x384xf32>
    %slice3A_28 = vector.extract_strided_slice %get3A_27 {offsets = [128, 0], sizes = [128, 384], strides = [1, 1]} : vector<384x384xf32> to vector<128x384xf32>
    %slice3A_29 = vector.extract_strided_slice %get3A_27 {offsets = [256, 0], sizes = [128, 384], strides = [1, 1]} : vector<384x384xf32> to vector<128x384xf32>
    %get3A_30 = arith.constant 0 : index
    %get3A_31 = arith.constant 0 : index
    %get3A_32 = vector.load %arg5[%get3A_30, %get3A_31] : memref<1x128xf32, #tpu.memory_space<vmem>>, vector<1x128xf32>
    %dot_general3A = arith.constant dense<0.000000e+00> : vector<1x384xf32>
    %dot_general3A_33 = tpu.matmul %get3A_32, %slice3A, %dot_general3A {dimension_numbers = #tpu.dot_dimension_numbers<[1], [0], [0], [1], [0, 0, 1, 1], [], []>, transpose_lhs_hint = false} : vector<1x128xf32>, vector<128x384xf32>, vector<1x384xf32> -> vector<1x384xf32>
    %get3A_34 = arith.constant 0 : index
    %get3A_35 = arith.constant 0 : index
    %get3A_36 = vector.load %arg8[%get3A_34, %get3A_35] : memref<1x128xf32, #tpu.memory_space<vmem>>, vector<1x128xf32>
    %dot_general3A_37 = arith.constant dense<0.000000e+00> : vector<1x384xf32>
    %dot_general3A_38 = tpu.matmul %get3A_36, %slice3A_29, %dot_general3A_37 {dimension_numbers = #tpu.dot_dimension_numbers<[1], [0], [0], [1], [0, 0, 1, 1], [], []>, transpose_lhs_hint = false} : vector<1x128xf32>, vector<128x384xf32>, vector<1x384xf32> -> vector<1x384xf32>
    %get3A_39 = arith.constant 0 : index
    %get3A_40 = arith.constant 0 : index
    %get3A_41 = vector.load %arg6[%get3A_39, %get3A_40] : memref<1x128xf32, #tpu.memory_space<vmem>>, vector<1x128xf32>
    %dot_general3A_42 = arith.constant dense<0.000000e+00> : vector<1x384xf32>
    %dot_general3A_43 = tpu.matmul %get3A_41, %slice3A, %dot_general3A_42 {dimension_numbers = #tpu.dot_dimension_numbers<[1], [0], [0], [1], [0, 0, 1, 1], [], []>, transpose_lhs_hint = false} : vector<1x128xf32>, vector<128x384xf32>, vector<1x384xf32> -> vector<1x384xf32>
    %get3A_44 = arith.constant 0 : index
    %get3A_45 = arith.constant 0 : index
    %get3A_46 = vector.load %arg7[%get3A_44, %get3A_45] : memref<1x128xf32, #tpu.memory_space<vmem>>, vector<1x128xf32>
    %dot_general3A_47 = arith.constant dense<0.000000e+00> : vector<1x384xf32>
    %dot_general3A_48 = tpu.matmul %get3A_46, %slice3A_28, %dot_general3A_47 {dimension_numbers = #tpu.dot_dimension_numbers<[1], [0], [0], [1], [0, 0, 1, 1], [], []>, transpose_lhs_hint = false} : vector<1x128xf32>, vector<128x384xf32>, vector<1x384xf32> -> vector<1x384xf32>
    %add3A_49 = arith.addf %dot_general3A_43, %dot_general3A_48 : vector<1x384xf32>
    %get3A_50 = arith.constant 0 : index
    %get3A_51 = arith.constant 0 : index
    %get3A_52 = vector.load %arg9[%get3A_50, %get3A_51] : memref<1x128xf32, #tpu.memory_space<vmem>>, vector<1x128xf32>
    %dot_general3A_53 = arith.constant dense<0.000000e+00> : vector<1x384xf32>
    %dot_general3A_54 = tpu.matmul %get3A_52, %slice3A_29, %dot_general3A_53 {dimension_numbers = #tpu.dot_dimension_numbers<[1], [0], [0], [1], [0, 0, 1, 1], [], []>, transpose_lhs_hint = false} : vector<1x128xf32>, vector<128x384xf32>, vector<1x384xf32> -> vector<1x384xf32>
    %add3A_55 = arith.addf %add3A_49, %dot_general3A_54 : vector<1x384xf32>
    %get3A_56 = arith.constant 0 : index
    %get3A_57 = arith.constant 0 : index
    %get3A_58 = vector.load %arg11[%get3A_56, %get3A_57] : memref<1x384xf32, #tpu.memory_space<vmem>>, vector<1x384xf32>
    %add3A_59 = arith.addf %add3A_55, %get3A_58 : vector<1x384xf32>
    %transpose3A = tpu.transpose %sqrt3A, [1, 0] : vector<48x128xf32> -> vector<128x48xf32>
    %broadcast_in_dim3A = vector.shape_cast %transpose3A : vector<128x48xf32> to vector<128x48x1xf32>
    %transpose3A_60 = tpu.transpose %mul3A_24, [1, 0] : vector<48x128xf32> -> vector<128x48xf32>
    %broadcast_in_dim3A_61 = vector.shape_cast %transpose3A_60 : vector<128x48xf32> to vector<128x48x1xf32>
    %broadcast_in_dim3A_62 = vector.shape_cast %dot_general3A_33 : vector<1x384xf32> to vector<1x1x384xf32>
    %mul3A_63 = vector.broadcast %broadcast_in_dim3A : vector<128x48x1xf32> to vector<128x48x384xf32>
    %mul3A_64 = vector.broadcast %broadcast_in_dim3A_62 : vector<1x1x384xf32> to vector<128x48x384xf32>
    %mul3A_65 = arith.mulf %mul3A_63, %mul3A_64 : vector<128x48x384xf32>
    %broadcast_in_dim3A_66 = vector.shape_cast %dot_general3A_38 : vector<1x384xf32> to vector<1x1x384xf32>
    %mul3A_67 = vector.broadcast %broadcast_in_dim3A_61 : vector<128x48x1xf32> to vector<128x48x384xf32>
    %mul3A_68 = vector.broadcast %broadcast_in_dim3A_66 : vector<1x1x384xf32> to vector<128x48x384xf32>
    %mul3A_69 = arith.mulf %mul3A_67, %mul3A_68 : vector<128x48x384xf32>
    %add3A_70 = arith.addf %mul3A_65, %mul3A_69 : vector<128x48x384xf32>
    %broadcast_in_dim3A_71 = vector.shape_cast %add3A_59 : vector<1x384xf32> to vector<1x1x384xf32>
    %add3A_72 = vector.broadcast %broadcast_in_dim3A_71 : vector<1x1x384xf32> to vector<128x48x384xf32>
    %add3A_73 = arith.addf %add3A_70, %add3A_72 : vector<128x48x384xf32>
    %swap3A = arith.constant 0 : index
    %swap3A_74 = arith.constant 0 : index
    %swap3A_75 = arith.constant 0 : index
    %swap3A_76 = vector.load %arg12[%swap3A, %swap3A_74, %swap3A_75] : memref<128x48x384xf32, #tpu.memory_space<vmem>>, vector<128x48x384xf32>
    tpu.vector_store %arg12[%swap3A, %swap3A_74, %swap3A_75], %add3A_73 {strides = array<i32>} : memref<128x48x384xf32, #tpu.memory_space<vmem>>, vector<128x48x384xf32>,
    return
  }
  func.func @transform_0(%arg0: i32) -> (i32, i32, i32) {
    %c0_i32 = arith.constant 0 : i32
    %c0_i32_0 = arith.constant 0 : i32
    %c0_i32_1 = arith.constant 0 : i32
    return %arg0, %c0_i32, %c0_i32_0 : i32, i32, i32
  }
  func.func @transform_1(%arg0: i32) -> (i32, i32, i32) {
    %c0_i32 = arith.constant 0 : i32
    %c0_i32_0 = arith.constant 0 : i32
    %c0_i32_1 = arith.constant 0 : i32
    return %arg0, %c0_i32, %c0_i32_0 : i32, i32, i32
  }
  func.func @transform_2(%arg0: i32) -> (i32, i32, i32) {
    %c0_i32 = arith.constant 0 : i32
    %c0_i32_0 = arith.constant 0 : i32
    %c0_i32_1 = arith.constant 0 : i32
    return %arg0, %c0_i32, %c0_i32_0 : i32, i32, i32
  }
  func.func @transform_3(%arg0: i32) -> (i32, i32, i32) {
    %c0_i32 = arith.constant 0 : i32
    %c0_i32_0 = arith.constant 0 : i32
    %c0_i32_1 = arith.constant 0 : i32
    return %arg0, %c0_i32, %c0_i32_0 : i32, i32, i32
  }
  func.func @transform_4(%arg0: i32) -> (i32, i32) {
    %c0_i32 = arith.constant 0 : i32
    %c0_i32_0 = arith.constant 0 : i32
    %c0_i32_1 = arith.constant 0 : i32
    return %c0_i32, %c0_i32_0 : i32, i32
  }
  func.func @transform_5(%arg0: i32) -> (i32, i32) {
    %c0_i32 = arith.constant 0 : i32
    %c0_i32_0 = arith.constant 0 : i32
    %c0_i32_1 = arith.constant 0 : i32
    return %c0_i32, %c0_i32_0 : i32, i32
  }
  func.func @transform_6(%arg0: i32) -> (i32, i32) {
    %c0_i32 = arith.constant 0 : i32
    %c0_i32_0 = arith.constant 0 : i32
    %c0_i32_1 = arith.constant 0 : i32
    return %c0_i32, %c0_i32_0 : i32, i32
  }
  func.func @transform_7(%arg0: i32) -> (i32, i32) {
    %c0_i32 = arith.constant 0 : i32
    %c0_i32_0 = arith.constant 0 : i32
    %c0_i32_1 = arith.constant 0 : i32
    return %c0_i32, %c0_i32_0 : i32, i32
  }
  func.func @transform_8(%arg0: i32) -> (i32, i32) {
    %c0_i32 = arith.constant 0 : i32
    %c0_i32_0 = arith.constant 0 : i32
    %c0_i32_1 = arith.constant 0 : i32
    return %c0_i32, %c0_i32_0 : i32, i32
  }
  func.func @transform_9(%arg0: i32) -> (i32, i32) {
    %c0_i32 = arith.constant 0 : i32
    %c0_i32_0 = arith.constant 0 : i32
    %c0_i32_1 = arith.constant 0 : i32
    return %c0_i32, %c0_i32_0 : i32, i32
  }
  func.func @transform_10(%arg0: i32) -> (i32, i32) {
    %c0_i32 = arith.constant 0 : i32
    %c0_i32_0 = arith.constant 0 : i32
    %c0_i32_1 = arith.constant 0 : i32
    return %c0_i32, %c0_i32_0 : i32, i32
  }
  func.func @transform_11(%arg0: i32) -> (i32, i32, i32) {
    %c0_i32 = arith.constant 0 : i32
    %c0_i32_0 = arith.constant 0 : i32
    %c0_i32_1 = arith.constant 0 : i32
    return %arg0, %c0_i32, %c0_i32_0 : i32, i32, i32
  }
}

</mosaic_0001>

<sc_bundles>
// kernel: kernel.4.cloned.1.call-start
scs
__scs_entry_jumppad:
0x0: {  	(pc) =	sbr.rel $0x88, $3  }
0x1: {  	(tag) =	ssettag $0x0;
	lr =	simm.s32 $0x1  }
0x2: {  	[smem:$0x3F99] =	sst lr;
	_ =	strace $0xD0000000  }
0x3: {  	_ = 	snop  }
0x4: {  	_ = 	snop  }
0x5: {  	_ = 	snop  }
0x6: {  	_ = 	snop  }
0x7: {  	_ = 	snop  }
__scs_overlays_trampoline_lowered:
0x8: {  	[smem:$0x3FA8] =	sst s0  }
0x9: {  	[smem:$0x3FA9] =	sst s1  }
0xa: {  	[smem:$0x3FAA] =	sst s2  }
0xb: {  	[smem:$0x3FAB] =	sst s3  }
0xc: {  	[smem:$0x3FAC] =	sst s4  }
0xd: {  	[smem:$0x3FAD] =	sst s5  }
0xe: {  	[smem:$0x3FAE] =	sst s6  }
0xf: {  	[smem:$0x3FAF] =	sst s7  }
0x10: {  	[smem:$0x3FB0] =	sst s8  }
0x11: {  	[smem:$0x3FB1] =	sst s9;
	s0 =	simm.s32 @!p0 $0x0  }
0x12: {  	s1 =	sld [smem:$0x3F97];
	s0 =	simm.s32 @p0 $0x1  }
0x13: {  	[smem:$0x3FB2] =	sst s0;
	s0 =	simm.s32 @!p1 $0x0  }
0x14: {  	s2 =	sld [smem:$0x3F96];
	s0 =	simm.s32 @p1 $0x1  }
0x15: {  	[smem:$0x3FB3] =	sst s0;
	s0 =	simm.s32 @!p2 $0x0  }
0x16: {  	s3 =	sld [smem:$0x3FDB];
	s0 =	simm.s32 @p2 $0x1  }
0x17: {  	s4 =	simm.s32 $0x1BF5;
	[smem:$0x3FB5] =	sst s0  }
0x18: {  	s0 =	sld [smem:$0x3F98];
	_ =	swait.ge [sflag:s4], $0x0  }
0x19: {  	s7 =	sld [smem:$0x3F99]  }
0x1a: {  	s8 =	sadd.s32 $0xFFFFE003, lr  }
0x1b: {  	s9 =	sadd.s32 $0xFFFFFEF7, lr;
	s5 =	simm.s32 $0xFFFFFFFF;
	p2 =	slt.u32 s8, $0xFFFFF086  }
0x1c: {  	p1 =	slt.u32 s9, $0xF7A;
	s5 =	simm.s32 @!p2 $0x0  }
0x1d: {  	s5 =	simm.s32 @p1 $0x1;
	p0 =	seq.s32 s7, s2  }
0x1e: {  	s7 =	smul.u32 @!p0 $0xF7A, s2;
	p2 =	seq.s32 @!p0 s5, $0x0  }
0x1f: {  	s9 =	smul.u32 $0xF7A, s1;
	s8 =	simm.s32 @!p0 $0x1BF5;
	p2 =	por !p2, p0  }
0x20: {  	[sflag:s8] =	ssyncset.s32 @!p0 $0xFFFFF086;
	s6 =	sadd.s32 @!p0 s3, s7;
	s7 =	simm.s32 @!p0 $0x108  }
0x21: {  	s3 =	sadd.s32 s3, s9;
	s6 =	sadd.s32 @!p0 $0x88, s6;
	s7 =	simm.s32 @p2 $0x1082  }
0x22: {  	[simem:s7], [sflag:s8] =	dma.local @!p0 [hbm:s6], $0xF7A  }
0x23: {  	s9 =	sor.u32 $0xD0000000, s2;
	s6 =	simm.s32 $0x108;
	_ =	swait.ge @!p0 [sflag:s8], $0x0  }
0x24: {  	s3 =	sadd.s32 $0x88, s3;
	s6 =	simm.s32 @!p1 $0x1082;
	[sflag:s4] =	ssyncset.s32 $0xFFFFF086  }
0x25: {  	[simem:s6], [sflag:s4] =	dma.local [hbm:s3], $0xF7A  }
0x26: {  	[smem:$0x3F99] =	sst s1;
	(tag) =	ssettag s2;
	_ =	strace s9  }
0x27: {  	s1 =	sld [smem:$0x3FA9]  }
0x28: {  	s2 =	sld [smem:$0x3FAA]  }
0x29: {  	s4 =	sld [smem:$0x3FAC]  }
0x2a: {  	p0 =	seq.s32 s5, $0x0;
	s5 =	sld [smem:$0x3FAD]  }
0x2b: {  	s6 =	sld [smem:$0x3FAE]  }
0x2c: {  	s7 =	sld [smem:$0x3FAF]  }
0x2d: {  	s3 =	simm.s32 $0x108;
	s8 =	sld [smem:$0x3FB0]  }
0x2e: {  	s3 =	simm.s32 @!p0 $0x1082;
	s9 =	sld [smem:$0x3FB1]  }
0x2f: {  	lr =	sadd.s32 s0, s3;
	s0 =	sld [smem:$0x3FA8]  }
0x30: {  	s3 =	sld [smem:$0x3FAB]  }
0x31: {  	[smem:$0x3FB4] =	sst s10  }
0x32: {  	s10 =	sld [smem:$0x3FB2];
	_ =	sdelay $0x3  }
0x33: {  	p0 =	seq.s32 s10, $0x1;
	s10 =	sld [smem:$0x3FB4];
	_ =	sdelay $0x3  }
0x34: {  	[smem:$0x3FB4] =	sst s10  }
0x35: {  	s10 =	sld [smem:$0x3FB3];
	_ =	sdelay $0x3  }
0x36: {  	p1 =	seq.s32 s10, $0x1;
	s10 =	sld [smem:$0x3FB4];
	_ =	sdelay $0x3  }
0x37: {  	[smem:$0x3FB4] =	sst s10  }
0x38: {  	s10 =	sld [smem:$0x3FB5]  }
0x39: {  	_ = 	snop;
	(pc) =	sbr.ind lr, $3  }
0x3a: {  	_ = 	snop  }
0x3b: {  	_ = 	snop  }
0x3c: {  	p2 =	seq.s32 s10, $0x1;
	s10 =	sld [smem:$0x3FB4]  }
0x3d: {  	_ =	shalt  }
0x3e: {  	_ =	shalt  }
0x3f: {  	_ =	shalt  }
0x40: {  	_ =	shalt  }
0x41: {  	_ =	shalt  }
0x42: {  	_ =	shalt  }
0x43: {  	_ =	shalt  }
0x44: {  	_ =	shalt  }
0x45: {  	_ =	shalt  }
0x46: {  	_ =	shalt  }
0x47: {  	_ =	shalt  }
0x48: {  	_ =	shalt  }
0x49: {  	_ =	shalt  }
0x4a: {  	_ =	shalt  }
0x4b: {  	_ =	shalt  }
0x4c: {  	_ =	shalt  }
0x4d: {  	_ =	shalt  }
0x4e: {  	_ =	shalt  }
0x4f: {  	_ =	shalt  }
0x50: {  	_ =	shalt  }
0x51: {  	_ =	shalt  }
0x52: {  	_ =	shalt  }
0x53: {  	_ =	shalt  }
0x54: {  	_ =	shalt  }
0x55: {  	_ =	shalt  }
0x56: {  	_ =	shalt  }
0x57: {  	_ =	shalt  }
0x58: {  	_ =	shalt  }
0x59: {  	_ =	shalt  }
0x5a: {  	_ =	shalt  }
0x5b: {  	_ =	shalt  }
0x5c: {  	_ =	shalt  }
0x5d: {  	_ =	shalt  }
0x5e: {  	_ =	shalt  }
0x5f: {  	_ =	shalt  }
0x60: {  	_ =	shalt  }
0x61: {  	_ =	shalt  }
0x62: {  	_ =	shalt  }
0x63: {  	_ =	shalt  }
0x64: {  	_ =	shalt  }
0x65: {  	_ =	shalt  }
0x66: {  	_ =	shalt  }
0x67: {  	_ =	shalt  }
0x68: {  	_ =	shalt  }
0x69: {  	_ =	shalt  }
0x6a: {  	_ =	shalt  }
0x6b: {  	_ =	shalt  }
0x6c: {  	_ =	shalt  }
0x6d: {  	_ =	shalt  }
0x6e: {  	_ =	shalt  }
0x6f: {  	_ =	shalt  }
0x70: {  	_ =	shalt  }
0x71: {  	_ =	shalt  }
0x72: {  	_ =	shalt  }
0x73: {  	_ =	shalt  }
0x74: {  	_ =	shalt  }
0x75: {  	_ =	shalt  }
0x76: {  	_ =	shalt  }
0x77: {  	_ =	shalt  }
0x78: {  	_ =	shalt  }
0x79: {  	_ =	shalt  }
0x7a: {  	_ =	shalt  }
0x7b: {  	_ =	shalt  }
0x7c: {  	_ =	shalt  }
0x7d: {  	_ =	shalt  }
0x7e: {  	_ =	shalt  }
0x7f: {  	_ =	shalt  }
0x80: {  	_ =	shalt  }
0x81: {  	_ =	shalt  }
0x82: {  	_ =	shalt  }
0x83: {  	_ =	shalt  }
0x84: {  	_ =	shalt  }
0x85: {  	_ =	shalt  }
0x86: {  	_ =	shalt  }
0x87: {  	_ =	shalt  }
.Lfunc_end0:
.L_simem_size_0:
called_computation_lowered:
.L_overlay_start_0:
0x88: {  	s2 =	sld [smem:$0x3FD9]  }
0x89: {  	s3 =	sld [smem:$0x3FFE];
	_ =	sdelay $0x1  }
0x8a: {  	s1 =	srdreg.scid  }
0x8b: {  	s0 =	sand.u32 $0x1, s1  }
0x8c: {  	s17 =	sshll.u32 s0, $0xA;
	s2 =	sadd.s32 s3, s2  }
0x8d: {  	s2 =	sadd.s32 s2, s17  }
0x8e: {  	[smem:$0x3FC0] =	sst s2  }
0x8f: {  	_ = 	snop  }
0x90: {  	s2 =	sld [smem:$0x3FD0];
	(tm) =	ssettm $0x1  }
0x91: {  	s18 =	sld [smem:$0x3FFB];
	_ =	sdelay $0x3  }
0x92: {  	_ =	strace s18  }
0x93: {  	s3 =	sld [smem:$0x3FFC];
	_ =	sdelay $0x3  }
0x94: {  	_ =	strace s3  }
0x95: {  	s3 =	sld [smem:$0x3FFD];
	_ =	sdelay $0x3  }
0x96: {  	_ =	strace s3  }
0x97: {  	_ =	strace $0x8FFFFFFF  }
0x98: {  	s19 =	sld [smem:$0x3FDB];
	_ =	sdelay $0x1  }
0x99: {  	s4 =	simm.s32 $_scs_section_size  }
0x9a: {  	s5 =	simm.s32 $_size__tile_overlayer_lowered;
	s6 =	simm.s32 $_tile_overlayer_lowered  }
0x9b: {  	s22 =	simm.s32 $0x1BFF;
	s21 =	sshll.u32 s6, $0x1;
	s3 =	sadd.s32 s4, s19  }
0x9c: {  	s7 =	simm.s32 $0x0;
	s20 =	sshll.u32 s5, $0x1;
	s5 =	sadd.s32 s21, s3  }
0x9d: {  	[timem:s7], [sflag:s22] =	dma.local [hbm:s5], s20  }
0x9e: {  	_ =	swait.ge [sflag:s22], s20  }
0x9f: {  	s4 =	ssub.s32 $0x0, s20;
	[sflag:s22] =	ssyncset.done $0x0  }
0xa0: {  	[sflag:s22] =	ssyncadd.s32 s4;
	_ =	sdelay $0x1  }
0xa1: {  	s23 =	simm.s32 $0x1B8B  }
0xa2: {  	_ =	swait.ge [sflag:s23], $0x1  }
0xa3: {  	[sflag:s23] =	ssyncset.done $0x0  }
0xa4: {  	s25 =	simm.s32 $0x1B8E;
	s24 =	sld [smem:$0x3FFE];
	[sflag:s23] =	ssyncadd.s32 $0xFFFFFFFF  }
0xa5: {  	s26 =	simm.s32 $execute0_lowered;
	[smem:$0x3FD2] =	sst s25  }
0xa6: {  	s5 =	sshll.u32 s26, $0x1;
	_ =	strace $0x80000046;
	[dreg:$0x1] =	wrdreg $0xFFFFFFFF  }
0xa7: {  	s28 =	simm.s32 $_size_execute0_lowered;
	s3 =	sadd.s32 s3, s5;
	[dreg:$0x0] =	wrdreg $0x0  }
0xa8: {  	s5 =	sshll.u32 s28, $0x1;
	[dreg:$0x2] =	wrdreg s3  }
0xa9: {  	[dreg:$0x3] =	wrdreg s5  }
0xaa: {  	[dreg:$0x4] =	wrdreg $0xC0  }
0xab: {  	_ =	task [dreg:s7], $0x5FFFF  }
0xac: {  	[dreg:$0x1] =	wrdreg $0xFFFFFFFF  }
0xad: {  	[dreg:$0x0] =	wrdreg $0x60  }
0xae: {  	[dreg:$0x2] =	wrdreg s24  }
0xaf: {  	[dreg:$0x3] =	wrdreg s2  }
0xb0: {  	[dreg:$0x4] =	wrdreg $0x9  }
0xb1: {  	_ =	task.clear_ibuf [dreg:s7], $0x5FFFF;
	_ =	strace $0x90000046  }
0xb2: {  	s29 =	simm.s32 $0x9;
	_ =	strace $0x80000048  }
0xb3: {  	_ =	swait.ge [sflag:s29], $0x1  }
0xb4: {  	[sflag:s29] =	ssyncadd.s32 $0xFFFFFFFF  }
0xb5: {  	_ =	strace $0x90000048  }
0xb6: {  	_ =	sfence  }
0xb7: {  	s30 =	sld [smem:$0x0];
	_ =	sdelay $0x2  }
0xb8: {  	s31 =	sshll.u32 s1, $0xD;
	s1 =	sshrl.u32 s1, $0x2  }
0xb9: {  	s3 =	sand.u32 $0x4000, s31;
	s1 =	sadd.s32 s1, s30  }
0xba: {  	s0 =	sor.u32 s3, s0;
	s1 =	sshll.u32 s1, $0x11  }
0xbb: {  	s0 =	sor.u32 s1, s0  }
0xbc: {  	s0 =	sadd.s32 $0x8F2B, s0  }
0xbd: {  	[sflag:s0] =	ssyncadd.remote.s32 $0x1  }
0xbe: {  	_ =	sfence.sel $0xFFFF  }
0xbf: {  	[dreg:$0x0] =	wrdreg $0xFFFFFFFF;
	(pc) =	sbr.abs _section_cstart, $3  }
0xc0: {  	[dreg:$0x1] =	wrdreg $0xFFFFFFFF  }
0xc1: {  	_ =	task.clear_ibuf [dreg:s7], $0x2FFFF;
	_ =	strace $0x9FFFFFFF  }
0xc2: {  	(tm) =	ssettm $0x7FFFFFFF  }
0xc3: {  	_ =	shalt  }
tec
execute0_lowered:
.L_overlay_start_1:
0x0: {  	(tag) =	ssettag $0x1  }
0x1: {  	s1 =	srdreg.scid;
	s4 =	rddreg [dreg:$0x0]  }
0x2: {  	s0 =	stileid.u32;
	s5 =	rddreg [dreg:$0x1];
	s2 =	simm.s32 $0x0  }
0x3: {  	s11 =	simm.s32 $0x1;
	s12 =	simm.s32 $0x1800;
	s13 =	simm.s32 $0x3000  }
0x4: {  	s14 =	simm.s32 $0x4800;
	s15 =	simm.s32 $0x6000;
	s16 =	simm.s32 $0x7800  }
0x5: {  	s17 =	simm.s32 $0x9000;
	s3 =	sand.u32 $0x1, s1;
	s30 =	sshll.u32 s0, $0x1  }
0x6: {  	s18 =	simm.s32 $0x0;
	s1 =	sor.u32 s3, s30;
	s3 =	ssub.s32 $0x2, s3  }
0x7: {  	[smem:$0x7FF] =	sst s2;
	s6 =	smul.u32 $0x300, s1;
	s31 =	sshrl.u32 s3, $0x1  }
0x8: {  	s1 =	rddreg [dreg:$0x2];
	_ =	strace $0x80000047;
	s10 =	ssub.s32 s3, s31  }
0x9: {  	s9 =	sadd.s32 s6, s4;
	s5 =	sadd.s32 s5, s6;
	s10 =	smax.u32 s10, $0x1  }
0xa: {  	s3 =	sadd.s32 $0x8000, s9;
	s4 =	sadd.s32 $0x2000, s9;
	s6 =	sadd.s32 $0xE000, s9  }
0xb: {  	s7 =	sadd.s32 $0x14000, s9;
	s8 =	sadd.s32 $0x1A000, s9;
	s9 =	sadd.s32 $0x20000, s9  }
.LBB2_1:
0xc: {  	[tilespmem:s2], [sflag:$0x1] =	stream.linear.gather [hbm4b:s3+s2], $0x1800, $0x38;
	[tilespmem:$0xA800] =	vst v63  }
0xd: {  	_ =	swait.ge [sflag:s11], $0x1800  }
0xe: {  	[sflag:s11] =	ssyncset.done $0x0  }
0xf: {  	[sflag:s11] =	ssyncadd.s32 $0xFFFFE800  }
0x10: {  	[tilespmem:s12], [sflag:$0x1] =	stream.linear.gather [hbm4b:s4+s2], $0x1800, $0x38;
	[tilespmem:$0xA800] =	vst v63  }
0x11: {  	_ =	swait.ge [sflag:s11], $0x1800  }
0x12: {  	[sflag:s11] =	ssyncset.done $0x0  }
0x13: {  	[sflag:s11] =	ssyncadd.s32 $0xFFFFE800  }
0x14: {  	[tilespmem:s13], [sflag:$0x1] =	stream.linear.gather [hbm4b:s5+s2], $0x1800, $0x38;
	[tilespmem:$0xA800] =	vst v63  }
0x15: {  	_ =	swait.ge [sflag:s11], $0x1800  }
0x16: {  	[sflag:s11] =	ssyncset.done $0x0  }
0x17: {  	s20 =	simm.s32 $0x0;
	[sflag:s11] =	ssyncadd.s32 $0xFFFFE800  }
0x18: {  	v1 =	vld [tilespmem:s20+$0x3000]  }
0x19: {  	v2 =	vld [tilespmem:s20+$0x0]  }
0x1a: {  	v0 =	vimm.f32 $0.0e+00;
	s19 =	simm.s32 $0x200;
	v5 =	vimm.f32 $0.0e+00;
	v3 =	vimm.f32 $0.0e+00;
	v4 =	vld [tilespmem:s20+$0x1800]  }
.LBB2_2:
0x1b: {  	p0 =	sne.s32 s19, $0x5E00  }
.Ltmp0:
0x1c: {  	_ = 	snop;
	(pc) =	sbr.rel @p0 .LBB2_2-.Ltmp0, $4  }
0x1d: {  	s20 =	sshra.s32 s19, $0x2  }
0x1e: {  	v0 =	vadd.f32 v1, v0;
	v1 =	vld [tilespmem:s20+$0x3000]  }
0x1f: {  	v5 =	vadd.f32 v2, v5;
	v2 =	vld [tilespmem:s20+$0x0]  }
0x20: {  	s19 =	sadd.s32 $0x200, s19;
	v3 =	vadd.f32 v4, v3;
	v4 =	vld [tilespmem:s20+$0x1800]  }
0x21: {  	_ =	sdelay $0x2  }
0x22: {  	v2 =	vadd.f32 v2, v5  }
0x23: {  	v63 =	vadd.f32 v1, v0;
	v1 =	vadd.f32 v4, v3  }
0x24: {  	v0 =	vmul.f32 $2.083333400e-02, v2  }
0x25: {  	s19 =	simm.s32 $0x0;
	v2 =	vmul.f32 $2.083333400e-02, v63;
	v1 =	vmul.f32 $2.083333400e-02, v1  }
.LBB2_4:
0x26: {  	s20 =	sshll.u32 s19, $0x7  }
0x27: {  	v3 =	vld [tilespmem:s20+$0x0]  }
0x28: {  	v4 =	vld [tilespmem:s20+$0x1800];
	_ =	sdelay $0x1  }
0x29: {  	v5 =	vld [tilespmem:s20+$0x3000];
	_ =	sdelay $0x2  }
0x2a: {  	v6 =	vsub.f32 v3, v0;
	v7 =	vsub.f32 v4, v1;
	_ =	sdelay $0x1  }
0x2b: {  	v8 =	vsub.f32 v5, v2;
	v6 =	vmul.f32 v6, v6;
	v7 =	vmul.f32 v7, v7;
	_ =	sdelay $0x1  }
0x2c: {  	v6 =	vadd.f32 v7, v6;
	v7 =	vmul.f32 v8, v8;
	_ =	sdelay $0x1  }
0x2d: {  	v6 =	vadd.f32 v7, v6;
	_ =	sdelay $0x1  }
0x2e: {  	s21 =	simm.s32 $0x0;
	[tilespmem:s20+$0x4800] =	vst v6  }
0x2f: {  	v6 =	vld [tilespmem:s21+$0x3180]  }
0x30: {  	v7 =	vld [tilespmem:s21+$0x180]  }
0x31: {  	v8 =	vld [tilespmem:s21+$0x3080]  }
0x32: {  	v9 =	vld [tilespmem:s21+$0x3000]  }
0x33: {  	v10 =	vld [tilespmem:s21+$0x80]  }
0x34: {  	v11 =	vld [tilespmem:s21+$0x100]  }
0x35: {  	v12 =	vld [tilespmem:s21+$0x1900]  }
0x36: {  	v13 =	vld [tilespmem:s21+$0x0]  }
0x37: {  	v14 =	vld [tilespmem:s21+$0x1800]  }
0x38: {  	v15 =	vld [tilespmem:s21+$0x1880]  }
0x39: {  	v16 =	vld [tilespmem:s21+$0x1980]  }
0x3a: {  	s31 =	simm.s32 $0x200;
	v17 =	vld [tilespmem:s21+$0x3100]  }
0x3b: {  	v18 =	vld [tilespmem:s31+$0x3180];
	v6 =	vsub.f32 v5, v6  }
0x3c: {  	v20 =	vld [tilespmem:s31+$0x1980];
	v7 =	vsub.f32 v3, v7;
	v8 =	vsub.f32 v5, v8  }
0x3d: {  	v22 =	vld [tilespmem:s31+$0x100];
	v9 =	vsub.f32 v5, v9;
	v10 =	vsub.f32 v3, v10  }
0x3e: {  	v23 =	vld [tilespmem:s31+$0x1900];
	v11 =	vsub.f32 v3, v11;
	v13 =	vsub.f32 v3, v13  }
0x3f: {  	v25 =	vld [tilespmem:s31+$0x1880];
	v14 =	vsub.f32 v4, v14;
	v12 =	vsub.f32 v4, v12  }
0x40: {  	v28 =	vld [tilespmem:s31+$0x1800];
	v15 =	vsub.f32 v4, v15;
	v16 =	vsub.f32 v4, v16  }
0x41: {  	v26 =	vimm.f32 $+Inf;
	v17 =	vsub.f32 v5, v17;
	v18 =	vsub.f32 v5, v18  }
0x42: {  	v20 =	vsub.f32 v4, v20;
	v22 =	vsub.f32 v3, v22;
	v7 =	vmul.f32 v7, v7  }
0x43: {  	v23 =	vsub.f32 v4, v23;
	v10 =	vmul.f32 v10, v10;
	v11 =	vmul.f32 v11, v11  }
0x44: {  	v25 =	vsub.f32 v4, v25;
	v13 =	vmul.f32 v13, v13;
	v14 =	vmul.f32 v14, v14  }
0x45: {  	v28 =	vsub.f32 v4, v28;
	v12 =	vmul.f32 v12, v12;
	v15 =	vmul.f32 v15, v15  }
0x46: {  	v19 =	vld [tilespmem:s31+$0x180];
	v8 =	vmul.f32 v8, v8;
	v16 =	vmul.f32 v16, v16;
	v13 =	vadd.f32 v14, v13  }
0x47: {  	v9 =	vmul.f32 v9, v9;
	v14 =	vld [tilespmem:s31+$0x3100];
	v11 =	vadd.f32 v12, v11;
	v10 =	vadd.f32 v15, v10  }
0x48: {  	v12 =	vmul.f32 v17, v17;
	v15 =	vld [tilespmem:s31+$0x3080];
	v17 =	vmul.f32 v6, v6;
	v7 =	vadd.f32 v16, v7  }
0x49: {  	v20 =	vmul.f32 v20, v20;
	v30 =	vmul.f32 v22, v22;
	v16 =	vld [tilespmem:s31+$0x3000];
	v9 =	vadd.f32 v9, v13  }
0x4a: {  	v31 =	vmul.f32 v23, v23;
	v13 =	vadd.f32 v8, v10;
	v8 =	vadd.f32 v17, v7;
	v17 =	vld [tilespmem:s31+$0x80]  }
0x4b: {  	v23 =	vmul.f32 v25, v25;
	v6 =	vadd.f32 v12, v11;
	v10 =	vmax.f32 v26, v9  }
0x4c: {  	v7 =	vmin.f32 v26, v9;
	v24 =	vmax.f32 v26, v10;
	v10 =	vmin.f32 v26, v10  }
0x4d: {  	v11 =	vmax.f32 v7, v13;
	v9 =	vsub.f32 v5, v14;
	v14 =	vsub.f32 v3, v19;
	v19 =	vld [tilespmem:s31+$0x0]  }
0x4e: {  	v12 =	vmin.f32 v7, v13;
	v15 =	vsub.f32 v5, v15;
	v16 =	vsub.f32 v5, v16  }
0x4f: {  	v13 =	vmin.f32 v12, v6;
	v27 =	vmul.f32 v14, v14;
	v21 =	vsub.f32 v3, v17  }
0x50: {  	v7 =	vmin.f32 v13, v8;
	v14 =	vmul.f32 v15, v15;
	v16 =	vmul.f32 v16, v16  }
0x51: {  	v17 =	vmax.f32 v10, v11;
	v15 =	vmul.f32 v18, v18;
	v21 =	vmul.f32 v21, v21  }
0x52: {  	v18 =	vadd.f32 v20, v27;
	v27 =	vmax.f32 v26, v24;
	v29 =	vsub.f32 v3, v19  }
0x53: {  	v20 =	vadd.f32 v31, v30;
	v19 =	vmin.f32 v26, v24;
	v24 =	vmul.f32 v28, v28  }
0x54: {  	s21 =	simm.s32 $0x1000;
	v26 =	vmin.f32 v26, v27;
	v25 =	vmax.f32 v19, v17;
	v22 =	vmul.f32 v29, v29  }
.LBB2_5:
0x55: {  	s22 =	sshra.s32 s21, $0x2;
	p0 =	sne.s32 s21, $0x5800;
	s21 =	sadd.s32 $0x800, s21;
	v21 =	vadd.f32 v23, v21;
	v23 =	vmin.f32 v26, v25;
	v8 =	vmax.f32 v13, v8  }
0x56: {  	v10 =	vmin.f32 v10, v11;
	v6 =	vmax.f32 v12, v6;
	v13 =	vld [tilespmem:s22+$0x3180];
	v22 =	vadd.f32 v24, v22  }
0x57: {  	v17 =	vmin.f32 v19, v17;
	v19 =	vmax.f32 v10, v6;
	v6 =	vmin.f32 v10, v6;
	v24 =	vld [tilespmem:s22+$0x180]  }
0x58: {  	v9 =	vmul.f32 v9, v9;
	v11 =	vmin.f32 v6, v8;
	v25 =	vld [tilespmem:s22+$0x3100];
	v10 =	vadd.f32 v16, v22  }
0x59: {  	v12 =	vadd.f32 v14, v21;
	v21 =	vmin.f32 v17, v19;
	v22 =	vmax.f32 v6, v8;
	v16 =	vld [tilespmem:s22+$0x3080]  }
0x5a: {  	v6 =	vadd.f32 v9, v20;
	v8 =	vadd.f32 v15, v18;
	v14 =	vld [tilespmem:s22+$0x3000];
	v26 =	vmax.f32 v7, v10  }
0x5b: {  	v7 =	vmin.f32 v7, v10;
	v15 =	vld [tilespmem:s22+$0x1980];
	v18 =	vsub.f32 v5, v13;
	v20 =	vmax.f32 v11, v26  }
0x5c: {  	v10 =	vmin.f32 v11, v26;
	v11 =	vmax.f32 v7, v12;
	v12 =	vmin.f32 v7, v12;
	v27 =	vld [tilespmem:s22+$0x80]  }
0x5d: {  	v17 =	vmax.f32 v17, v19;
	v13 =	vmin.f32 v12, v6;
	v26 =	vld [tilespmem:s22+$0x100];
	v9 =	vsub.f32 v5, v25  }
0x5e: {  	v17 =	vmin.f32 v23, v17;
	v24 =	vsub.f32 v3, v24;
	v7 =	vmin.f32 v13, v8;
	v19 =	vld [tilespmem:s22+$0x1900]  }
0x5f: {  	v23 =	vld [tilespmem:s22+$0x0];
	v25 =	vsub.f32 v5, v14;
	v14 =	vsub.f32 v5, v16;
	v16 =	vmax.f32 v21, v22  }
0x60: {  	v24 =	vmul.f32 v24, v24;
	v28 =	vld [tilespmem:s22+$0x1880];
	v15 =	vsub.f32 v4, v15;
	v29 =	vmin.f32 v17, v16  }
0x61: {  	v17 =	vmax.f32 v10, v11;
	v30 =	vld [tilespmem:s22+$0x1800];
	v27 =	vsub.f32 v3, v27;
	v14 =	vmul.f32 v14, v14  }
0x62: {  	v31 =	vmin.f32 v21, v22;
	v16 =	vmul.f32 v25, v25;
	v25 =	vmul.f32 v15, v15  }
0x63: {  	v22 =	vsub.f32 v3, v26;
	v21 =	vmul.f32 v27, v27;
	v26 =	vsub.f32 v4, v19  }
.Ltmp1:
0x64: {  	v15 =	vmul.f32 v18, v18;
	v19 =	vmin.f32 v31, v20;
	v23 =	vsub.f32 v3, v23;
	(pc) =	sbr.rel @p0 .LBB2_5-.Ltmp1, $4  }
0x65: {  	v27 =	vsub.f32 v4, v28;
	v28 =	vmul.f32 v22, v22;
	v26 =	vmul.f32 v26, v26  }
0x66: {  	v18 =	vadd.f32 v25, v24;
	v30 =	vsub.f32 v4, v30;
	v22 =	vmul.f32 v23, v23  }
0x67: {  	v25 =	vmax.f32 v19, v17;
	v23 =	vmul.f32 v27, v27;
	v27 =	vmax.f32 v31, v20  }
0x68: {  	v20 =	vadd.f32 v26, v28;
	v24 =	vmul.f32 v30, v30;
	v26 =	vmin.f32 v29, v27  }
0x69: {  	v3 =	vadd.f32 v23, v21;
	v4 =	vmin.f32 v26, v25;
	v5 =	vmax.f32 v13, v8  }
0x6a: {  	v10 =	vmin.f32 v10, v11;
	v6 =	vmax.f32 v12, v6;
	v43 =	vmin.f32 v19, v17  }
0x6b: {  	v9 =	vmul.f32 v9, v9;
	v12 =	vmax.f32 v10, v6;
	v6 =	vmin.f32 v10, v6  }
0x6c: {  	v46 =	vadd.f32 v15, v18;
	v42 =	vadd.f32 v24, v22;
	v10 =	vmin.f32 v6, v5  }
0x6d: {  	v3 =	vadd.f32 v14, v3;
	v44 =	vmin.f32 v43, v12;
	v5 =	vmax.f32 v6, v5  }
0x6e: {  	v9 =	vadd.f32 v9, v20;
	v50 =	vmax.f32 v43, v12;
	v8 =	vadd.f32 v16, v42  }
0x6f: {  	v4 =	vmin.f32 v4, v50;
	v52 =	vmin.f32 v44, v5;
	v5 =	vmax.f32 v44, v5  }
0x70: {  	v4 =	vmin.f32 v4, v5;
	v45 =	vmax.f32 v7, v8;
	v47 =	vmin.f32 v7, v8  }
0x71: {  	v6 =	vmin.f32 v10, v45;
	v49 =	vmax.f32 v47, v3;
	v3 =	vmin.f32 v47, v3  }
0x72: {  	v48 =	vmax.f32 v10, v45;
	v51 =	vmin.f32 v3, v9;
	v53 =	vmax.f32 v6, v49  }
0x73: {  	v54 =	vmin.f32 v52, v48;
	v55 =	vmax.f32 v52, v48;
	v57 =	vmin.f32 v6, v49  }
0x74: {  	s19 =	sadd.s32 $0x1, s19;
	v3 =	vmax.f32 v3, v9;
	v56 =	vmax.f32 v54, v53;
	v4 =	vmin.f32 v4, v55  }
0x75: {  	p0 =	sne.s32 s19, $0x30;
	v58 =	vmax.f32 v51, v46;
	v59 =	vmin.f32 v57, v3;
	v60 =	vmin.f32 v54, v53  }
.Ltmp2:
0x76: {  	v3 =	vmax.f32 v57, v3;
	v4 =	vmin.f32 v4, v56;
	v61 =	vmin.f32 v59, v58;
	(pc) =	sbr.rel @p0 .LBB2_4-.Ltmp2, $4  }
0x77: {  	v62 =	vmin.f32 v60, v3;
	v6 =	vmax.f32 v59, v58;
	v3 =	vmax.f32 v60, v3  }
0x78: {  	v3 =	vmin.f32 v4, v3;
	v63 =	vmax.f32 v62, v6;
	v6 =	vmin.f32 v62, v6;
	[tilespmem:s20+$0x6000] =	vst v61  }
0x79: {  	v3 =	vmin.f32 v3, v63;
	[tilespmem:s20+$0x7800] =	vst v6  }
0x7a: {  	[tilespmem:s20+$0x9000] =	vst v3  }
0x7b: {  	s20 =	simm.s32 $0x10  }
0x7c: {  	v1 =	vld [tilespmem:s20+$0x3000]  }
0x7d: {  	v2 =	vld [tilespmem:s20+$0x0]  }
0x7e: {  	v0 =	vimm.f32 $0.0e+00;
	s19 =	simm.s32 $0x240;
	v5 =	vimm.f32 $0.0e+00;
	v3 =	vimm.f32 $0.0e+00;
	v4 =	vld [tilespmem:s20+$0x1800]  }
.LBB2_8:
0x7f: {  	p0 =	sne.s32 s19, $0x5E40  }
.Ltmp3:
0x80: {  	_ = 	snop;
	(pc) =	sbr.rel @p0 .LBB2_8-.Ltmp3, $4  }
0x81: {  	s20 =	sshra.s32 s19, $0x2  }
0x82: {  	v0 =	vadd.f32 v1, v0;
	v1 =	vld [tilespmem:s20+$0x3000]  }
0x83: {  	v5 =	vadd.f32 v2, v5;
	v2 =	vld [tilespmem:s20+$0x0]  }
0x84: {  	s19 =	sadd.s32 $0x200, s19;
	v3 =	vadd.f32 v4, v3;
	v4 =	vld [tilespmem:s20+$0x1800]  }
0x85: {  	_ =	sdelay $0x2  }
0x86: {  	v2 =	vadd.f32 v2, v5  }
0x87: {  	v63 =	vadd.f32 v1, v0;
	v1 =	vadd.f32 v4, v3  }
0x88: {  	v0 =	vmul.f32 $2.083333400e-02, v2  }
0x89: {  	s19 =	simm.s32 $0x0;
	v2 =	vmul.f32 $2.083333400e-02, v63;
	v1 =	vmul.f32 $2.083333400e-02, v1  }
.LBB2_10:
0x8a: {  	s20 =	sshll.u32 s19, $0x7  }
0x8b: {  	v3 =	vld [tilespmem:s20+$0x10]  }
0x8c: {  	v4 =	vld [tilespmem:s20+$0x1810];
	_ =	sdelay $0x1  }
0x8d: {  	v5 =	vld [tilespmem:s20+$0x3010];
	_ =	sdelay $0x2  }
0x8e: {  	v6 =	vsub.f32 v3, v0;
	v7 =	vsub.f32 v4, v1;
	_ =	sdelay $0x1  }
0x8f: {  	v8 =	vsub.f32 v5, v2;
	v6 =	vmul.f32 v6, v6;
	v7 =	vmul.f32 v7, v7;
	_ =	sdelay $0x1  }
0x90: {  	v6 =	vadd.f32 v7, v6;
	v7 =	vmul.f32 v8, v8;
	_ =	sdelay $0x1  }
0x91: {  	v6 =	vadd.f32 v7, v6;
	_ =	sdelay $0x1  }
0x92: {  	s21 =	simm.s32 $0x0;
	[tilespmem:s20+$0x4810] =	vst v6  }
0x93: {  	v6 =	vld [tilespmem:s21+$0x3190]  }
0x94: {  	v7 =	vld [tilespmem:s21+$0x190]  }
0x95: {  	v8 =	vld [tilespmem:s21+$0x3090]  }
0x96: {  	v9 =	vld [tilespmem:s21+$0x3010]  }
0x97: {  	v10 =	vld [tilespmem:s21+$0x90]  }
0x98: {  	v11 =	vld [tilespmem:s21+$0x110]  }
0x99: {  	v12 =	vld [tilespmem:s21+$0x1910]  }
0x9a: {  	v13 =	vld [tilespmem:s21+$0x10]  }
0x9b: {  	v14 =	vld [tilespmem:s21+$0x1810]  }
0x9c: {  	v15 =	vld [tilespmem:s21+$0x1890]  }
0x9d: {  	v16 =	vld [tilespmem:s21+$0x1990]  }
0x9e: {  	s31 =	simm.s32 $0x200;
	v17 =	vld [tilespmem:s21+$0x3110]  }
0x9f: {  	v18 =	vld [tilespmem:s31+$0x3190];
	v6 =	vsub.f32 v5, v6  }
0xa0: {  	v20 =	vld [tilespmem:s31+$0x1990];
	v7 =	vsub.f32 v3, v7;
	v8 =	vsub.f32 v5, v8  }
0xa1: {  	v22 =	vld [tilespmem:s31+$0x110];
	v9 =	vsub.f32 v5, v9;
	v10 =	vsub.f32 v3, v10  }
0xa2: {  	v23 =	vld [tilespmem:s31+$0x1910];
	v11 =	vsub.f32 v3, v11;
	v13 =	vsub.f32 v3, v13  }
0xa3: {  	v25 =	vld [tilespmem:s31+$0x1890];
	v14 =	vsub.f32 v4, v14;
	v12 =	vsub.f32 v4, v12  }
0xa4: {  	v28 =	vld [tilespmem:s31+$0x1810];
	v15 =	vsub.f32 v4, v15;
	v16 =	vsub.f32 v4, v16  }
0xa5: {  	v26 =	vimm.f32 $+Inf;
	v17 =	vsub.f32 v5, v17;
	v18 =	vsub.f32 v5, v18  }
0xa6: {  	v20 =	vsub.f32 v4, v20;
	v22 =	vsub.f32 v3, v22;
	v7 =	vmul.f32 v7, v7  }
0xa7: {  	v23 =	vsub.f32 v4, v23;
	v10 =	vmul.f32 v10, v10;
	v11 =	vmul.f32 v11, v11  }
0xa8: {  	v25 =	vsub.f32 v4, v25;
	v13 =	vmul.f32 v13, v13;
	v14 =	vmul.f32 v14, v14  }
0xa9: {  	v28 =	vsub.f32 v4, v28;
	v12 =	vmul.f32 v12, v12;
	v15 =	vmul.f32 v15, v15  }
0xaa: {  	v19 =	vld [tilespmem:s31+$0x190];
	v8 =	vmul.f32 v8, v8;
	v16 =	vmul.f32 v16, v16;
	v13 =	vadd.f32 v14, v13  }
0xab: {  	v9 =	vmul.f32 v9, v9;
	v14 =	vld [tilespmem:s31+$0x3110];
	v11 =	vadd.f32 v12, v11;
	v10 =	vadd.f32 v15, v10  }
0xac: {  	v12 =	vmul.f32 v17, v17;
	v15 =	vld [tilespmem:s31+$0x3090];
	v17 =	vmul.f32 v6, v6;
	v7 =	vadd.f32 v16, v7  }
0xad: {  	v20 =	vmul.f32 v20, v20;
	v30 =	vmul.f32 v22, v22;
	v16 =	vld [tilespmem:s31+$0x3010];
	v9 =	vadd.f32 v9, v13  }
0xae: {  	v31 =	vmul.f32 v23, v23;
	v13 =	vadd.f32 v8, v10;
	v8 =	vadd.f32 v17, v7;
	v17 =	vld [tilespmem:s31+$0x90]  }
0xaf: {  	v23 =	vmul.f32 v25, v25;
	v6 =	vadd.f32 v12, v11;
	v10 =	vmax.f32 v26, v9  }
0xb0: {  	v7 =	vmin.f32 v26, v9;
	v24 =	vmax.f32 v26, v10;
	v10 =	vmin.f32 v26, v10  }
0xb1: {  	v11 =	vmax.f32 v7, v13;
	v9 =	vsub.f32 v5, v14;
	v14 =	vsub.f32 v3, v19;
	v19 =	vld [tilespmem:s31+$0x10]  }
0xb2: {  	v12 =	vmin.f32 v7, v13;
	v15 =	vsub.f32 v5, v15;
	v16 =	vsub.f32 v5, v16  }
0xb3: {  	v13 =	vmin.f32 v12, v6;
	v27 =	vmul.f32 v14, v14;
	v21 =	vsub.f32 v3, v17  }
0xb4: {  	v7 =	vmin.f32 v13, v8;
	v14 =	vmul.f32 v15, v15;
	v16 =	vmul.f32 v16, v16  }
0xb5: {  	v17 =	vmax.f32 v10, v11;
	v15 =	vmul.f32 v18, v18;
	v21 =	vmul.f32 v21, v21  }
0xb6: {  	v18 =	vadd.f32 v20, v27;
	v27 =	vmax.f32 v26, v24;
	v29 =	vsub.f32 v3, v19  }
0xb7: {  	v20 =	vadd.f32 v31, v30;
	v19 =	vmin.f32 v26, v24;
	v24 =	vmul.f32 v28, v28  }
0xb8: {  	s20 =	sor.u32 $0x10, s20;
	s21 =	simm.s32 $0x1000;
	v26 =	vmin.f32 v26, v27;
	v25 =	vmax.f32 v19, v17;
	v22 =	vmul.f32 v29, v29  }
.LBB2_11:
0xb9: {  	s22 =	sshra.s32 s21, $0x2;
	p0 =	sne.s32 s21, $0x5800;
	s21 =	sadd.s32 $0x800, s21;
	v21 =	vadd.f32 v23, v21;
	v23 =	vmin.f32 v26, v25;
	v8 =	vmax.f32 v13, v8  }
0xba: {  	v10 =	vmin.f32 v10, v11;
	v6 =	vmax.f32 v12, v6;
	v13 =	vld [tilespmem:s22+$0x3190];
	v22 =	vadd.f32 v24, v22  }
0xbb: {  	v17 =	vmin.f32 v19, v17;
	v19 =	vmax.f32 v10, v6;
	v6 =	vmin.f32 v10, v6;
	v24 =	vld [tilespmem:s22+$0x190]  }
0xbc: {  	v9 =	vmul.f32 v9, v9;
	v11 =	vmin.f32 v6, v8;
	v25 =	vld [tilespmem:s22+$0x3110];
	v10 =	vadd.f32 v16, v22  }
0xbd: {  	v12 =	vadd.f32 v14, v21;
	v21 =	vmin.f32 v17, v19;
	v22 =	vmax.f32 v6, v8;
	v16 =	vld [tilespmem:s22+$0x3090]  }
0xbe: {  	v6 =	vadd.f32 v9, v20;
	v8 =	vadd.f32 v15, v18;
	v14 =	vld [tilespmem:s22+$0x3010];
	v26 =	vmax.f32 v7, v10  }
0xbf: {  	v7 =	vmin.f32 v7, v10;
	v15 =	vld [tilespmem:s22+$0x1990];
	v18 =	vsub.f32 v5, v13;
	v20 =	vmax.f32 v11, v26  }
0xc0: {  	v10 =	vmin.f32 v11, v26;
	v11 =	vmax.f32 v7, v12;
	v12 =	vmin.f32 v7, v12;
	v27 =	vld [tilespmem:s22+$0x90]  }
0xc1: {  	v17 =	vmax.f32 v17, v19;
	v13 =	vmin.f32 v12, v6;
	v26 =	vld [tilespmem:s22+$0x110];
	v9 =	vsub.f32 v5, v25  }
0xc2: {  	v17 =	vmin.f32 v23, v17;
	v24 =	vsub.f32 v3, v24;
	v7 =	vmin.f32 v13, v8;
	v19 =	vld [tilespmem:s22+$0x1910]  }
0xc3: {  	v23 =	vld [tilespmem:s22+$0x10];
	v25 =	vsub.f32 v5, v14;
	v14 =	vsub.f32 v5, v16;
	v16 =	vmax.f32 v21, v22  }
0xc4: {  	v24 =	vmul.f32 v24, v24;
	v28 =	vld [tilespmem:s22+$0x1890];
	v15 =	vsub.f32 v4, v15;
	v29 =	vmin.f32 v17, v16  }
0xc5: {  	v17 =	vmax.f32 v10, v11;
	v30 =	vld [tilespmem:s22+$0x1810];
	v27 =	vsub.f32 v3, v27;
	v14 =	vmul.f32 v14, v14  }
0xc6: {  	v31 =	vmin.f32 v21, v22;
	v16 =	vmul.f32 v25, v25;
	v25 =	vmul.f32 v15, v15  }
0xc7: {  	v22 =	vsub.f32 v3, v26;
	v21 =	vmul.f32 v27, v27;
	v26 =	vsub.f32 v4, v19  }
.Ltmp4:
0xc8: {  	v15 =	vmul.f32 v18, v18;
	v19 =	vmin.f32 v31, v20;
	v23 =	vsub.f32 v3, v23;
	(pc) =	sbr.rel @p0 .LBB2_11-.Ltmp4, $4  }
0xc9: {  	v27 =	vsub.f32 v4, v28;
	v28 =	vmul.f32 v22, v22;
	v26 =	vmul.f32 v26, v26  }
0xca: {  	v18 =	vadd.f32 v25, v24;
	v30 =	vsub.f32 v4, v30;
	v22 =	vmul.f32 v23, v23  }
0xcb: {  	v25 =	vmax.f32 v19, v17;
	v23 =	vmul.f32 v27, v27;
	v27 =	vmax.f32 v31, v20  }
0xcc: {  	v20 =	vadd.f32 v26, v28;
	v24 =	vmul.f32 v30, v30;
	v26 =	vmin.f32 v29, v27  }
0xcd: {  	v3 =	vadd.f32 v23, v21;
	v4 =	vmin.f32 v26, v25;
	v5 =	vmax.f32 v13, v8  }
0xce: {  	v10 =	vmin.f32 v10, v11;
	v6 =	vmax.f32 v12, v6;
	v43 =	vmin.f32 v19, v17  }
0xcf: {  	v9 =	vmul.f32 v9, v9;
	v12 =	vmax.f32 v10, v6;
	v6 =	vmin.f32 v10, v6  }
0xd0: {  	v46 =	vadd.f32 v15, v18;
	v42 =	vadd.f32 v24, v22;
	v10 =	vmin.f32 v6, v5  }
0xd1: {  	v3 =	vadd.f32 v14, v3;
	v44 =	vmin.f32 v43, v12;
	v5 =	vmax.f32 v6, v5  }
0xd2: {  	v9 =	vadd.f32 v9, v20;
	v50 =	vmax.f32 v43, v12;
	v8 =	vadd.f32 v16, v42  }
0xd3: {  	v4 =	vmin.f32 v4, v50;
	v52 =	vmin.f32 v44, v5;
	v5 =	vmax.f32 v44, v5  }
0xd4: {  	v4 =	vmin.f32 v4, v5;
	v45 =	vmax.f32 v7, v8;
	v47 =	vmin.f32 v7, v8  }
0xd5: {  	v6 =	vmin.f32 v10, v45;
	v49 =	vmax.f32 v47, v3;
	v3 =	vmin.f32 v47, v3  }
0xd6: {  	v48 =	vmax.f32 v10, v45;
	v51 =	vmin.f32 v3, v9;
	v53 =	vmax.f32 v6, v49  }
0xd7: {  	v54 =	vmin.f32 v52, v48;
	v55 =	vmax.f32 v52, v48;
	v57 =	vmin.f32 v6, v49  }
0xd8: {  	s19 =	sadd.s32 $0x1, s19;
	v3 =	vmax.f32 v3, v9;
	v56 =	vmax.f32 v54, v53;
	v4 =	vmin.f32 v4, v55  }
0xd9: {  	p0 =	sne.s32 s19, $0x30;
	v58 =	vmax.f32 v51, v46;
	v59 =	vmin.f32 v57, v3;
	v60 =	vmin.f32 v54, v53  }
.Ltmp5:
0xda: {  	v3 =	vmax.f32 v57, v3;
	v4 =	vmin.f32 v4, v56;
	v61 =	vmin.f32 v59, v58;
	(pc) =	sbr.rel @p0 .LBB2_10-.Ltmp5, $4  }
0xdb: {  	v62 =	vmin.f32 v60, v3;
	v6 =	vmax.f32 v59, v58;
	v3 =	vmax.f32 v60, v3  }
0xdc: {  	v3 =	vmin.f32 v4, v3;
	v63 =	vmax.f32 v62, v6;
	v6 =	vmin.f32 v62, v6;
	[tilespmem:s20+$0x6000] =	vst v61  }
0xdd: {  	v3 =	vmin.f32 v3, v63;
	[tilespmem:s20+$0x7800] =	vst v6  }
0xde: {  	[tilespmem:s20+$0x9000] =	vst v3  }
0xdf: {  	s20 =	simm.s32 $0x20  }
0xe0: {  	v1 =	vld [tilespmem:s20+$0x3000]  }
0xe1: {  	v2 =	vld [tilespmem:s20+$0x0]  }
0xe2: {  	v0 =	vimm.f32 $0.0e+00;
	s19 =	simm.s32 $0x280;
	v5 =	vimm.f32 $0.0e+00;
	v3 =	vimm.f32 $0.0e+00;
	v4 =	vld [tilespmem:s20+$0x1800]  }
.LBB2_14:
0xe3: {  	p0 =	sne.s32 s19, $0x5E80  }
.Ltmp6:
0xe4: {  	_ = 	snop;
	(pc) =	sbr.rel @p0 .LBB2_14-.Ltmp6, $4  }
0xe5: {  	s20 =	sshra.s32 s19, $0x2  }
0xe6: {  	v0 =	vadd.f32 v1, v0;
	v1 =	vld [tilespmem:s20+$0x3000]  }
0xe7: {  	v5 =	vadd.f32 v2, v5;
	v2 =	vld [tilespmem:s20+$0x0]  }
0xe8: {  	s19 =	sadd.s32 $0x200, s19;
	v3 =	vadd.f32 v4, v3;
	v4 =	vld [tilespmem:s20+$0x1800]  }
0xe9: {  	_ =	sdelay $0x2  }
0xea: {  	v2 =	vadd.f32 v2, v5  }
0xeb: {  	v63 =	vadd.f32 v1, v0;
	v1 =	vadd.f32 v4, v3  }
0xec: {  	v0 =	vmul.f32 $2.083333400e-02, v2  }
0xed: {  	s19 =	simm.s32 $0x0;
	v2 =	vmul.f32 $2.083333400e-02, v63;
	v1 =	vmul.f32 $2.083333400e-02, v1  }
.LBB2_16:
0xee: {  	s20 =	sshll.u32 s19, $0x7  }
0xef: {  	v3 =	vld [tilespmem:s20+$0x20]  }
0xf0: {  	v4 =	vld [tilespmem:s20+$0x1820];
	_ =	sdelay $0x1  }
0xf1: {  	v5 =	vld [tilespmem:s20+$0x3020];
	_ =	sdelay $0x2  }
0xf2: {  	v6 =	vsub.f32 v3, v0;
	v7 =	vsub.f32 v4, v1;
	_ =	sdelay $0x1  }
0xf3: {  	v8 =	vsub.f32 v5, v2;
	v6 =	vmul.f32 v6, v6;
	v7 =	vmul.f32 v7, v7;
	_ =	sdelay $0x1  }
0xf4: {  	v6 =	vadd.f32 v7, v6;
	v7 =	vmul.f32 v8, v8;
	_ =	sdelay $0x1  }
0xf5: {  	v6 =	vadd.f32 v7, v6;
	_ =	sdelay $0x1  }
0xf6: {  	s21 =	simm.s32 $0x0;
	[tilespmem:s20+$0x4820] =	vst v6  }
0xf7: {  	v6 =	vld [tilespmem:s21+$0x31A0]  }
0xf8: {  	v7 =	vld [tilespmem:s21+$0x1A0]  }
0xf9: {  	v8 =	vld [tilespmem:s21+$0x30A0]  }
0xfa: {  	v9 =	vld [tilespmem:s21+$0x3020]  }
0xfb: {  	v10 =	vld [tilespmem:s21+$0xA0]  }
0xfc: {  	v11 =	vld [tilespmem:s21+$0x120]  }
0xfd: {  	v12 =	vld [tilespmem:s21+$0x1920]  }
0xfe: {  	v13 =	vld [tilespmem:s21+$0x20]  }
0xff: {  	v14 =	vld [tilespmem:s21+$0x1820]  }
0x100: {  	v15 =	vld [tilespmem:s21+$0x18A0]  }
0x101: {  	v16 =	vld [tilespmem:s21+$0x19A0]  }
0x102: {  	s31 =	simm.s32 $0x200;
	v17 =	vld [tilespmem:s21+$0x3120]  }
0x103: {  	v18 =	vld [tilespmem:s31+$0x31A0];
	v6 =	vsub.f32 v5, v6  }
0x104: {  	v20 =	vld [tilespmem:s31+$0x19A0];
	v7 =	vsub.f32 v3, v7;
	v8 =	vsub.f32 v5, v8  }
0x105: {  	v22 =	vld [tilespmem:s31+$0x120];
	v9 =	vsub.f32 v5, v9;
	v10 =	vsub.f32 v3, v10  }
0x106: {  	v23 =	vld [tilespmem:s31+$0x1920];
	v11 =	vsub.f32 v3, v11;
	v13 =	vsub.f32 v3, v13  }
0x107: {  	v25 =	vld [tilespmem:s31+$0x18A0];
	v14 =	vsub.f32 v4, v14;
	v12 =	vsub.f32 v4, v12  }
0x108: {  	v28 =	vld [tilespmem:s31+$0x1820];
	v15 =	vsub.f32 v4, v15;
	v16 =	vsub.f32 v4, v16  }
0x109: {  	v26 =	vimm.f32 $+Inf;
	v17 =	vsub.f32 v5, v17;
	v18 =	vsub.f32 v5, v18  }
0x10a: {  	v20 =	vsub.f32 v4, v20;
	v22 =	vsub.f32 v3, v22;
	v7 =	vmul.f32 v7, v7  }
0x10b: {  	v23 =	vsub.f32 v4, v23;
	v10 =	vmul.f32 v10, v10;
	v11 =	vmul.f32 v11, v11  }
0x10c: {  	v25 =	vsub.f32 v4, v25;
	v13 =	vmul.f32 v13, v13;
	v14 =	vmul.f32 v14, v14  }
0x10d: {  	v28 =	vsub.f32 v4, v28;
	v12 =	vmul.f32 v12, v12;
	v15 =	vmul.f32 v15, v15  }
0x10e: {  	v19 =	vld [tilespmem:s31+$0x1A0];
	v8 =	vmul.f32 v8, v8;
	v16 =	vmul.f32 v16, v16;
	v13 =	vadd.f32 v14, v13  }
0x10f: {  	v9 =	vmul.f32 v9, v9;
	v14 =	vld [tilespmem:s31+$0x3120];
	v11 =	vadd.f32 v12, v11;
	v10 =	vadd.f32 v15, v10  }
0x110: {  	v12 =	vmul.f32 v17, v17;
	v15 =	vld [tilespmem:s31+$0x30A0];
	v17 =	vmul.f32 v6, v6;
	v7 =	vadd.f32 v16, v7  }
0x111: {  	v20 =	vmul.f32 v20, v20;
	v30 =	vmul.f32 v22, v22;
	v16 =	vld [tilespmem:s31+$0x3020];
	v9 =	vadd.f32 v9, v13  }
0x112: {  	v31 =	vmul.f32 v23, v23;
	v13 =	vadd.f32 v8, v10;
	v8 =	vadd.f32 v17, v7;
	v17 =	vld [tilespmem:s31+$0xA0]  }
0x113: {  	v23 =	vmul.f32 v25, v25;
	v6 =	vadd.f32 v12, v11;
	v10 =	vmax.f32 v26, v9  }
0x114: {  	v7 =	vmin.f32 v26, v9;
	v24 =	vmax.f32 v26, v10;
	v10 =	vmin.f32 v26, v10  }
0x115: {  	v11 =	vmax.f32 v7, v13;
	v9 =	vsub.f32 v5, v14;
	v14 =	vsub.f32 v3, v19;
	v19 =	vld [tilespmem:s31+$0x20]  }
0x116: {  	v12 =	vmin.f32 v7, v13;
	v15 =	vsub.f32 v5, v15;
	v16 =	vsub.f32 v5, v16  }
0x117: {  	v13 =	vmin.f32 v12, v6;
	v27 =	vmul.f32 v14, v14;
	v21 =	vsub.f32 v3, v17  }
0x118: {  	v7 =	vmin.f32 v13, v8;
	v14 =	vmul.f32 v15, v15;
	v16 =	vmul.f32 v16, v16  }
0x119: {  	v17 =	vmax.f32 v10, v11;
	v15 =	vmul.f32 v18, v18;
	v21 =	vmul.f32 v21, v21  }
0x11a: {  	v18 =	vadd.f32 v20, v27;
	v27 =	vmax.f32 v26, v24;
	v29 =	vsub.f32 v3, v19  }
0x11b: {  	v20 =	vadd.f32 v31, v30;
	v19 =	vmin.f32 v26, v24;
	v24 =	vmul.f32 v28, v28  }
0x11c: {  	s20 =	sor.u32 $0x20, s20;
	s21 =	simm.s32 $0x1000;
	v26 =	vmin.f32 v26, v27;
	v25 =	vmax.f32 v19, v17;
	v22 =	vmul.f32 v29, v29  }
.LBB2_17:
0x11d: {  	s22 =	sshra.s32 s21, $0x2;
	p0 =	sne.s32 s21, $0x5800;
	s21 =	sadd.s32 $0x800, s21;
	v21 =	vadd.f32 v23, v21;
	v23 =	vmin.f32 v26, v25;
	v8 =	vmax.f32 v13, v8  }
0x11e: {  	v10 =	vmin.f32 v10, v11;
	v6 =	vmax.f32 v12, v6;
	v13 =	vld [tilespmem:s22+$0x31A0];
	v22 =	vadd.f32 v24, v22  }
0x11f: {  	v17 =	vmin.f32 v19, v17;
	v19 =	vmax.f32 v10, v6;
	v6 =	vmin.f32 v10, v6;
	v24 =	vld [tilespmem:s22+$0x1A0]  }
0x120: {  	v9 =	vmul.f32 v9, v9;
	v11 =	vmin.f32 v6, v8;
	v25 =	vld [tilespmem:s22+$0x3120];
	v10 =	vadd.f32 v16, v22  }
0x121: {  	v12 =	vadd.f32 v14, v21;
	v21 =	vmin.f32 v17, v19;
	v22 =	vmax.f32 v6, v8;
	v16 =	vld [tilespmem:s22+$0x30A0]  }
0x122: {  	v6 =	vadd.f32 v9, v20;
	v8 =	vadd.f32 v15, v18;
	v14 =	vld [tilespmem:s22+$0x3020];
	v26 =	vmax.f32 v7, v10  }
0x123: {  	v7 =	vmin.f32 v7, v10;
	v15 =	vld [tilespmem:s22+$0x19A0];
	v18 =	vsub.f32 v5, v13;
	v20 =	vmax.f32 v11, v26  }
0x124: {  	v10 =	vmin.f32 v11, v26;
	v11 =	vmax.f32 v7, v12;
	v12 =	vmin.f32 v7, v12;
	v27 =	vld [tilespmem:s22+$0xA0]  }
0x125: {  	v17 =	vmax.f32 v17, v19;
	v13 =	vmin.f32 v12, v6;
	v26 =	vld [tilespmem:s22+$0x120];
	v9 =	vsub.f32 v5, v25  }
0x126: {  	v17 =	vmin.f32 v23, v17;
	v24 =	vsub.f32 v3, v24;
	v7 =	vmin.f32 v13, v8;
	v19 =	vld [tilespmem:s22+$0x1920]  }
0x127: {  	v23 =	vld [tilespmem:s22+$0x20];
	v25 =	vsub.f32 v5, v14;
	v14 =	vsub.f32 v5, v16;
	v16 =	vmax.f32 v21, v22  }
0x128: {  	v24 =	vmul.f32 v24, v24;
	v28 =	vld [tilespmem:s22+$0x18A0];
	v15 =	vsub.f32 v4, v15;
	v29 =	vmin.f32 v17, v16  }
0x129: {  	v17 =	vmax.f32 v10, v11;
	v30 =	vld [tilespmem:s22+$0x1820];
	v27 =	vsub.f32 v3, v27;
	v14 =	vmul.f32 v14, v14  }
0x12a: {  	v31 =	vmin.f32 v21, v22;
	v16 =	vmul.f32 v25, v25;
	v25 =	vmul.f32 v15, v15  }
0x12b: {  	v22 =	vsub.f32 v3, v26;
	v21 =	vmul.f32 v27, v27;
	v26 =	vsub.f32 v4, v19  }
.Ltmp7:
0x12c: {  	v15 =	vmul.f32 v18, v18;
	v19 =	vmin.f32 v31, v20;
	v23 =	vsub.f32 v3, v23;
	(pc) =	sbr.rel @p0 .LBB2_17-.Ltmp7, $4  }
0x12d: {  	v27 =	vsub.f32 v4, v28;
	v28 =	vmul.f32 v22, v22;
	v26 =	vmul.f32 v26, v26  }
0x12e: {  	v18 =	vadd.f32 v25, v24;
	v30 =	vsub.f32 v4, v30;
	v22 =	vmul.f32 v23, v23  }
0x12f: {  	v25 =	vmax.f32 v19, v17;
	v23 =	vmul.f32 v27, v27;
	v27 =	vmax.f32 v31, v20  }
0x130: {  	v20 =	vadd.f32 v26, v28;
	v24 =	vmul.f32 v30, v30;
	v26 =	vmin.f32 v29, v27  }
0x131: {  	v3 =	vadd.f32 v23, v21;
	v4 =	vmin.f32 v26, v25;
	v5 =	vmax.f32 v13, v8  }
0x132: {  	v10 =	vmin.f32 v10, v11;
	v6 =	vmax.f32 v12, v6;
	v43 =	vmin.f32 v19, v17  }
0x133: {  	v9 =	vmul.f32 v9, v9;
	v12 =	vmax.f32 v10, v6;
	v6 =	vmin.f32 v10, v6  }
0x134: {  	v46 =	vadd.f32 v15, v18;
	v42 =	vadd.f32 v24, v22;
	v10 =	vmin.f32 v6, v5  }
0x135: {  	v3 =	vadd.f32 v14, v3;
	v44 =	vmin.f32 v43, v12;
	v5 =	vmax.f32 v6, v5  }
0x136: {  	v9 =	vadd.f32 v9, v20;
	v50 =	vmax.f32 v43, v12;
	v8 =	vadd.f32 v16, v42  }
0x137: {  	v4 =	vmin.f32 v4, v50;
	v52 =	vmin.f32 v44, v5;
	v5 =	vmax.f32 v44, v5  }
0x138: {  	v4 =	vmin.f32 v4, v5;
	v45 =	vmax.f32 v7, v8;
	v47 =	vmin.f32 v7, v8  }
0x139: {  	v6 =	vmin.f32 v10, v45;
	v49 =	vmax.f32 v47, v3;
	v3 =	vmin.f32 v47, v3  }
0x13a: {  	v48 =	vmax.f32 v10, v45;
	v51 =	vmin.f32 v3, v9;
	v53 =	vmax.f32 v6, v49  }
0x13b: {  	v54 =	vmin.f32 v52, v48;
	v55 =	vmax.f32 v52, v48;
	v57 =	vmin.f32 v6, v49  }
0x13c: {  	s19 =	sadd.s32 $0x1, s19;
	v3 =	vmax.f32 v3, v9;
	v56 =	vmax.f32 v54, v53;
	v4 =	vmin.f32 v4, v55  }
0x13d: {  	p0 =	sne.s32 s19, $0x30;
	v58 =	vmax.f32 v51, v46;
	v59 =	vmin.f32 v57, v3;
	v60 =	vmin.f32 v54, v53  }
.Ltmp8:
0x13e: {  	v3 =	vmax.f32 v57, v3;
	v4 =	vmin.f32 v4, v56;
	v61 =	vmin.f32 v59, v58;
	(pc) =	sbr.rel @p0 .LBB2_16-.Ltmp8, $4  }
0x13f: {  	v62 =	vmin.f32 v60, v3;
	v6 =	vmax.f32 v59, v58;
	v3 =	vmax.f32 v60, v3  }
0x140: {  	v3 =	vmin.f32 v4, v3;
	v63 =	vmax.f32 v62, v6;
	v6 =	vmin.f32 v62, v6;
	[tilespmem:s20+$0x6000] =	vst v61  }
0x141: {  	v3 =	vmin.f32 v3, v63;
	[tilespmem:s20+$0x7800] =	vst v6  }
0x142: {  	[tilespmem:s20+$0x9000] =	vst v3  }
0x143: {  	s20 =	simm.s32 $0x30  }
0x144: {  	v1 =	vld [tilespmem:s20+$0x3000]  }
0x145: {  	v2 =	vld [tilespmem:s20+$0x0]  }
0x146: {  	v0 =	vimm.f32 $0.0e+00;
	s19 =	simm.s32 $0x2C0;
	v5 =	vimm.f32 $0.0e+00;
	v3 =	vimm.f32 $0.0e+00;
	v4 =	vld [tilespmem:s20+$0x1800]  }
.LBB2_20:
0x147: {  	p0 =	sne.s32 s19, $0x5EC0  }
.Ltmp9:
0x148: {  	_ = 	snop;
	(pc) =	sbr.rel @p0 .LBB2_20-.Ltmp9, $4  }
0x149: {  	s20 =	sshra.s32 s19, $0x2  }
0x14a: {  	v0 =	vadd.f32 v1, v0;
	v1 =	vld [tilespmem:s20+$0x3000]  }
0x14b: {  	v5 =	vadd.f32 v2, v5;
	v2 =	vld [tilespmem:s20+$0x0]  }
0x14c: {  	s19 =	sadd.s32 $0x200, s19;
	v3 =	vadd.f32 v4, v3;
	v4 =	vld [tilespmem:s20+$0x1800]  }
0x14d: {  	_ =	sdelay $0x2  }
0x14e: {  	v2 =	vadd.f32 v2, v5  }
0x14f: {  	v63 =	vadd.f32 v1, v0;
	v1 =	vadd.f32 v4, v3  }
0x150: {  	v0 =	vmul.f32 $2.083333400e-02, v2  }
0x151: {  	s19 =	simm.s32 $0x0;
	v2 =	vmul.f32 $2.083333400e-02, v63;
	v1 =	vmul.f32 $2.083333400e-02, v1  }
.LBB2_22:
0x152: {  	s20 =	sshll.u32 s19, $0x7  }
0x153: {  	v3 =	vld [tilespmem:s20+$0x30]  }
0x154: {  	v4 =	vld [tilespmem:s20+$0x1830];
	_ =	sdelay $0x1  }
0x155: {  	v5 =	vld [tilespmem:s20+$0x3030];
	_ =	sdelay $0x2  }
0x156: {  	v6 =	vsub.f32 v3, v0;
	v7 =	vsub.f32 v4, v1;
	_ =	sdelay $0x1  }
0x157: {  	v8 =	vsub.f32 v5, v2;
	v6 =	vmul.f32 v6, v6;
	v7 =	vmul.f32 v7, v7;
	_ =	sdelay $0x1  }
0x158: {  	v6 =	vadd.f32 v7, v6;
	v7 =	vmul.f32 v8, v8;
	_ =	sdelay $0x1  }
0x159: {  	v6 =	vadd.f32 v7, v6;
	_ =	sdelay $0x1  }
0x15a: {  	s21 =	simm.s32 $0x0;
	[tilespmem:s20+$0x4830] =	vst v6  }
0x15b: {  	v6 =	vld [tilespmem:s21+$0x31B0]  }
0x15c: {  	v7 =	vld [tilespmem:s21+$0x1B0]  }
0x15d: {  	v8 =	vld [tilespmem:s21+$0x30B0]  }
0x15e: {  	v9 =	vld [tilespmem:s21+$0x3030]  }
0x15f: {  	v10 =	vld [tilespmem:s21+$0xB0]  }
0x160: {  	v11 =	vld [tilespmem:s21+$0x130]  }
0x161: {  	v12 =	vld [tilespmem:s21+$0x1930]  }
0x162: {  	v13 =	vld [tilespmem:s21+$0x30]  }
0x163: {  	v14 =	vld [tilespmem:s21+$0x1830]  }
0x164: {  	v15 =	vld [tilespmem:s21+$0x18B0]  }
0x165: {  	v16 =	vld [tilespmem:s21+$0x19B0]  }
0x166: {  	s31 =	simm.s32 $0x200;
	v17 =	vld [tilespmem:s21+$0x3130]  }
0x167: {  	v18 =	vld [tilespmem:s31+$0x31B0];
	v6 =	vsub.f32 v5, v6  }
0x168: {  	v20 =	vld [tilespmem:s31+$0x19B0];
	v7 =	vsub.f32 v3, v7;
	v8 =	vsub.f32 v5, v8  }
0x169: {  	v22 =	vld [tilespmem:s31+$0x130];
	v9 =	vsub.f32 v5, v9;
	v10 =	vsub.f32 v3, v10  }
0x16a: {  	v23 =	vld [tilespmem:s31+$0x1930];
	v11 =	vsub.f32 v3, v11;
	v13 =	vsub.f32 v3, v13  }
0x16b: {  	v25 =	vld [tilespmem:s31+$0x18B0];
	v14 =	vsub.f32 v4, v14;
	v12 =	vsub.f32 v4, v12  }
0x16c: {  	v28 =	vld [tilespmem:s31+$0x1830];
	v15 =	vsub.f32 v4, v15;
	v16 =	vsub.f32 v4, v16  }
0x16d: {  	v26 =	vimm.f32 $+Inf;
	v17 =	vsub.f32 v5, v17;
	v18 =	vsub.f32 v5, v18  }
0x16e: {  	v20 =	vsub.f32 v4, v20;
	v22 =	vsub.f32 v3, v22;
	v7 =	vmul.f32 v7, v7  }
0x16f: {  	v23 =	vsub.f32 v4, v23;
	v10 =	vmul.f32 v10, v10;
	v11 =	vmul.f32 v11, v11  }
0x170: {  	v25 =	vsub.f32 v4, v25;
	v13 =	vmul.f32 v13, v13;
	v14 =	vmul.f32 v14, v14  }
0x171: {  	v28 =	vsub.f32 v4, v28;
	v12 =	vmul.f32 v12, v12;
	v15 =	vmul.f32 v15, v15  }
0x172: {  	v19 =	vld [tilespmem:s31+$0x1B0];
	v8 =	vmul.f32 v8, v8;
	v16 =	vmul.f32 v16, v16;
	v13 =	vadd.f32 v14, v13  }
0x173: {  	v9 =	vmul.f32 v9, v9;
	v14 =	vld [tilespmem:s31+$0x3130];
	v11 =	vadd.f32 v12, v11;
	v10 =	vadd.f32 v15, v10  }
0x174: {  	v12 =	vmul.f32 v17, v17;
	v15 =	vld [tilespmem:s31+$0x30B0];
	v17 =	vmul.f32 v6, v6;
	v7 =	vadd.f32 v16, v7  }
0x175: {  	v20 =	vmul.f32 v20, v20;
	v30 =	vmul.f32 v22, v22;
	v16 =	vld [tilespmem:s31+$0x3030];
	v9 =	vadd.f32 v9, v13  }
0x176: {  	v31 =	vmul.f32 v23, v23;
	v13 =	vadd.f32 v8, v10;
	v8 =	vadd.f32 v17, v7;
	v17 =	vld [tilespmem:s31+$0xB0]  }
0x177: {  	v23 =	vmul.f32 v25, v25;
	v6 =	vadd.f32 v12, v11;
	v10 =	vmax.f32 v26, v9  }
0x178: {  	v7 =	vmin.f32 v26, v9;
	v24 =	vmax.f32 v26, v10;
	v10 =	vmin.f32 v26, v10  }
0x179: {  	v11 =	vmax.f32 v7, v13;
	v9 =	vsub.f32 v5, v14;
	v14 =	vsub.f32 v3, v19;
	v19 =	vld [tilespmem:s31+$0x30]  }
0x17a: {  	v12 =	vmin.f32 v7, v13;
	v15 =	vsub.f32 v5, v15;
	v16 =	vsub.f32 v5, v16  }
0x17b: {  	v13 =	vmin.f32 v12, v6;
	v27 =	vmul.f32 v14, v14;
	v21 =	vsub.f32 v3, v17  }
0x17c: {  	v7 =	vmin.f32 v13, v8;
	v14 =	vmul.f32 v15, v15;
	v16 =	vmul.f32 v16, v16  }
0x17d: {  	v17 =	vmax.f32 v10, v11;
	v15 =	vmul.f32 v18, v18;
	v21 =	vmul.f32 v21, v21  }
0x17e: {  	v18 =	vadd.f32 v20, v27;
	v27 =	vmax.f32 v26, v24;
	v29 =	vsub.f32 v3, v19  }
0x17f: {  	v20 =	vadd.f32 v31, v30;
	v19 =	vmin.f32 v26, v24;
	v24 =	vmul.f32 v28, v28  }
0x180: {  	s20 =	sor.u32 $0x30, s20;
	s21 =	simm.s32 $0x1000;
	v26 =	vmin.f32 v26, v27;
	v25 =	vmax.f32 v19, v17;
	v22 =	vmul.f32 v29, v29  }
.LBB2_23:
0x181: {  	s22 =	sshra.s32 s21, $0x2;
	p0 =	sne.s32 s21, $0x5800;
	s21 =	sadd.s32 $0x800, s21;
	v21 =	vadd.f32 v23, v21;
	v23 =	vmin.f32 v26, v25;
	v8 =	vmax.f32 v13, v8  }
0x182: {  	v10 =	vmin.f32 v10, v11;
	v6 =	vmax.f32 v12, v6;
	v13 =	vld [tilespmem:s22+$0x31B0];
	v22 =	vadd.f32 v24, v22  }
0x183: {  	v17 =	vmin.f32 v19, v17;
	v19 =	vmax.f32 v10, v6;
	v6 =	vmin.f32 v10, v6;
	v24 =	vld [tilespmem:s22+$0x1B0]  }
0x184: {  	v9 =	vmul.f32 v9, v9;
	v11 =	vmin.f32 v6, v8;
	v25 =	vld [tilespmem:s22+$0x3130];
	v10 =	vadd.f32 v16, v22  }
0x185: {  	v12 =	vadd.f32 v14, v21;
	v21 =	vmin.f32 v17, v19;
	v22 =	vmax.f32 v6, v8;
	v16 =	vld [tilespmem:s22+$0x30B0]  }
0x186: {  	v6 =	vadd.f32 v9, v20;
	v8 =	vadd.f32 v15, v18;
	v14 =	vld [tilespmem:s22+$0x3030];
	v26 =	vmax.f32 v7, v10  }
0x187: {  	v7 =	vmin.f32 v7, v10;
	v15 =	vld [tilespmem:s22+$0x19B0];
	v18 =	vsub.f32 v5, v13;
	v20 =	vmax.f32 v11, v26  }
0x188: {  	v10 =	vmin.f32 v11, v26;
	v11 =	vmax.f32 v7, v12;
	v12 =	vmin.f32 v7, v12;
	v27 =	vld [tilespmem:s22+$0xB0]  }
0x189: {  	v17 =	vmax.f32 v17, v19;
	v13 =	vmin.f32 v12, v6;
	v26 =	vld [tilespmem:s22+$0x130];
	v9 =	vsub.f32 v5, v25  }
0x18a: {  	v17 =	vmin.f32 v23, v17;
	v24 =	vsub.f32 v3, v24;
	v7 =	vmin.f32 v13, v8;
	v19 =	vld [tilespmem:s22+$0x1930]  }
0x18b: {  	v23 =	vld [tilespmem:s22+$0x30];
	v25 =	vsub.f32 v5, v14;
	v14 =	vsub.f32 v5, v16;
	v16 =	vmax.f32 v21, v22  }
0x18c: {  	v24 =	vmul.f32 v24, v24;
	v28 =	vld [tilespmem:s22+$0x18B0];
	v15 =	vsub.f32 v4, v15;
	v29 =	vmin.f32 v17, v16  }
0x18d: {  	v17 =	vmax.f32 v10, v11;
	v30 =	vld [tilespmem:s22+$0x1830];
	v27 =	vsub.f32 v3, v27;
	v14 =	vmul.f32 v14, v14  }
0x18e: {  	v31 =	vmin.f32 v21, v22;
	v16 =	vmul.f32 v25, v25;
	v25 =	vmul.f32 v15, v15  }
0x18f: {  	v22 =	vsub.f32 v3, v26;
	v21 =	vmul.f32 v27, v27;
	v26 =	vsub.f32 v4, v19  }
.Ltmp10:
0x190: {  	v15 =	vmul.f32 v18, v18;
	v19 =	vmin.f32 v31, v20;
	v23 =	vsub.f32 v3, v23;
	(pc) =	sbr.rel @p0 .LBB2_23-.Ltmp10, $4  }
0x191: {  	v27 =	vsub.f32 v4, v28;
	v28 =	vmul.f32 v22, v22;
	v26 =	vmul.f32 v26, v26  }
0x192: {  	v18 =	vadd.f32 v25, v24;
	v30 =	vsub.f32 v4, v30;
	v22 =	vmul.f32 v23, v23  }
0x193: {  	v25 =	vmax.f32 v19, v17;
	v23 =	vmul.f32 v27, v27;
	v27 =	vmax.f32 v31, v20  }
0x194: {  	v20 =	vadd.f32 v26, v28;
	v24 =	vmul.f32 v30, v30;
	v26 =	vmin.f32 v29, v27  }
0x195: {  	v3 =	vadd.f32 v23, v21;
	v4 =	vmin.f32 v26, v25;
	v5 =	vmax.f32 v13, v8  }
0x196: {  	v10 =	vmin.f32 v10, v11;
	v6 =	vmax.f32 v12, v6;
	v43 =	vmin.f32 v19, v17  }
0x197: {  	v9 =	vmul.f32 v9, v9;
	v12 =	vmax.f32 v10, v6;
	v6 =	vmin.f32 v10, v6  }
0x198: {  	v46 =	vadd.f32 v15, v18;
	v42 =	vadd.f32 v24, v22;
	v10 =	vmin.f32 v6, v5  }
0x199: {  	v3 =	vadd.f32 v14, v3;
	v44 =	vmin.f32 v43, v12;
	v5 =	vmax.f32 v6, v5  }
0x19a: {  	v9 =	vadd.f32 v9, v20;
	v50 =	vmax.f32 v43, v12;
	v8 =	vadd.f32 v16, v42  }
0x19b: {  	v4 =	vmin.f32 v4, v50;
	v52 =	vmin.f32 v44, v5;
	v5 =	vmax.f32 v44, v5  }
0x19c: {  	v4 =	vmin.f32 v4, v5;
	v45 =	vmax.f32 v7, v8;
	v47 =	vmin.f32 v7, v8  }
0x19d: {  	v6 =	vmin.f32 v10, v45;
	v49 =	vmax.f32 v47, v3;
	v3 =	vmin.f32 v47, v3  }
0x19e: {  	v48 =	vmax.f32 v10, v45;
	v51 =	vmin.f32 v3, v9;
	v53 =	vmax.f32 v6, v49  }
0x19f: {  	v54 =	vmin.f32 v52, v48;
	v55 =	vmax.f32 v52, v48;
	v57 =	vmin.f32 v6, v49  }
0x1a0: {  	s19 =	sadd.s32 $0x1, s19;
	v3 =	vmax.f32 v3, v9;
	v56 =	vmax.f32 v54, v53;
	v4 =	vmin.f32 v4, v55  }
0x1a1: {  	p0 =	sne.s32 s19, $0x30;
	v58 =	vmax.f32 v51, v46;
	v59 =	vmin.f32 v57, v3;
	v60 =	vmin.f32 v54, v53  }
.Ltmp11:
0x1a2: {  	v3 =	vmax.f32 v57, v3;
	v4 =	vmin.f32 v4, v56;
	v61 =	vmin.f32 v59, v58;
	(pc) =	sbr.rel @p0 .LBB2_22-.Ltmp11, $4  }
0x1a3: {  	v62 =	vmin.f32 v60, v3;
	v6 =	vmax.f32 v59, v58;
	v3 =	vmax.f32 v60, v3  }
0x1a4: {  	v3 =	vmin.f32 v4, v3;
	v63 =	vmax.f32 v62, v6;
	v6 =	vmin.f32 v62, v6;
	[tilespmem:s20+$0x6000] =	vst v61  }
0x1a5: {  	v3 =	vmin.f32 v3, v63;
	[tilespmem:s20+$0x7800] =	vst v6  }
0x1a6: {  	[tilespmem:s20+$0x9000] =	vst v3  }
0x1a7: {  	s20 =	simm.s32 $0x40  }
0x1a8: {  	v1 =	vld [tilespmem:s20+$0x3000]  }
0x1a9: {  	v2 =	vld [tilespmem:s20+$0x0]  }
0x1aa: {  	v0 =	vimm.f32 $0.0e+00;
	s19 =	simm.s32 $0x300;
	v5 =	vimm.f32 $0.0e+00;
	v3 =	vimm.f32 $0.0e+00;
	v4 =	vld [tilespmem:s20+$0x1800]  }
.LBB2_26:
0x1ab: {  	p0 =	sne.s32 s19, $0x5F00  }
.Ltmp12:
0x1ac: {  	_ = 	snop;
	(pc) =	sbr.rel @p0 .LBB2_26-.Ltmp12, $4  }
0x1ad: {  	s20 =	sshra.s32 s19, $0x2  }
0x1ae: {  	v0 =	vadd.f32 v1, v0;
	v1 =	vld [tilespmem:s20+$0x3000]  }
0x1af: {  	v5 =	vadd.f32 v2, v5;
	v2 =	vld [tilespmem:s20+$0x0]  }
0x1b0: {  	s19 =	sadd.s32 $0x200, s19;
	v3 =	vadd.f32 v4, v3;
	v4 =	vld [tilespmem:s20+$0x1800]  }
0x1b1: {  	_ =	sdelay $0x2  }
0x1b2: {  	v2 =	vadd.f32 v2, v5  }
0x1b3: {  	v63 =	vadd.f32 v1, v0;
	v1 =	vadd.f32 v4, v3  }
0x1b4: {  	v0 =	vmul.f32 $2.083333400e-02, v2  }
0x1b5: {  	s19 =	simm.s32 $0x0;
	v2 =	vmul.f32 $2.083333400e-02, v63;
	v1 =	vmul.f32 $2.083333400e-02, v1  }
.LBB2_28:
0x1b6: {  	s20 =	sshll.u32 s19, $0x7  }
0x1b7: {  	v3 =	vld [tilespmem:s20+$0x40]  }
0x1b8: {  	v4 =	vld [tilespmem:s20+$0x1840];
	_ =	sdelay $0x1  }
0x1b9: {  	v5 =	vld [tilespmem:s20+$0x3040];
	_ =	sdelay $0x2  }
0x1ba: {  	v6 =	vsub.f32 v3, v0;
	v7 =	vsub.f32 v4, v1;
	_ =	sdelay $0x1  }
0x1bb: {  	v8 =	vsub.f32 v5, v2;
	v6 =	vmul.f32 v6, v6;
	v7 =	vmul.f32 v7, v7;
	_ =	sdelay $0x1  }
0x1bc: {  	v6 =	vadd.f32 v7, v6;
	v7 =	vmul.f32 v8, v8;
	_ =	sdelay $0x1  }
0x1bd: {  	v6 =	vadd.f32 v7, v6;
	_ =	sdelay $0x1  }
0x1be: {  	s21 =	simm.s32 $0x0;
	[tilespmem:s20+$0x4840] =	vst v6  }
0x1bf: {  	v6 =	vld [tilespmem:s21+$0x31C0]  }
0x1c0: {  	v7 =	vld [tilespmem:s21+$0x1C0]  }
0x1c1: {  	v8 =	vld [tilespmem:s21+$0x30C0]  }
0x1c2: {  	v9 =	vld [tilespmem:s21+$0x3040]  }
0x1c3: {  	v10 =	vld [tilespmem:s21+$0xC0]  }
0x1c4: {  	v11 =	vld [tilespmem:s21+$0x140]  }
0x1c5: {  	v12 =	vld [tilespmem:s21+$0x1940]  }
0x1c6: {  	v13 =	vld [tilespmem:s21+$0x40]  }
0x1c7: {  	v14 =	vld [tilespmem:s21+$0x1840]  }
0x1c8: {  	v15 =	vld [tilespmem:s21+$0x18C0]  }
0x1c9: {  	v16 =	vld [tilespmem:s21+$0x19C0]  }
0x1ca: {  	s31 =	simm.s32 $0x200;
	v17 =	vld [tilespmem:s21+$0x3140]  }
0x1cb: {  	v18 =	vld [tilespmem:s31+$0x31C0];
	v6 =	vsub.f32 v5, v6  }
0x1cc: {  	v20 =	vld [tilespmem:s31+$0x19C0];
	v7 =	vsub.f32 v3, v7;
	v8 =	vsub.f32 v5, v8  }
0x1cd: {  	v22 =	vld [tilespmem:s31+$0x140];
	v9 =	vsub.f32 v5, v9;
	v10 =	vsub.f32 v3, v10  }
0x1ce: {  	v23 =	vld [tilespmem:s31+$0x1940];
	v11 =	vsub.f32 v3, v11;
	v13 =	vsub.f32 v3, v13  }
0x1cf: {  	v25 =	vld [tilespmem:s31+$0x18C0];
	v14 =	vsub.f32 v4, v14;
	v12 =	vsub.f32 v4, v12  }
0x1d0: {  	v28 =	vld [tilespmem:s31+$0x1840];
	v15 =	vsub.f32 v4, v15;
	v16 =	vsub.f32 v4, v16  }
0x1d1: {  	v26 =	vimm.f32 $+Inf;
	v17 =	vsub.f32 v5, v17;
	v18 =	vsub.f32 v5, v18  }
0x1d2: {  	v20 =	vsub.f32 v4, v20;
	v22 =	vsub.f32 v3, v22;
	v7 =	vmul.f32 v7, v7  }
0x1d3: {  	v23 =	vsub.f32 v4, v23;
	v10 =	vmul.f32 v10, v10;
	v11 =	vmul.f32 v11, v11  }
0x1d4: {  	v25 =	vsub.f32 v4, v25;
	v13 =	vmul.f32 v13, v13;
	v14 =	vmul.f32 v14, v14  }
0x1d5: {  	v28 =	vsub.f32 v4, v28;
	v12 =	vmul.f32 v12, v12;
	v15 =	vmul.f32 v15, v15  }
0x1d6: {  	v19 =	vld [tilespmem:s31+$0x1C0];
	v8 =	vmul.f32 v8, v8;
	v16 =	vmul.f32 v16, v16;
	v13 =	vadd.f32 v14, v13  }
0x1d7: {  	v9 =	vmul.f32 v9, v9;
	v14 =	vld [tilespmem:s31+$0x3140];
	v11 =	vadd.f32 v12, v11;
	v10 =	vadd.f32 v15, v10  }
0x1d8: {  	v12 =	vmul.f32 v17, v17;
	v15 =	vld [tilespmem:s31+$0x30C0];
	v17 =	vmul.f32 v6, v6;
	v7 =	vadd.f32 v16, v7  }
0x1d9: {  	v20 =	vmul.f32 v20, v20;
	v30 =	vmul.f32 v22, v22;
	v16 =	vld [tilespmem:s31+$0x3040];
	v9 =	vadd.f32 v9, v13  }
0x1da: {  	v31 =	vmul.f32 v23, v23;
	v13 =	vadd.f32 v8, v10;
	v8 =	vadd.f32 v17, v7;
	v17 =	vld [tilespmem:s31+$0xC0]  }
0x1db: {  	v23 =	vmul.f32 v25, v25;
	v6 =	vadd.f32 v12, v11;
	v10 =	vmax.f32 v26, v9  }
0x1dc: {  	v7 =	vmin.f32 v26, v9;
	v24 =	vmax.f32 v26, v10;
	v10 =	vmin.f32 v26, v10  }
0x1dd: {  	v11 =	vmax.f32 v7, v13;
	v9 =	vsub.f32 v5, v14;
	v14 =	vsub.f32 v3, v19;
	v19 =	vld [tilespmem:s31+$0x40]  }
0x1de: {  	v12 =	vmin.f32 v7, v13;
	v15 =	vsub.f32 v5, v15;
	v16 =	vsub.f32 v5, v16  }
0x1df: {  	v13 =	vmin.f32 v12, v6;
	v27 =	vmul.f32 v14, v14;
	v21 =	vsub.f32 v3, v17  }
0x1e0: {  	v7 =	vmin.f32 v13, v8;
	v14 =	vmul.f32 v15, v15;
	v16 =	vmul.f32 v16, v16  }
0x1e1: {  	v17 =	vmax.f32 v10, v11;
	v15 =	vmul.f32 v18, v18;
	v21 =	vmul.f32 v21, v21  }
0x1e2: {  	v18 =	vadd.f32 v20, v27;
	v27 =	vmax.f32 v26, v24;
	v29 =	vsub.f32 v3, v19  }
0x1e3: {  	v20 =	vadd.f32 v31, v30;
	v19 =	vmin.f32 v26, v24;
	v24 =	vmul.f32 v28, v28  }
0x1e4: {  	s20 =	sor.u32 $0x40, s20;
	s21 =	simm.s32 $0x1000;
	v26 =	vmin.f32 v26, v27;
	v25 =	vmax.f32 v19, v17;
	v22 =	vmul.f32 v29, v29  }
.LBB2_29:
0x1e5: {  	s22 =	sshra.s32 s21, $0x2;
	p0 =	sne.s32 s21, $0x5800;
	s21 =	sadd.s32 $0x800, s21;
	v21 =	vadd.f32 v23, v21;
	v23 =	vmin.f32 v26, v25;
	v8 =	vmax.f32 v13, v8  }
0x1e6: {  	v10 =	vmin.f32 v10, v11;
	v6 =	vmax.f32 v12, v6;
	v13 =	vld [tilespmem:s22+$0x31C0];
	v22 =	vadd.f32 v24, v22  }
0x1e7: {  	v17 =	vmin.f32 v19, v17;
	v19 =	vmax.f32 v10, v6;
	v6 =	vmin.f32 v10, v6;
	v24 =	vld [tilespmem:s22+$0x1C0]  }
0x1e8: {  	v9 =	vmul.f32 v9, v9;
	v11 =	vmin.f32 v6, v8;
	v25 =	vld [tilespmem:s22+$0x3140];
	v10 =	vadd.f32 v16, v22  }
0x1e9: {  	v12 =	vadd.f32 v14, v21;
	v21 =	vmin.f32 v17, v19;
	v22 =	vmax.f32 v6, v8;
	v16 =	vld [tilespmem:s22+$0x30C0]  }
0x1ea: {  	v6 =	vadd.f32 v9, v20;
	v8 =	vadd.f32 v15, v18;
	v14 =	vld [tilespmem:s22+$0x3040];
	v26 =	vmax.f32 v7, v10  }
0x1eb: {  	v7 =	vmin.f32 v7, v10;
	v15 =	vld [tilespmem:s22+$0x19C0];
	v18 =	vsub.f32 v5, v13;
	v20 =	vmax.f32 v11, v26  }
0x1ec: {  	v10 =	vmin.f32 v11, v26;
	v11 =	vmax.f32 v7, v12;
	v12 =	vmin.f32 v7, v12;
	v27 =	vld [tilespmem:s22+$0xC0]  }
0x1ed: {  	v17 =	vmax.f32 v17, v19;
	v13 =	vmin.f32 v12, v6;
	v26 =	vld [tilespmem:s22+$0x140];
	v9 =	vsub.f32 v5, v25  }
0x1ee: {  	v17 =	vmin.f32 v23, v17;
	v24 =	vsub.f32 v3, v24;
	v7 =	vmin.f32 v13, v8;
	v19 =	vld [tilespmem:s22+$0x1940]  }
0x1ef: {  	v23 =	vld [tilespmem:s22+$0x40];
	v25 =	vsub.f32 v5, v14;
	v14 =	vsub.f32 v5, v16;
	v16 =	vmax.f32 v21, v22  }
0x1f0: {  	v24 =	vmul.f32 v24, v24;
	v28 =	vld [tilespmem:s22+$0x18C0];
	v15 =	vsub.f32 v4, v15;
	v29 =	vmin.f32 v17, v16  }
0x1f1: {  	v17 =	vmax.f32 v10, v11;
	v30 =	vld [tilespmem:s22+$0x1840];
	v27 =	vsub.f32 v3, v27;
	v14 =	vmul.f32 v14, v14  }
0x1f2: {  	v31 =	vmin.f32 v21, v22;
	v16 =	vmul.f32 v25, v25;
	v25 =	vmul.f32 v15, v15  }
0x1f3: {  	v22 =	vsub.f32 v3, v26;
	v21 =	vmul.f32 v27, v27;
	v26 =	vsub.f32 v4, v19  }
.Ltmp13:
0x1f4: {  	v15 =	vmul.f32 v18, v18;
	v19 =	vmin.f32 v31, v20;
	v23 =	vsub.f32 v3, v23;
	(pc) =	sbr.rel @p0 .LBB2_29-.Ltmp13, $4  }
0x1f5: {  	v27 =	vsub.f32 v4, v28;
	v28 =	vmul.f32 v22, v22;
	v26 =	vmul.f32 v26, v26  }
0x1f6: {  	v18 =	vadd.f32 v25, v24;
	v30 =	vsub.f32 v4, v30;
	v22 =	vmul.f32 v23, v23  }
0x1f7: {  	v25 =	vmax.f32 v19, v17;
	v23 =	vmul.f32 v27, v27;
	v27 =	vmax.f32 v31, v20  }
0x1f8: {  	v20 =	vadd.f32 v26, v28;
	v24 =	vmul.f32 v30, v30;
	v26 =	vmin.f32 v29, v27  }
0x1f9: {  	v3 =	vadd.f32 v23, v21;
	v4 =	vmin.f32 v26, v25;
	v5 =	vmax.f32 v13, v8  }
0x1fa: {  	v10 =	vmin.f32 v10, v11;
	v6 =	vmax.f32 v12, v6;
	v43 =	vmin.f32 v19, v17  }
0x1fb: {  	v9 =	vmul.f32 v9, v9;
	v12 =	vmax.f32 v10, v6;
	v6 =	vmin.f32 v10, v6  }
0x1fc: {  	v46 =	vadd.f32 v15, v18;
	v42 =	vadd.f32 v24, v22;
	v10 =	vmin.f32 v6, v5  }
0x1fd: {  	v3 =	vadd.f32 v14, v3;
	v44 =	vmin.f32 v43, v12;
	v5 =	vmax.f32 v6, v5  }
0x1fe: {  	v9 =	vadd.f32 v9, v20;
	v50 =	vmax.f32 v43, v12;
	v8 =	vadd.f32 v16, v42  }
0x1ff: {  	v4 =	vmin.f32 v4, v50;
	v52 =	vmin.f32 v44, v5;
	v5 =	vmax.f32 v44, v5  }
0x200: {  	v4 =	vmin.f32 v4, v5;
	v45 =	vmax.f32 v7, v8;
	v47 =	vmin.f32 v7, v8  }
0x201: {  	v6 =	vmin.f32 v10, v45;
	v49 =	vmax.f32 v47, v3;
	v3 =	vmin.f32 v47, v3  }
0x202: {  	v48 =	vmax.f32 v10, v45;
	v51 =	vmin.f32 v3, v9;
	v53 =	vmax.f32 v6, v49  }
0x203: {  	v54 =	vmin.f32 v52, v48;
	v55 =	vmax.f32 v52, v48;
	v57 =	vmin.f32 v6, v49  }
0x204: {  	s19 =	sadd.s32 $0x1, s19;
	v3 =	vmax.f32 v3, v9;
	v56 =	vmax.f32 v54, v53;
	v4 =	vmin.f32 v4, v55  }
0x205: {  	p0 =	sne.s32 s19, $0x30;
	v58 =	vmax.f32 v51, v46;
	v59 =	vmin.f32 v57, v3;
	v60 =	vmin.f32 v54, v53  }
.Ltmp14:
0x206: {  	v3 =	vmax.f32 v57, v3;
	v4 =	vmin.f32 v4, v56;
	v61 =	vmin.f32 v59, v58;
	(pc) =	sbr.rel @p0 .LBB2_28-.Ltmp14, $4  }
0x207: {  	v62 =	vmin.f32 v60, v3;
	v6 =	vmax.f32 v59, v58;
	v3 =	vmax.f32 v60, v3  }
0x208: {  	v3 =	vmin.f32 v4, v3;
	v63 =	vmax.f32 v62, v6;
	v6 =	vmin.f32 v62, v6;
	[tilespmem:s20+$0x6000] =	vst v61  }
0x209: {  	v3 =	vmin.f32 v3, v63;
	[tilespmem:s20+$0x7800] =	vst v6  }
0x20a: {  	[tilespmem:s20+$0x9000] =	vst v3  }
0x20b: {  	s20 =	simm.s32 $0x50  }
0x20c: {  	v1 =	vld [tilespmem:s20+$0x3000]  }
0x20d: {  	v2 =	vld [tilespmem:s20+$0x0]  }
0x20e: {  	v0 =	vimm.f32 $0.0e+00;
	s19 =	simm.s32 $0x340;
	v5 =	vimm.f32 $0.0e+00;
	v3 =	vimm.f32 $0.0e+00;
	v4 =	vld [tilespmem:s20+$0x1800]  }
.LBB2_32:
0x20f: {  	p0 =	sne.s32 s19, $0x5F40  }
.Ltmp15:
0x210: {  	_ = 	snop;
	(pc) =	sbr.rel @p0 .LBB2_32-.Ltmp15, $4  }
0x211: {  	s20 =	sshra.s32 s19, $0x2  }
0x212: {  	v0 =	vadd.f32 v1, v0;
	v1 =	vld [tilespmem:s20+$0x3000]  }
0x213: {  	v5 =	vadd.f32 v2, v5;
	v2 =	vld [tilespmem:s20+$0x0]  }
0x214: {  	s19 =	sadd.s32 $0x200, s19;
	v3 =	vadd.f32 v4, v3;
	v4 =	vld [tilespmem:s20+$0x1800]  }
0x215: {  	_ =	sdelay $0x2  }
0x216: {  	v2 =	vadd.f32 v2, v5  }
0x217: {  	v63 =	vadd.f32 v1, v0;
	v1 =	vadd.f32 v4, v3  }
0x218: {  	v0 =	vmul.f32 $2.083333400e-02, v2  }
0x219: {  	s19 =	simm.s32 $0x0;
	v2 =	vmul.f32 $2.083333400e-02, v63;
	v1 =	vmul.f32 $2.083333400e-02, v1  }
.LBB2_34:
0x21a: {  	s20 =	sshll.u32 s19, $0x7  }
0x21b: {  	v3 =	vld [tilespmem:s20+$0x50]  }
0x21c: {  	v4 =	vld [tilespmem:s20+$0x1850];
	_ =	sdelay $0x1  }
0x21d: {  	v5 =	vld [tilespmem:s20+$0x3050];
	_ =	sdelay $0x2  }
0x21e: {  	v6 =	vsub.f32 v3, v0;
	v7 =	vsub.f32 v4, v1;
	_ =	sdelay $0x1  }
0x21f: {  	v8 =	vsub.f32 v5, v2;
	v6 =	vmul.f32 v6, v6;
	v7 =	vmul.f32 v7, v7;
	_ =	sdelay $0x1  }
0x220: {  	v6 =	vadd.f32 v7, v6;
	v7 =	vmul.f32 v8, v8;
	_ =	sdelay $0x1  }
0x221: {  	v6 =	vadd.f32 v7, v6;
	_ =	sdelay $0x1  }
0x222: {  	s21 =	simm.s32 $0x0;
	[tilespmem:s20+$0x4850] =	vst v6  }
0x223: {  	v6 =	vld [tilespmem:s21+$0x31D0]  }
0x224: {  	v7 =	vld [tilespmem:s21+$0x1D0]  }
0x225: {  	v8 =	vld [tilespmem:s21+$0x30D0]  }
0x226: {  	v9 =	vld [tilespmem:s21+$0x3050]  }
0x227: {  	v10 =	vld [tilespmem:s21+$0xD0]  }
0x228: {  	v11 =	vld [tilespmem:s21+$0x150]  }
0x229: {  	v12 =	vld [tilespmem:s21+$0x1950]  }
0x22a: {  	v13 =	vld [tilespmem:s21+$0x50]  }
0x22b: {  	v14 =	vld [tilespmem:s21+$0x1850]  }
0x22c: {  	v15 =	vld [tilespmem:s21+$0x18D0]  }
0x22d: {  	v16 =	vld [tilespmem:s21+$0x19D0]  }
0x22e: {  	s31 =	simm.s32 $0x200;
	v17 =	vld [tilespmem:s21+$0x3150]  }
0x22f: {  	v18 =	vld [tilespmem:s31+$0x31D0];
	v6 =	vsub.f32 v5, v6  }
0x230: {  	v20 =	vld [tilespmem:s31+$0x19D0];
	v7 =	vsub.f32 v3, v7;
	v8 =	vsub.f32 v5, v8  }
0x231: {  	v22 =	vld [tilespmem:s31+$0x150];
	v9 =	vsub.f32 v5, v9;
	v10 =	vsub.f32 v3, v10  }
0x232: {  	v23 =	vld [tilespmem:s31+$0x1950];
	v11 =	vsub.f32 v3, v11;
	v13 =	vsub.f32 v3, v13  }
0x233: {  	v25 =	vld [tilespmem:s31+$0x18D0];
	v14 =	vsub.f32 v4, v14;
	v12 =	vsub.f32 v4, v12  }
0x234: {  	v28 =	vld [tilespmem:s31+$0x1850];
	v15 =	vsub.f32 v4, v15;
	v16 =	vsub.f32 v4, v16  }
0x235: {  	v26 =	vimm.f32 $+Inf;
	v17 =	vsub.f32 v5, v17;
	v18 =	vsub.f32 v5, v18  }
0x236: {  	v20 =	vsub.f32 v4, v20;
	v22 =	vsub.f32 v3, v22;
	v7 =	vmul.f32 v7, v7  }
0x237: {  	v23 =	vsub.f32 v4, v23;
	v10 =	vmul.f32 v10, v10;
	v11 =	vmul.f32 v11, v11  }
0x238: {  	v25 =	vsub.f32 v4, v25;
	v13 =	vmul.f32 v13, v13;
	v14 =	vmul.f32 v14, v14  }
0x239: {  	v28 =	vsub.f32 v4, v28;
	v12 =	vmul.f32 v12, v12;
	v15 =	vmul.f32 v15, v15  }
0x23a: {  	v19 =	vld [tilespmem:s31+$0x1D0];
	v8 =	vmul.f32 v8, v8;
	v16 =	vmul.f32 v16, v16;
	v13 =	vadd.f32 v14, v13  }
0x23b: {  	v9 =	vmul.f32 v9, v9;
	v14 =	vld [tilespmem:s31+$0x3150];
	v11 =	vadd.f32 v12, v11;
	v10 =	vadd.f32 v15, v10  }
0x23c: {  	v12 =	vmul.f32 v17, v17;
	v15 =	vld [tilespmem:s31+$0x30D0];
	v17 =	vmul.f32 v6, v6;
	v7 =	vadd.f32 v16, v7  }
0x23d: {  	v20 =	vmul.f32 v20, v20;
	v30 =	vmul.f32 v22, v22;
	v16 =	vld [tilespmem:s31+$0x3050];
	v9 =	vadd.f32 v9, v13  }
0x23e: {  	v31 =	vmul.f32 v23, v23;
	v13 =	vadd.f32 v8, v10;
	v8 =	vadd.f32 v17, v7;
	v17 =	vld [tilespmem:s31+$0xD0]  }
0x23f: {  	v23 =	vmul.f32 v25, v25;
	v6 =	vadd.f32 v12, v11;
	v10 =	vmax.f32 v26, v9  }
0x240: {  	v7 =	vmin.f32 v26, v9;
	v24 =	vmax.f32 v26, v10;
	v10 =	vmin.f32 v26, v10  }
0x241: {  	v11 =	vmax.f32 v7, v13;
	v9 =	vsub.f32 v5, v14;
	v14 =	vsub.f32 v3, v19;
	v19 =	vld [tilespmem:s31+$0x50]  }
0x242: {  	v12 =	vmin.f32 v7, v13;
	v15 =	vsub.f32 v5, v15;
	v16 =	vsub.f32 v5, v16  }
0x243: {  	v13 =	vmin.f32 v12, v6;
	v27 =	vmul.f32 v14, v14;
	v21 =	vsub.f32 v3, v17  }
0x244: {  	v7 =	vmin.f32 v13, v8;
	v14 =	vmul.f32 v15, v15;
	v16 =	vmul.f32 v16, v16  }
0x245: {  	v17 =	vmax.f32 v10, v11;
	v15 =	vmul.f32 v18, v18;
	v21 =	vmul.f32 v21, v21  }
0x246: {  	v18 =	vadd.f32 v20, v27;
	v27 =	vmax.f32 v26, v24;
	v29 =	vsub.f32 v3, v19  }
0x247: {  	v20 =	vadd.f32 v31, v30;
	v19 =	vmin.f32 v26, v24;
	v24 =	vmul.f32 v28, v28  }
0x248: {  	s20 =	sor.u32 $0x50, s20;
	s21 =	simm.s32 $0x1000;
	v26 =	vmin.f32 v26, v27;
	v25 =	vmax.f32 v19, v17;
	v22 =	vmul.f32 v29, v29  }
.LBB2_35:
0x249: {  	s22 =	sshra.s32 s21, $0x2;
	p0 =	sne.s32 s21, $0x5800;
	s21 =	sadd.s32 $0x800, s21;
	v21 =	vadd.f32 v23, v21;
	v23 =	vmin.f32 v26, v25;
	v8 =	vmax.f32 v13, v8  }
0x24a: {  	v10 =	vmin.f32 v10, v11;
	v6 =	vmax.f32 v12, v6;
	v13 =	vld [tilespmem:s22+$0x31D0];
	v22 =	vadd.f32 v24, v22  }
0x24b: {  	v17 =	vmin.f32 v19, v17;
	v19 =	vmax.f32 v10, v6;
	v6 =	vmin.f32 v10, v6;
	v24 =	vld [tilespmem:s22+$0x1D0]  }
0x24c: {  	v9 =	vmul.f32 v9, v9;
	v11 =	vmin.f32 v6, v8;
	v25 =	vld [tilespmem:s22+$0x3150];
	v10 =	vadd.f32 v16, v22  }
0x24d: {  	v12 =	vadd.f32 v14, v21;
	v21 =	vmin.f32 v17, v19;
	v22 =	vmax.f32 v6, v8;
	v16 =	vld [tilespmem:s22+$0x30D0]  }
0x24e: {  	v6 =	vadd.f32 v9, v20;
	v8 =	vadd.f32 v15, v18;
	v14 =	vld [tilespmem:s22+$0x3050];
	v26 =	vmax.f32 v7, v10  }
0x24f: {  	v7 =	vmin.f32 v7, v10;
	v15 =	vld [tilespmem:s22+$0x19D0];
	v18 =	vsub.f32 v5, v13;
	v20 =	vmax.f32 v11, v26  }
0x250: {  	v10 =	vmin.f32 v11, v26;
	v11 =	vmax.f32 v7, v12;
	v12 =	vmin.f32 v7, v12;
	v27 =	vld [tilespmem:s22+$0xD0]  }
0x251: {  	v17 =	vmax.f32 v17, v19;
	v13 =	vmin.f32 v12, v6;
	v26 =	vld [tilespmem:s22+$0x150];
	v9 =	vsub.f32 v5, v25  }
0x252: {  	v17 =	vmin.f32 v23, v17;
	v24 =	vsub.f32 v3, v24;
	v7 =	vmin.f32 v13, v8;
	v19 =	vld [tilespmem:s22+$0x1950]  }
0x253: {  	v23 =	vld [tilespmem:s22+$0x50];
	v25 =	vsub.f32 v5, v14;
	v14 =	vsub.f32 v5, v16;
	v16 =	vmax.f32 v21, v22  }
0x254: {  	v24 =	vmul.f32 v24, v24;
	v28 =	vld [tilespmem:s22+$0x18D0];
	v15 =	vsub.f32 v4, v15;
	v29 =	vmin.f32 v17, v16  }
0x255: {  	v17 =	vmax.f32 v10, v11;
	v30 =	vld [tilespmem:s22+$0x1850];
	v27 =	vsub.f32 v3, v27;
	v14 =	vmul.f32 v14, v14  }
0x256: {  	v31 =	vmin.f32 v21, v22;
	v16 =	vmul.f32 v25, v25;
	v25 =	vmul.f32 v15, v15  }
0x257: {  	v22 =	vsub.f32 v3, v26;
	v21 =	vmul.f32 v27, v27;
	v26 =	vsub.f32 v4, v19  }
.Ltmp16:
0x258: {  	v15 =	vmul.f32 v18, v18;
	v19 =	vmin.f32 v31, v20;
	v23 =	vsub.f32 v3, v23;
	(pc) =	sbr.rel @p0 .LBB2_35-.Ltmp16, $4  }
0x259: {  	v27 =	vsub.f32 v4, v28;
	v28 =	vmul.f32 v22, v22;
	v26 =	vmul.f32 v26, v26  }
0x25a: {  	v18 =	vadd.f32 v25, v24;
	v30 =	vsub.f32 v4, v30;
	v22 =	vmul.f32 v23, v23  }
0x25b: {  	v25 =	vmax.f32 v19, v17;
	v23 =	vmul.f32 v27, v27;
	v27 =	vmax.f32 v31, v20  }
0x25c: {  	v20 =	vadd.f32 v26, v28;
	v24 =	vmul.f32 v30, v30;
	v26 =	vmin.f32 v29, v27  }
0x25d: {  	v3 =	vadd.f32 v23, v21;
	v4 =	vmin.f32 v26, v25;
	v5 =	vmax.f32 v13, v8  }
0x25e: {  	v10 =	vmin.f32 v10, v11;
	v6 =	vmax.f32 v12, v6;
	v43 =	vmin.f32 v19, v17  }
0x25f: {  	v9 =	vmul.f32 v9, v9;
	v12 =	vmax.f32 v10, v6;
	v6 =	vmin.f32 v10, v6  }
0x260: {  	v46 =	vadd.f32 v15, v18;
	v42 =	vadd.f32 v24, v22;
	v10 =	vmin.f32 v6, v5  }
0x261: {  	v3 =	vadd.f32 v14, v3;
	v44 =	vmin.f32 v43, v12;
	v5 =	vmax.f32 v6, v5  }
0x262: {  	v9 =	vadd.f32 v9, v20;
	v50 =	vmax.f32 v43, v12;
	v8 =	vadd.f32 v16, v42  }
0x263: {  	v4 =	vmin.f32 v4, v50;
	v52 =	vmin.f32 v44, v5;
	v5 =	vmax.f32 v44, v5  }
0x264: {  	v4 =	vmin.f32 v4, v5;
	v45 =	vmax.f32 v7, v8;
	v47 =	vmin.f32 v7, v8  }
0x265: {  	v6 =	vmin.f32 v10, v45;
	v49 =	vmax.f32 v47, v3;
	v3 =	vmin.f32 v47, v3  }
0x266: {  	v48 =	vmax.f32 v10, v45;
	v51 =	vmin.f32 v3, v9;
	v53 =	vmax.f32 v6, v49  }
0x267: {  	v54 =	vmin.f32 v52, v48;
	v55 =	vmax.f32 v52, v48;
	v57 =	vmin.f32 v6, v49  }
0x268: {  	s19 =	sadd.s32 $0x1, s19;
	v3 =	vmax.f32 v3, v9;
	v56 =	vmax.f32 v54, v53;
	v4 =	vmin.f32 v4, v55  }
0x269: {  	p0 =	sne.s32 s19, $0x30;
	v58 =	vmax.f32 v51, v46;
	v59 =	vmin.f32 v57, v3;
	v60 =	vmin.f32 v54, v53  }
.Ltmp17:
0x26a: {  	v3 =	vmax.f32 v57, v3;
	v4 =	vmin.f32 v4, v56;
	v61 =	vmin.f32 v59, v58;
	(pc) =	sbr.rel @p0 .LBB2_34-.Ltmp17, $4  }
0x26b: {  	v62 =	vmin.f32 v60, v3;
	v6 =	vmax.f32 v59, v58;
	v3 =	vmax.f32 v60, v3  }
0x26c: {  	v3 =	vmin.f32 v4, v3;
	v63 =	vmax.f32 v62, v6;
	v6 =	vmin.f32 v62, v6;
	[tilespmem:s20+$0x6000] =	vst v61  }
0x26d: {  	v3 =	vmin.f32 v3, v63;
	[tilespmem:s20+$0x7800] =	vst v6  }
0x26e: {  	[tilespmem:s20+$0x9000] =	vst v3  }
0x26f: {  	s20 =	simm.s32 $0x60  }
0x270: {  	v1 =	vld [tilespmem:s20+$0x3000]  }
0x271: {  	v2 =	vld [tilespmem:s20+$0x0]  }
0x272: {  	v0 =	vimm.f32 $0.0e+00;
	s19 =	simm.s32 $0x380;
	v5 =	vimm.f32 $0.0e+00;
	v3 =	vimm.f32 $0.0e+00;
	v4 =	vld [tilespmem:s20+$0x1800]  }
.LBB2_38:
0x273: {  	p0 =	sne.s32 s19, $0x5F80  }
.Ltmp18:
0x274: {  	_ = 	snop;
	(pc) =	sbr.rel @p0 .LBB2_38-.Ltmp18, $4  }
0x275: {  	s20 =	sshra.s32 s19, $0x2  }
0x276: {  	v0 =	vadd.f32 v1, v0;
	v1 =	vld [tilespmem:s20+$0x3000]  }
0x277: {  	v5 =	vadd.f32 v2, v5;
	v2 =	vld [tilespmem:s20+$0x0]  }
0x278: {  	s19 =	sadd.s32 $0x200, s19;
	v3 =	vadd.f32 v4, v3;
	v4 =	vld [tilespmem:s20+$0x1800]  }
0x279: {  	_ =	sdelay $0x2  }
0x27a: {  	v2 =	vadd.f32 v2, v5  }
0x27b: {  	v63 =	vadd.f32 v1, v0;
	v1 =	vadd.f32 v4, v3  }
0x27c: {  	v0 =	vmul.f32 $2.083333400e-02, v2  }
0x27d: {  	s19 =	simm.s32 $0x0;
	v2 =	vmul.f32 $2.083333400e-02, v63;
	v1 =	vmul.f32 $2.083333400e-02, v1  }
.LBB2_40:
0x27e: {  	s20 =	sshll.u32 s19, $0x7  }
0x27f: {  	v3 =	vld [tilespmem:s20+$0x60]  }
0x280: {  	v4 =	vld [tilespmem:s20+$0x1860];
	_ =	sdelay $0x1  }
0x281: {  	v5 =	vld [tilespmem:s20+$0x3060];
	_ =	sdelay $0x2  }
0x282: {  	v6 =	vsub.f32 v3, v0;
	v7 =	vsub.f32 v4, v1;
	_ =	sdelay $0x1  }
0x283: {  	v8 =	vsub.f32 v5, v2;
	v6 =	vmul.f32 v6, v6;
	v7 =	vmul.f32 v7, v7;
	_ =	sdelay $0x1  }
0x284: {  	v6 =	vadd.f32 v7, v6;
	v7 =	vmul.f32 v8, v8;
	_ =	sdelay $0x1  }
0x285: {  	v6 =	vadd.f32 v7, v6;
	_ =	sdelay $0x1  }
0x286: {  	s21 =	simm.s32 $0x0;
	[tilespmem:s20+$0x4860] =	vst v6  }
0x287: {  	v6 =	vld [tilespmem:s21+$0x31E0]  }
0x288: {  	v7 =	vld [tilespmem:s21+$0x1E0]  }
0x289: {  	v8 =	vld [tilespmem:s21+$0x30E0]  }
0x28a: {  	v9 =	vld [tilespmem:s21+$0x3060]  }
0x28b: {  	v10 =	vld [tilespmem:s21+$0xE0]  }
0x28c: {  	v11 =	vld [tilespmem:s21+$0x160]  }
0x28d: {  	v12 =	vld [tilespmem:s21+$0x1960]  }
0x28e: {  	v13 =	vld [tilespmem:s21+$0x60]  }
0x28f: {  	v14 =	vld [tilespmem:s21+$0x1860]  }
0x290: {  	v15 =	vld [tilespmem:s21+$0x18E0]  }
0x291: {  	v16 =	vld [tilespmem:s21+$0x19E0]  }
0x292: {  	s31 =	simm.s32 $0x200;
	v17 =	vld [tilespmem:s21+$0x3160]  }
0x293: {  	v18 =	vld [tilespmem:s31+$0x31E0];
	v6 =	vsub.f32 v5, v6  }
0x294: {  	v20 =	vld [tilespmem:s31+$0x19E0];
	v7 =	vsub.f32 v3, v7;
	v8 =	vsub.f32 v5, v8  }
0x295: {  	v22 =	vld [tilespmem:s31+$0x160];
	v9 =	vsub.f32 v5, v9;
	v10 =	vsub.f32 v3, v10  }
0x296: {  	v23 =	vld [tilespmem:s31+$0x1960];
	v11 =	vsub.f32 v3, v11;
	v13 =	vsub.f32 v3, v13  }
0x297: {  	v25 =	vld [tilespmem:s31+$0x18E0];
	v14 =	vsub.f32 v4, v14;
	v12 =	vsub.f32 v4, v12  }
0x298: {  	v28 =	vld [tilespmem:s31+$0x1860];
	v15 =	vsub.f32 v4, v15;
	v16 =	vsub.f32 v4, v16  }
0x299: {  	v26 =	vimm.f32 $+Inf;
	v17 =	vsub.f32 v5, v17;
	v18 =	vsub.f32 v5, v18  }
0x29a: {  	v20 =	vsub.f32 v4, v20;
	v22 =	vsub.f32 v3, v22;
	v7 =	vmul.f32 v7, v7  }
0x29b: {  	v23 =	vsub.f32 v4, v23;
	v10 =	vmul.f32 v10, v10;
	v11 =	vmul.f32 v11, v11  }
0x29c: {  	v25 =	vsub.f32 v4, v25;
	v13 =	vmul.f32 v13, v13;
	v14 =	vmul.f32 v14, v14  }
0x29d: {  	v28 =	vsub.f32 v4, v28;
	v12 =	vmul.f32 v12, v12;
	v15 =	vmul.f32 v15, v15  }
0x29e: {  	v19 =	vld [tilespmem:s31+$0x1E0];
	v8 =	vmul.f32 v8, v8;
	v16 =	vmul.f32 v16, v16;
	v13 =	vadd.f32 v14, v13  }
0x29f: {  	v9 =	vmul.f32 v9, v9;
	v14 =	vld [tilespmem:s31+$0x3160];
	v11 =	vadd.f32 v12, v11;
	v10 =	vadd.f32 v15, v10  }
0x2a0: {  	v12 =	vmul.f32 v17, v17;
	v15 =	vld [tilespmem:s31+$0x30E0];
	v17 =	vmul.f32 v6, v6;
	v7 =	vadd.f32 v16, v7  }
0x2a1: {  	v20 =	vmul.f32 v20, v20;
	v30 =	vmul.f32 v22, v22;
	v16 =	vld [tilespmem:s31+$0x3060];
	v9 =	vadd.f32 v9, v13  }
0x2a2: {  	v31 =	vmul.f32 v23, v23;
	v13 =	vadd.f32 v8, v10;
	v8 =	vadd.f32 v17, v7;
	v17 =	vld [tilespmem:s31+$0xE0]  }
0x2a3: {  	v23 =	vmul.f32 v25, v25;
	v6 =	vadd.f32 v12, v11;
	v10 =	vmax.f32 v26, v9  }
0x2a4: {  	v7 =	vmin.f32 v26, v9;
	v24 =	vmax.f32 v26, v10;
	v10 =	vmin.f32 v26, v10  }
0x2a5: {  	v11 =	vmax.f32 v7, v13;
	v9 =	vsub.f32 v5, v14;
	v14 =	vsub.f32 v3, v19;
	v19 =	vld [tilespmem:s31+$0x60]  }
0x2a6: {  	v12 =	vmin.f32 v7, v13;
	v15 =	vsub.f32 v5, v15;
	v16 =	vsub.f32 v5, v16  }
0x2a7: {  	v13 =	vmin.f32 v12, v6;
	v27 =	vmul.f32 v14, v14;
	v21 =	vsub.f32 v3, v17  }
0x2a8: {  	v7 =	vmin.f32 v13, v8;
	v14 =	vmul.f32 v15, v15;
	v16 =	vmul.f32 v16, v16  }
0x2a9: {  	v17 =	vmax.f32 v10, v11;
	v15 =	vmul.f32 v18, v18;
	v21 =	vmul.f32 v21, v21  }
0x2aa: {  	v18 =	vadd.f32 v20, v27;
	v27 =	vmax.f32 v26, v24;
	v29 =	vsub.f32 v3, v19  }
0x2ab: {  	v20 =	vadd.f32 v31, v30;
	v19 =	vmin.f32 v26, v24;
	v24 =	vmul.f32 v28, v28  }
0x2ac: {  	s20 =	sor.u32 $0x60, s20;
	s21 =	simm.s32 $0x1000;
	v26 =	vmin.f32 v26, v27;
	v25 =	vmax.f32 v19, v17;
	v22 =	vmul.f32 v29, v29  }
.LBB2_41:
0x2ad: {  	s22 =	sshra.s32 s21, $0x2;
	p0 =	sne.s32 s21, $0x5800;
	s21 =	sadd.s32 $0x800, s21;
	v21 =	vadd.f32 v23, v21;
	v23 =	vmin.f32 v26, v25;
	v8 =	vmax.f32 v13, v8  }
0x2ae: {  	v10 =	vmin.f32 v10, v11;
	v6 =	vmax.f32 v12, v6;
	v13 =	vld [tilespmem:s22+$0x31E0];
	v22 =	vadd.f32 v24, v22  }
0x2af: {  	v17 =	vmin.f32 v19, v17;
	v19 =	vmax.f32 v10, v6;
	v6 =	vmin.f32 v10, v6;
	v24 =	vld [tilespmem:s22+$0x1E0]  }
0x2b0: {  	v9 =	vmul.f32 v9, v9;
	v11 =	vmin.f32 v6, v8;
	v25 =	vld [tilespmem:s22+$0x3160];
	v10 =	vadd.f32 v16, v22  }
0x2b1: {  	v12 =	vadd.f32 v14, v21;
	v21 =	vmin.f32 v17, v19;
	v22 =	vmax.f32 v6, v8;
	v16 =	vld [tilespmem:s22+$0x30E0]  }
0x2b2: {  	v6 =	vadd.f32 v9, v20;
	v8 =	vadd.f32 v15, v18;
	v14 =	vld [tilespmem:s22+$0x3060];
	v26 =	vmax.f32 v7, v10  }
0x2b3: {  	v7 =	vmin.f32 v7, v10;
	v15 =	vld [tilespmem:s22+$0x19E0];
	v18 =	vsub.f32 v5, v13;
	v20 =	vmax.f32 v11, v26  }
0x2b4: {  	v10 =	vmin.f32 v11, v26;
	v11 =	vmax.f32 v7, v12;
	v12 =	vmin.f32 v7, v12;
	v27 =	vld [tilespmem:s22+$0xE0]  }
0x2b5: {  	v17 =	vmax.f32 v17, v19;
	v13 =	vmin.f32 v12, v6;
	v26 =	vld [tilespmem:s22+$0x160];
	v9 =	vsub.f32 v5, v25  }
0x2b6: {  	v17 =	vmin.f32 v23, v17;
	v24 =	vsub.f32 v3, v24;
	v7 =	vmin.f32 v13, v8;
	v19 =	vld [tilespmem:s22+$0x1960]  }
0x2b7: {  	v23 =	vld [tilespmem:s22+$0x60];
	v25 =	vsub.f32 v5, v14;
	v14 =	vsub.f32 v5, v16;
	v16 =	vmax.f32 v21, v22  }
0x2b8: {  	v24 =	vmul.f32 v24, v24;
	v28 =	vld [tilespmem:s22+$0x18E0];
	v15 =	vsub.f32 v4, v15;
	v29 =	vmin.f32 v17, v16  }
0x2b9: {  	v17 =	vmax.f32 v10, v11;
	v30 =	vld [tilespmem:s22+$0x1860];
	v27 =	vsub.f32 v3, v27;
	v14 =	vmul.f32 v14, v14  }
0x2ba: {  	v31 =	vmin.f32 v21, v22;
	v16 =	vmul.f32 v25, v25;
	v25 =	vmul.f32 v15, v15  }
0x2bb: {  	v22 =	vsub.f32 v3, v26;
	v21 =	vmul.f32 v27, v27;
	v26 =	vsub.f32 v4, v19  }
.Ltmp19:
0x2bc: {  	v15 =	vmul.f32 v18, v18;
	v19 =	vmin.f32 v31, v20;
	v23 =	vsub.f32 v3, v23;
	(pc) =	sbr.rel @p0 .LBB2_41-.Ltmp19, $4  }
0x2bd: {  	v27 =	vsub.f32 v4, v28;
	v28 =	vmul.f32 v22, v22;
	v26 =	vmul.f32 v26, v26  }
0x2be: {  	v18 =	vadd.f32 v25, v24;
	v30 =	vsub.f32 v4, v30;
	v22 =	vmul.f32 v23, v23  }
0x2bf: {  	v25 =	vmax.f32 v19, v17;
	v23 =	vmul.f32 v27, v27;
	v27 =	vmax.f32 v31, v20  }
0x2c0: {  	v20 =	vadd.f32 v26, v28;
	v24 =	vmul.f32 v30, v30;
	v26 =	vmin.f32 v29, v27  }
0x2c1: {  	v3 =	vadd.f32 v23, v21;
	v4 =	vmin.f32 v26, v25;
	v5 =	vmax.f32 v13, v8  }
0x2c2: {  	v10 =	vmin.f32 v10, v11;
	v6 =	vmax.f32 v12, v6;
	v43 =	vmin.f32 v19, v17  }
0x2c3: {  	v9 =	vmul.f32 v9, v9;
	v12 =	vmax.f32 v10, v6;
	v6 =	vmin.f32 v10, v6  }
0x2c4: {  	v46 =	vadd.f32 v15, v18;
	v42 =	vadd.f32 v24, v22;
	v10 =	vmin.f32 v6, v5  }
0x2c5: {  	v3 =	vadd.f32 v14, v3;
	v44 =	vmin.f32 v43, v12;
	v5 =	vmax.f32 v6, v5  }
0x2c6: {  	v9 =	vadd.f32 v9, v20;
	v50 =	vmax.f32 v43, v12;
	v8 =	vadd.f32 v16, v42  }
0x2c7: {  	v4 =	vmin.f32 v4, v50;
	v52 =	vmin.f32 v44, v5;
	v5 =	vmax.f32 v44, v5  }
0x2c8: {  	v4 =	vmin.f32 v4, v5;
	v45 =	vmax.f32 v7, v8;
	v47 =	vmin.f32 v7, v8  }
0x2c9: {  	v6 =	vmin.f32 v10, v45;
	v49 =	vmax.f32 v47, v3;
	v3 =	vmin.f32 v47, v3  }
0x2ca: {  	v48 =	vmax.f32 v10, v45;
	v51 =	vmin.f32 v3, v9;
	v53 =	vmax.f32 v6, v49  }
0x2cb: {  	v54 =	vmin.f32 v52, v48;
	v55 =	vmax.f32 v52, v48;
	v57 =	vmin.f32 v6, v49  }
0x2cc: {  	s19 =	sadd.s32 $0x1, s19;
	v3 =	vmax.f32 v3, v9;
	v56 =	vmax.f32 v54, v53;
	v4 =	vmin.f32 v4, v55  }
0x2cd: {  	p0 =	sne.s32 s19, $0x30;
	v58 =	vmax.f32 v51, v46;
	v59 =	vmin.f32 v57, v3;
	v60 =	vmin.f32 v54, v53  }
.Ltmp20:
0x2ce: {  	v3 =	vmax.f32 v57, v3;
	v4 =	vmin.f32 v4, v56;
	v61 =	vmin.f32 v59, v58;
	(pc) =	sbr.rel @p0 .LBB2_40-.Ltmp20, $4  }
0x2cf: {  	v62 =	vmin.f32 v60, v3;
	v6 =	vmax.f32 v59, v58;
	v3 =	vmax.f32 v60, v3  }
0x2d0: {  	v3 =	vmin.f32 v4, v3;
	v63 =	vmax.f32 v62, v6;
	v6 =	vmin.f32 v62, v6;
	[tilespmem:s20+$0x6000] =	vst v61  }
0x2d1: {  	v3 =	vmin.f32 v3, v63;
	[tilespmem:s20+$0x7800] =	vst v6  }
0x2d2: {  	[tilespmem:s20+$0x9000] =	vst v3  }
0x2d3: {  	s20 =	simm.s32 $0x70  }
0x2d4: {  	v1 =	vld [tilespmem:s20+$0x3000]  }
0x2d5: {  	v2 =	vld [tilespmem:s20+$0x0]  }
0x2d6: {  	v0 =	vimm.f32 $0.0e+00;
	s19 =	simm.s32 $0x3C0;
	v5 =	vimm.f32 $0.0e+00;
	v3 =	vimm.f32 $0.0e+00;
	v4 =	vld [tilespmem:s20+$0x1800]  }
.LBB2_44:
0x2d7: {  	p0 =	sne.s32 s19, $0x5FC0  }
.Ltmp21:
0x2d8: {  	_ = 	snop;
	(pc) =	sbr.rel @p0 .LBB2_44-.Ltmp21, $4  }
0x2d9: {  	s20 =	sshra.s32 s19, $0x2  }
0x2da: {  	v0 =	vadd.f32 v1, v0;
	v1 =	vld [tilespmem:s20+$0x3000]  }
0x2db: {  	v5 =	vadd.f32 v2, v5;
	v2 =	vld [tilespmem:s20+$0x0]  }
0x2dc: {  	s19 =	sadd.s32 $0x200, s19;
	v3 =	vadd.f32 v4, v3;
	v4 =	vld [tilespmem:s20+$0x1800]  }
0x2dd: {  	_ =	sdelay $0x2  }
0x2de: {  	v2 =	vadd.f32 v2, v5  }
0x2df: {  	v63 =	vadd.f32 v1, v0;
	v1 =	vadd.f32 v4, v3  }
0x2e0: {  	v0 =	vmul.f32 $2.083333400e-02, v2  }
0x2e1: {  	s19 =	simm.s32 $0x0;
	v2 =	vmul.f32 $2.083333400e-02, v63;
	v1 =	vmul.f32 $2.083333400e-02, v1  }
.LBB2_46:
0x2e2: {  	s20 =	sshll.u32 s19, $0x7  }
0x2e3: {  	v3 =	vld [tilespmem:s20+$0x70]  }
0x2e4: {  	v4 =	vld [tilespmem:s20+$0x1870];
	_ =	sdelay $0x1  }
0x2e5: {  	v5 =	vld [tilespmem:s20+$0x3070];
	_ =	sdelay $0x2  }
0x2e6: {  	v6 =	vsub.f32 v3, v0;
	v7 =	vsub.f32 v4, v1;
	_ =	sdelay $0x1  }
0x2e7: {  	v8 =	vsub.f32 v5, v2;
	v6 =	vmul.f32 v6, v6;
	v7 =	vmul.f32 v7, v7;
	_ =	sdelay $0x1  }
0x2e8: {  	v6 =	vadd.f32 v7, v6;
	v7 =	vmul.f32 v8, v8;
	_ =	sdelay $0x1  }
0x2e9: {  	v6 =	vadd.f32 v7, v6;
	_ =	sdelay $0x1  }
0x2ea: {  	s21 =	simm.s32 $0x0;
	[tilespmem:s20+$0x4870] =	vst v6  }
0x2eb: {  	v6 =	vld [tilespmem:s21+$0x31F0]  }
0x2ec: {  	v7 =	vld [tilespmem:s21+$0x1F0]  }
0x2ed: {  	v8 =	vld [tilespmem:s21+$0x30F0]  }
0x2ee: {  	v9 =	vld [tilespmem:s21+$0x3070]  }
0x2ef: {  	v10 =	vld [tilespmem:s21+$0xF0]  }
0x2f0: {  	v11 =	vld [tilespmem:s21+$0x170]  }
0x2f1: {  	v12 =	vld [tilespmem:s21+$0x1970]  }
0x2f2: {  	v13 =	vld [tilespmem:s21+$0x70]  }
0x2f3: {  	v14 =	vld [tilespmem:s21+$0x1870]  }
0x2f4: {  	v15 =	vld [tilespmem:s21+$0x18F0]  }
0x2f5: {  	v16 =	vld [tilespmem:s21+$0x19F0]  }
0x2f6: {  	s31 =	simm.s32 $0x200;
	v17 =	vld [tilespmem:s21+$0x3170]  }
0x2f7: {  	v18 =	vld [tilespmem:s31+$0x31F0];
	v6 =	vsub.f32 v5, v6  }
0x2f8: {  	v20 =	vld [tilespmem:s31+$0x19F0];
	v7 =	vsub.f32 v3, v7;
	v8 =	vsub.f32 v5, v8  }
0x2f9: {  	v22 =	vld [tilespmem:s31+$0x170];
	v9 =	vsub.f32 v5, v9;
	v10 =	vsub.f32 v3, v10  }
0x2fa: {  	v23 =	vld [tilespmem:s31+$0x1970];
	v11 =	vsub.f32 v3, v11;
	v13 =	vsub.f32 v3, v13  }
0x2fb: {  	v25 =	vld [tilespmem:s31+$0x18F0];
	v14 =	vsub.f32 v4, v14;
	v12 =	vsub.f32 v4, v12  }
0x2fc: {  	v28 =	vld [tilespmem:s31+$0x1870];
	v15 =	vsub.f32 v4, v15;
	v16 =	vsub.f32 v4, v16  }
0x2fd: {  	v26 =	vimm.f32 $+Inf;
	v17 =	vsub.f32 v5, v17;
	v18 =	vsub.f32 v5, v18  }
0x2fe: {  	v20 =	vsub.f32 v4, v20;
	v22 =	vsub.f32 v3, v22;
	v7 =	vmul.f32 v7, v7  }
0x2ff: {  	v23 =	vsub.f32 v4, v23;
	v10 =	vmul.f32 v10, v10;
	v11 =	vmul.f32 v11, v11  }
0x300: {  	v25 =	vsub.f32 v4, v25;
	v13 =	vmul.f32 v13, v13;
	v14 =	vmul.f32 v14, v14  }
0x301: {  	v28 =	vsub.f32 v4, v28;
	v12 =	vmul.f32 v12, v12;
	v15 =	vmul.f32 v15, v15  }
0x302: {  	v19 =	vld [tilespmem:s31+$0x1F0];
	v8 =	vmul.f32 v8, v8;
	v16 =	vmul.f32 v16, v16;
	v13 =	vadd.f32 v14, v13  }
0x303: {  	v9 =	vmul.f32 v9, v9;
	v14 =	vld [tilespmem:s31+$0x3170];
	v11 =	vadd.f32 v12, v11;
	v10 =	vadd.f32 v15, v10  }
0x304: {  	v12 =	vmul.f32 v17, v17;
	v15 =	vld [tilespmem:s31+$0x30F0];
	v17 =	vmul.f32 v6, v6;
	v7 =	vadd.f32 v16, v7  }
0x305: {  	v20 =	vmul.f32 v20, v20;
	v30 =	vmul.f32 v22, v22;
	v16 =	vld [tilespmem:s31+$0x3070];
	v9 =	vadd.f32 v9, v13  }
0x306: {  	v31 =	vmul.f32 v23, v23;
	v13 =	vadd.f32 v8, v10;
	v8 =	vadd.f32 v17, v7;
	v17 =	vld [tilespmem:s31+$0xF0]  }
0x307: {  	v23 =	vmul.f32 v25, v25;
	v6 =	vadd.f32 v12, v11;
	v10 =	vmax.f32 v26, v9  }
0x308: {  	v7 =	vmin.f32 v26, v9;
	v24 =	vmax.f32 v26, v10;
	v10 =	vmin.f32 v26, v10  }
0x309: {  	v11 =	vmax.f32 v7, v13;
	v9 =	vsub.f32 v5, v14;
	v14 =	vsub.f32 v3, v19;
	v19 =	vld [tilespmem:s31+$0x70]  }
0x30a: {  	v12 =	vmin.f32 v7, v13;
	v15 =	vsub.f32 v5, v15;
	v16 =	vsub.f32 v5, v16  }
0x30b: {  	v13 =	vmin.f32 v12, v6;
	v27 =	vmul.f32 v14, v14;
	v21 =	vsub.f32 v3, v17  }
0x30c: {  	v7 =	vmin.f32 v13, v8;
	v14 =	vmul.f32 v15, v15;
	v16 =	vmul.f32 v16, v16  }
0x30d: {  	v17 =	vmax.f32 v10, v11;
	v15 =	vmul.f32 v18, v18;
	v21 =	vmul.f32 v21, v21  }
0x30e: {  	v18 =	vadd.f32 v20, v27;
	v27 =	vmax.f32 v26, v24;
	v29 =	vsub.f32 v3, v19  }
0x30f: {  	v20 =	vadd.f32 v31, v30;
	v19 =	vmin.f32 v26, v24;
	v24 =	vmul.f32 v28, v28  }
0x310: {  	s20 =	sor.u32 $0x70, s20;
	s21 =	simm.s32 $0x1000;
	v26 =	vmin.f32 v26, v27;
	v25 =	vmax.f32 v19, v17;
	v22 =	vmul.f32 v29, v29  }
.LBB2_47:
0x311: {  	s22 =	sshra.s32 s21, $0x2;
	p0 =	sne.s32 s21, $0x5800;
	s21 =	sadd.s32 $0x800, s21;
	v21 =	vadd.f32 v23, v21;
	v23 =	vmin.f32 v26, v25;
	v8 =	vmax.f32 v13, v8  }
0x312: {  	v10 =	vmin.f32 v10, v11;
	v6 =	vmax.f32 v12, v6;
	v13 =	vld [tilespmem:s22+$0x31F0];
	v22 =	vadd.f32 v24, v22  }
0x313: {  	v17 =	vmin.f32 v19, v17;
	v19 =	vmax.f32 v10, v6;
	v6 =	vmin.f32 v10, v6;
	v24 =	vld [tilespmem:s22+$0x1F0]  }
0x314: {  	v9 =	vmul.f32 v9, v9;
	v11 =	vmin.f32 v6, v8;
	v25 =	vld [tilespmem:s22+$0x3170];
	v10 =	vadd.f32 v16, v22  }
0x315: {  	v12 =	vadd.f32 v14, v21;
	v21 =	vmin.f32 v17, v19;
	v22 =	vmax.f32 v6, v8;
	v16 =	vld [tilespmem:s22+$0x30F0]  }
0x316: {  	v6 =	vadd.f32 v9, v20;
	v8 =	vadd.f32 v15, v18;
	v14 =	vld [tilespmem:s22+$0x3070];
	v26 =	vmax.f32 v7, v10  }
0x317: {  	v7 =	vmin.f32 v7, v10;
	v15 =	vld [tilespmem:s22+$0x19F0];
	v18 =	vsub.f32 v5, v13;
	v20 =	vmax.f32 v11, v26  }
0x318: {  	v10 =	vmin.f32 v11, v26;
	v11 =	vmax.f32 v7, v12;
	v12 =	vmin.f32 v7, v12;
	v27 =	vld [tilespmem:s22+$0xF0]  }
0x319: {  	v17 =	vmax.f32 v17, v19;
	v13 =	vmin.f32 v12, v6;
	v26 =	vld [tilespmem:s22+$0x170];
	v9 =	vsub.f32 v5, v25  }
0x31a: {  	v17 =	vmin.f32 v23, v17;
	v24 =	vsub.f32 v3, v24;
	v7 =	vmin.f32 v13, v8;
	v19 =	vld [tilespmem:s22+$0x1970]  }
0x31b: {  	v23 =	vld [tilespmem:s22+$0x70];
	v25 =	vsub.f32 v5, v14;
	v14 =	vsub.f32 v5, v16;
	v16 =	vmax.f32 v21, v22  }
0x31c: {  	v24 =	vmul.f32 v24, v24;
	v28 =	vld [tilespmem:s22+$0x18F0];
	v15 =	vsub.f32 v4, v15;
	v29 =	vmin.f32 v17, v16  }
0x31d: {  	v17 =	vmax.f32 v10, v11;
	v30 =	vld [tilespmem:s22+$0x1870];
	v27 =	vsub.f32 v3, v27;
	v14 =	vmul.f32 v14, v14  }
0x31e: {  	v31 =	vmin.f32 v21, v22;
	v16 =	vmul.f32 v25, v25;
	v25 =	vmul.f32 v15, v15  }
0x31f: {  	v22 =	vsub.f32 v3, v26;
	v21 =	vmul.f32 v27, v27;
	v26 =	vsub.f32 v4, v19  }
.Ltmp22:
0x320: {  	v15 =	vmul.f32 v18, v18;
	v19 =	vmin.f32 v31, v20;
	v23 =	vsub.f32 v3, v23;
	(pc) =	sbr.rel @p0 .LBB2_47-.Ltmp22, $4  }
0x321: {  	v27 =	vsub.f32 v4, v28;
	v28 =	vmul.f32 v22, v22;
	v26 =	vmul.f32 v26, v26  }
0x322: {  	v18 =	vadd.f32 v25, v24;
	v30 =	vsub.f32 v4, v30;
	v22 =	vmul.f32 v23, v23  }
0x323: {  	v25 =	vmax.f32 v19, v17;
	v23 =	vmul.f32 v27, v27;
	v27 =	vmax.f32 v31, v20  }
0x324: {  	v20 =	vadd.f32 v26, v28;
	v24 =	vmul.f32 v30, v30;
	v26 =	vmin.f32 v29, v27  }
0x325: {  	v3 =	vadd.f32 v23, v21;
	v4 =	vmin.f32 v26, v25;
	v5 =	vmax.f32 v13, v8  }
0x326: {  	v10 =	vmin.f32 v10, v11;
	v6 =	vmax.f32 v12, v6;
	v43 =	vmin.f32 v19, v17  }
0x327: {  	v9 =	vmul.f32 v9, v9;
	v12 =	vmax.f32 v10, v6;
	v6 =	vmin.f32 v10, v6  }
0x328: {  	v46 =	vadd.f32 v15, v18;
	v42 =	vadd.f32 v24, v22;
	v10 =	vmin.f32 v6, v5  }
0x329: {  	v3 =	vadd.f32 v14, v3;
	v44 =	vmin.f32 v43, v12;
	v5 =	vmax.f32 v6, v5  }
0x32a: {  	v9 =	vadd.f32 v9, v20;
	v50 =	vmax.f32 v43, v12;
	v8 =	vadd.f32 v16, v42  }
0x32b: {  	v4 =	vmin.f32 v4, v50;
	v52 =	vmin.f32 v44, v5;
	v5 =	vmax.f32 v44, v5  }
0x32c: {  	v4 =	vmin.f32 v4, v5;
	v45 =	vmax.f32 v7, v8;
	v47 =	vmin.f32 v7, v8  }
0x32d: {  	v6 =	vmin.f32 v10, v45;
	v49 =	vmax.f32 v47, v3;
	v3 =	vmin.f32 v47, v3  }
0x32e: {  	v48 =	vmax.f32 v10, v45;
	v51 =	vmin.f32 v3, v9;
	v53 =	vmax.f32 v6, v49  }
0x32f: {  	v54 =	vmin.f32 v52, v48;
	v55 =	vmax.f32 v52, v48;
	v57 =	vmin.f32 v6, v49  }
0x330: {  	s19 =	sadd.s32 $0x1, s19;
	v3 =	vmax.f32 v3, v9;
	v56 =	vmax.f32 v54, v53;
	v4 =	vmin.f32 v4, v55  }
0x331: {  	p0 =	sne.s32 s19, $0x30;
	v58 =	vmax.f32 v51, v46;
	v59 =	vmin.f32 v57, v3;
	v60 =	vmin.f32 v54, v53  }
.Ltmp23:
0x332: {  	v3 =	vmax.f32 v57, v3;
	v4 =	vmin.f32 v4, v56;
	v61 =	vmin.f32 v59, v58;
	(pc) =	sbr.rel @p0 .LBB2_46-.Ltmp23, $4  }
0x333: {  	v62 =	vmin.f32 v60, v3;
	v6 =	vmax.f32 v59, v58;
	v3 =	vmax.f32 v60, v3  }
0x334: {  	v3 =	vmin.f32 v4, v3;
	v63 =	vmax.f32 v62, v6;
	v6 =	vmin.f32 v62, v6;
	[tilespmem:s20+$0x6000] =	vst v61  }
0x335: {  	v3 =	vmin.f32 v3, v63;
	[tilespmem:s20+$0x7800] =	vst v6  }
0x336: {  	[tilespmem:s20+$0x9000] =	vst v3  }
0x337: {  	[hbm4b:s6+s2] =	stream.linear.scatter [tilespmem:s14], [sflag:$0x1], $0x1800, $0x38;
	[tilespmem:$0xA800] =	vst v63  }
0x338: {  	_ =	swait.ge [sflag:s11], $0x1800  }
0x339: {  	[sflag:s11] =	ssyncset.done $0x0  }
0x33a: {  	[sflag:s11] =	ssyncadd.s32 $0xFFFFE800  }
0x33b: {  	[hbm4b:s7+s2] =	stream.linear.scatter [tilespmem:s15], [sflag:$0x1], $0x1800, $0x38;
	[tilespmem:$0xA800] =	vst v63  }
0x33c: {  	_ =	swait.ge [sflag:s11], $0x1800  }
0x33d: {  	[sflag:s11] =	ssyncset.done $0x0  }
0x33e: {  	[sflag:s11] =	ssyncadd.s32 $0xFFFFE800  }
0x33f: {  	[hbm4b:s8+s2] =	stream.linear.scatter [tilespmem:s16], [sflag:$0x1], $0x1800, $0x38;
	[tilespmem:$0xA800] =	vst v63  }
0x340: {  	s18 =	sadd.s32 $0x1, s18;
	_ =	swait.ge [sflag:s11], $0x1800  }
0x341: {  	p0 =	sne.s32 s18, s10;
	[sflag:s11] =	ssyncset.done $0x0  }
.Ltmp24:
0x342: {  	[sflag:s11] =	ssyncadd.s32 $0xFFFFE800;
	(pc) =	sbr.rel @p0 .LBB2_1-.Ltmp24, $4  }
0x343: {  	[hbm4b:s9+s2] =	stream.linear.scatter [tilespmem:s17], [sflag:$0x1], $0x1800, $0x38;
	[tilespmem:$0xA800] =	vst v63  }
0x344: {  	_ =	swait.ge [sflag:s11], $0x1800  }
0x345: {  	[sflag:s11] =	ssyncset.done $0x0  }
0x346: {  	[sflag:s11] =	ssyncadd.s32 $0xFFFFE800  }
0x347: {  	_ =	sfence.sel $0x180000  }
0x348: {  	[bflag:$0x0] =	sbarrier.arrive $0xFFFF  }
0x349: {  	p0 =	sne.s32 s0, $0x0;
	_ =	strace $0x90000047  }
0x34a: {  	s0 =	sadd.s32 @!p0 $0x100000, s1;
	[bflag:$0x2] =	sbarrier.arrive $0xFFFF  }
0x34b: {  	[sflag:s0] =	ssyncadd.tile.s32 @!p0 $0x1;
	_ =	shalt  }
.Lfunc_end2:
_tile_overlayer_lowered:
.L_overlay_start_2:
0x34c: {  	(tag) =	ssettag $0x2  }
0x34d: {  	s0 =	rddreg [dreg:$0x0];
	s2 =	stileid.u32  }
0x34e: {  	s1 =	rddreg [dreg:$0x1];
	p0 =	sne.s32 s2, $0x0  }
0x34f: {  	s3 =	rddreg [dreg:$0x2];
	[bflag:$0x3] =	sbarrier.arrive $0xFFFF;
	s2 =	simm.s32 @!p0 $0x1C01  }
0x350: {  	[timem:s3], [sflag:s2] =	dma.local @!p0 [hbm:s0], s1  }
0x351: {  	s0 =	simm.s32 @!p0 $0x1  }
0x352: {  	_ =	swait.ge @!p0 [sflag:s0], s1  }
0x353: {  	s1 =	ssub.s32 @!p0 $0x0, s1;
	[sflag:s0] =	ssyncset.done @!p0 $0x0  }
0x354: {  	[sflag:s0] =	ssyncadd.s32 @!p0 s1  }
0x355: {  	[bflag:$0x3] =	sbarrier.arrive $0xFFFF  }
0x356: {  	_ =	shalt  }

</sc_bundles>
